<compile_context>
chip_gen: v7x
topology: tpu7x:2x2x1
jax: 0.10.2.dev20260603
libtpu: 0.0.44.dev20260713+nightly
codegen_flags: <defaults>
</compile_context>

<pallas_src>
import functools

import jax
import jax.numpy as jnp
from jax import lax
from jax.experimental import pallas as pl
from jax.experimental.pallas import tpu as pltpu
from jax.experimental.pallas import tpu_sc as plsc

K = 8192
D = 64
B, H, W = 64, 32, 32
N = B * H * W
PER_BATCH = H * W


def _table_body(cb_ref, w_ref, b_ref, out_ref):
    t = lax.dot_general(
        w_ref[...], cb_ref[...],
        dimension_numbers=(((0,), (1,)), ((), ())),
        preferred_element_type=jnp.float32,
    )
    ch = lax.broadcasted_iota(jnp.int32, (2, K), 0)
    bias = jnp.where(ch == 0, b_ref[0], b_ref[1])
    out_ref[...] = jax.nn.sigmoid(t + bias)


def _make_table(codebook, lin_w, lin_b):
    return pl.pallas_call(
        _table_body,
        out_shape=jax.ShapeDtypeStruct((2, K), jnp.float32),
        in_specs=[
            pl.BlockSpec(memory_space=pltpu.VMEM),
            pl.BlockSpec(memory_space=pltpu.VMEM),
            pl.BlockSpec(memory_space=pltpu.SMEM),
        ],
        out_specs=pl.BlockSpec(memory_space=pltpu.VMEM),
    )(codebook, lin_w, lin_b)


try:
    _sc_info = plsc.get_sparse_core_info()
    _NC = _sc_info.num_cores
    _NS = _sc_info.num_subcores
except Exception:
    _NC, _NS = 2, 16
_NW = _NC * _NS
_PER_W = N // _NW
_BATCH_PER_W = _PER_W // PER_BATCH


@functools.cache
def _build_sc_gather():
    decorate = functools.partial(
        pl.kernel,
        out_type=(
            jax.ShapeDtypeStruct((N,), jnp.float32),
            jax.ShapeDtypeStruct((N,), jnp.float32),
            jax.ShapeDtypeStruct((B,), jnp.float32),
            jax.ShapeDtypeStruct((B,), jnp.float32),
        ),
        mesh=plsc.VectorSubcoreMesh(
            core_axis_name="c", subcore_axis_name="s",
            num_cores=_NC, num_subcores=_NS),
        compiler_params=pltpu.CompilerParams(
            use_tc_tiling_on_sc=False, needs_layout_passes=False),
        scratch_types=[
            pltpu.VMEM((K,), jnp.float32),
            pltpu.VMEM((K,), jnp.float32),
            pltpu.VMEM((_PER_W,), jnp.int32),
            pltpu.VMEM((_PER_W,), jnp.float32),
            pltpu.VMEM((_PER_W,), jnp.float32),
            pltpu.VMEM((16,), jnp.float32),
            pltpu.VMEM((16, 16), jnp.float32),
            pltpu.VMEM((32,), jnp.float32),
            pltpu.VMEM((32,), jnp.float32),
            pltpu.VMEM_SHARED((16, 16), jnp.float32),
            pltpu.SemaphoreType.DMA,
            pltpu.SemaphoreType.DMA,
            pltpu.SemaphoreType.DMA,
        ],
    )
    return decorate(_sc_gather_body)


def _sc_gather_body(table_hbm, z_hbm, endo_hbm, nuc_hbm, alea_hbm, epis_hbm,
               t0_v, t1_v, idx_v, e_v, n_v, m_v, coll_v, av_v, ev_v,
               m_shared, sem0, sem1, sem2):
    cid = lax.axis_index("c")
    sid = lax.axis_index("s")
    wid = cid * _NS + sid
    base = wid * _PER_W
    cp_idx = pltpu.async_copy(z_hbm.at[pl.ds(base, _PER_W)], idx_v, sem0)
    cp_t0 = pltpu.async_copy(table_hbm.at[0], t0_v, sem1)
    cp_t1 = pltpu.async_copy(table_hbm.at[1], t1_v, sem2)
    cp_idx.wait()
    cp_t0.wait()
    cp_t1.wait()

    zero = jnp.zeros((16,), jnp.float32)
    lane = lax.iota(jnp.int32, 16)
    m_row = zero
    _ILP = 4
    for b in range(_BATCH_PER_W):
        acc_e = [zero] * _ILP
        acc_n = [zero] * _ILP
        for i in range(PER_BATCH // 16):
            off = b * PER_BATCH + i * 16
            idx = idx_v[pl.ds(off, 16)]
            e = plsc.load_gather(t0_v, [idx])
            n = plsc.load_gather(t1_v, [idx])
            e_v[pl.ds(off, 16)] = e
            n_v[pl.ds(off, 16)] = n
            acc_e[i % _ILP] = acc_e[i % _ILP] + e
            acc_n[i % _ILP] = acc_n[i % _ILP] + n
        mean_e = jnp.sum(sum(acc_e[1:], acc_e[0])) * (1.0 / PER_BATCH)
        mean_n = jnp.sum(sum(acc_n[1:], acc_n[0])) * (1.0 / PER_BATCH)
        m_row = m_row + jnp.where(lane == b, mean_e, 0.0)
        m_row = m_row + jnp.where(lane == _BATCH_PER_W + b, mean_n, 0.0)

    m_v[...] = m_row
    cp_e = pltpu.async_copy(e_v, endo_hbm.at[pl.ds(base, _PER_W)], sem0)
    cp_n = pltpu.async_copy(n_v, nuc_hbm.at[pl.ds(base, _PER_W)], sem1)
    pltpu.sync_copy(m_v, m_shared.at[sid])
    plsc.subcore_barrier()
    @pl.when(sid == 0)
    def _collect():
        pltpu.sync_copy(m_shared, coll_v)
        for g in range(2):
            jj = lane + 16 * g
            row = jj // 2
            col = jj % 2
            av = plsc.load_gather(coll_v, [row, col])
            ev = plsc.load_gather(coll_v, [row, col + 2])
            av_v[pl.ds(16 * g, 16)] = av
            ev_v[pl.ds(16 * g, 16)] = ev
        pltpu.sync_copy(av_v, alea_hbm.at[pl.ds(32 * cid, 32)])
        pltpu.sync_copy(ev_v, epis_hbm.at[pl.ds(32 * cid, 32)])

    cp_e.wait()
    cp_n.wait()


def kernel(z, codebook, lin_w, lin_b):
    table = _make_table(codebook, lin_w.astype(jnp.float32),
                        lin_b.astype(jnp.float32))
    z_flat = z.reshape(-1).astype(jnp.int32)
    e_flat, n_flat, alea, epis = _build_sc_gather()(table, z_flat)
    endosome = e_flat.reshape(B, 1, H, W)
    nuclear = n_flat.reshape(B, 1, H, W)
    return (endosome, nuclear, alea.reshape(B, 1), epis.reshape(B, 1))

# --- scband reference (transcript-rebuilt; emitter-appended) ---
"""Pipeline reference for scband-decoder-explainer-25520695673339 (READ-ONLY COPY).

The authoritative reference and input builder live on the scoring server;
editing this copy changes nothing except your own understanding.
"""

import jax, jax.numpy as jnp
import numpy as np

K = 8192
D = 64
B, H, W = 64, 32, 32

def setup_inputs(seed: int = 0) -> dict:
    key = jax.random.key(seed)
    k1, k2, k3, k4 = jax.random.split(key, 4)
    z = jax.random.randint(k1, (B, H, W), 0, K, dtype=jnp.int64)
    codebook = jax.random.normal(k2, (K, D), dtype=jnp.float32)
    lin_w = jax.random.normal(k3, (D, 2), dtype=jnp.float32) * (1.0 / np.sqrt(D))
    lin_b = jax.random.normal(k4, (2,), dtype=jnp.float32) * 0.01
    return {"z": z, "codebook": codebook, "lin_w": lin_w, "lin_b": lin_b}

def reference(z, codebook, lin_w, lin_b):
    b, h, w = z.shape
    d = codebook.shape[1]
    # embedding lookup: cb.embed(z.view(B,-1)).view(B,H,W,d)
    vecs = jnp.take(codebook, z.reshape(b, -1), axis=0).reshape(b, h, w, d)
    # linear to 2 channels, then permute to NCHW
    logits = (vecs @ lin_w + lin_b).transpose(0, 3, 1, 2)
    endosome = jax.nn.sigmoid(logits[:, :1])
    nuclear = jax.nn.sigmoid(logits[:, 1:2])
    alea = endosome.mean(axis=(2, 3))
    epis = nuclear.mean(axis=(2, 3))
    return (endosome, nuclear, alea, epis)

if __name__ == "__main__":
    import jax
    _d = setup_inputs()
    print(jax.jit(kernel)(*tuple(_d.values())))

</pallas_src>

<mosaic_0001>
#map = affine_map<(d0, d1) -> (0, 0)>
#map1 = affine_map<(d0, d1) -> (0)>
module attributes {stable_mosaic.version = 14 : i64} {
  func.func @_sc_gather_body(%arg0: i32, %arg1: i32, %arg2: memref<2x8192xf32, #tpu.memory_space<hbm>>, %arg3: memref<65536xi32, #tpu.memory_space<hbm>>, %arg4: memref<65536xf32, #tpu.memory_space<hbm>>, %arg5: memref<65536xf32, #tpu.memory_space<hbm>>, %arg6: memref<64xf32, #tpu.memory_space<hbm>>, %arg7: memref<64xf32, #tpu.memory_space<hbm>>, %arg8: memref<8192xf32, #tpu.memory_space<vmem>>, %arg9: memref<8192xf32, #tpu.memory_space<vmem>>, %arg10: memref<2048xi32, #tpu.memory_space<vmem>>, %arg11: memref<2048xf32, #tpu.memory_space<vmem>>, %arg12: memref<2048xf32, #tpu.memory_space<vmem>>, %arg13: memref<16xf32, #tpu.memory_space<vmem>>, %arg14: memref<16x16xf32, #tpu.memory_space<vmem>>, %arg15: memref<32xf32, #tpu.memory_space<vmem>>, %arg16: memref<32xf32, #tpu.memory_space<vmem>>, %arg17: memref<16x16xf32, #tpu.memory_space<vmem_shared>>, %arg18: memref<!tpu.dma_semaphore, #tpu.memory_space<semaphore_mem>>, %arg19: memref<!tpu.dma_semaphore, #tpu.memory_space<semaphore_mem>>, %arg20: memref<!tpu.dma_semaphore, #tpu.memory_space<semaphore_mem>>) attributes {dimension_semantics = [#tpu.dimension_semantics<core_parallel>, #tpu.dimension_semantics<subcore_parallel>], iteration_bounds = array<i64: 2, 16>, scalar_prefetch = 0 : i64, scratch_operands = 13 : i64, tpu.core_type = #tpu.core_type<sc_vector_subcore>, window_params = [{transform_indices = #map}, {transform_indices = #map1}, {transform_indices = #map1}, {transform_indices = #map1}, {transform_indices = #map1}, {transform_indices = #map1}]} {
    %mul3A = arith.constant 16 : i32
    %mul3A_0 = arith.muli %arg0, %mul3A : i32
    %add3A = arith.addi %mul3A_0, %arg1 : i32
    %mul3A_1 = arith.constant 2048 : i32
    %mul3A_2 = arith.muli %add3A, %mul3A_1 : i32
    %dma_start3A = tpu.memref_slice %arg3[%mul3A_2] : memref<65536xi32, #tpu.memory_space<hbm>> -> memref<2048xi32, #tpu.memory_space<hbm>>
    %dma_start3A_3 = tpu.memref_slice %arg3[%mul3A_2] : memref<65536xi32, #tpu.memory_space<hbm>> -> memref<2048xi32, #tpu.memory_space<hbm>>
    tpu.enqueue_dma source(%dma_start3A_3 : memref<2048xi32, #tpu.memory_space<hbm>>) target(%arg10 : memref<2048xi32, #tpu.memory_space<vmem>>) target_semaphore(%arg18 : memref<!tpu.dma_semaphore, #tpu.memory_space<semaphore_mem>>)
    %dma_start3A_4 = arith.constant 0 : i32
    %dma_start3A_5 = arith.constant 0 : i32
    %dma_start3A_6 = tpu.memref_slice %arg2[%dma_start3A_4, %dma_start3A_5] : memref<2x8192xf32, #tpu.memory_space<hbm>> -> memref<1x8192xf32, #tpu.memory_space<hbm>>
    %dma_start3A_7 = tpu.memref_squeeze %dma_start3A_6 : memref<1x8192xf32, #tpu.memory_space<hbm>> -> memref<8192xf32, #tpu.memory_space<hbm>>
    %dma_start3A_8 = arith.constant 0 : i32
    %dma_start3A_9 = tpu.memref_slice %arg2[%dma_start3A_4, %dma_start3A_8] : memref<2x8192xf32, #tpu.memory_space<hbm>> -> memref<1x8192xf32, #tpu.memory_space<hbm>>
    %dma_start3A_10 = tpu.memref_squeeze %dma_start3A_9 : memref<1x8192xf32, #tpu.memory_space<hbm>> -> memref<8192xf32, #tpu.memory_space<hbm>>
    tpu.enqueue_dma source(%dma_start3A_10 : memref<8192xf32, #tpu.memory_space<hbm>>) target(%arg8 : memref<8192xf32, #tpu.memory_space<vmem>>) target_semaphore(%arg19 : memref<!tpu.dma_semaphore, #tpu.memory_space<semaphore_mem>>)
    %dma_start3A_11 = arith.constant 1 : i32
    %dma_start3A_12 = arith.constant 0 : i32
    %dma_start3A_13 = tpu.memref_slice %arg2[%dma_start3A_11, %dma_start3A_12] : memref<2x8192xf32, #tpu.memory_space<hbm>> -> memref<1x8192xf32, #tpu.memory_space<hbm>>
    %dma_start3A_14 = tpu.memref_squeeze %dma_start3A_13 : memref<1x8192xf32, #tpu.memory_space<hbm>> -> memref<8192xf32, #tpu.memory_space<hbm>>
    %dma_start3A_15 = arith.constant 0 : i32
    %dma_start3A_16 = tpu.memref_slice %arg2[%dma_start3A_11, %dma_start3A_15] : memref<2x8192xf32, #tpu.memory_space<hbm>> -> memref<1x8192xf32, #tpu.memory_space<hbm>>
    %dma_start3A_17 = tpu.memref_squeeze %dma_start3A_16 : memref<1x8192xf32, #tpu.memory_space<hbm>> -> memref<8192xf32, #tpu.memory_space<hbm>>
    tpu.enqueue_dma source(%dma_start3A_17 : memref<8192xf32, #tpu.memory_space<hbm>>) target(%arg9 : memref<8192xf32, #tpu.memory_space<vmem>>) target_semaphore(%arg20 : memref<!tpu.dma_semaphore, #tpu.memory_space<semaphore_mem>>)
    %dma_wait3A = tpu.memref_slice %arg3[%mul3A_2] : memref<65536xi32, #tpu.memory_space<hbm>> -> memref<2048xi32, #tpu.memory_space<hbm>>
    %dma_wait3A_18 = tpu.memref_slice %arg3[%mul3A_2] : memref<65536xi32, #tpu.memory_space<hbm>> -> memref<2048xi32, #tpu.memory_space<hbm>>
    tpu.wait_dma2 semaphore(%arg18 : memref<!tpu.dma_semaphore, #tpu.memory_space<semaphore_mem>>) src(%dma_wait3A_18 : memref<2048xi32, #tpu.memory_space<hbm>>) dst(%arg10 : memref<2048xi32, #tpu.memory_space<vmem>>)
    %dma_wait3A_19 = arith.constant 0 : i32
    %dma_wait3A_20 = arith.constant 0 : i32
    %dma_wait3A_21 = tpu.memref_slice %arg2[%dma_wait3A_19, %dma_wait3A_20] : memref<2x8192xf32, #tpu.memory_space<hbm>> -> memref<1x8192xf32, #tpu.memory_space<hbm>>
    %dma_wait3A_22 = tpu.memref_squeeze %dma_wait3A_21 : memref<1x8192xf32, #tpu.memory_space<hbm>> -> memref<8192xf32, #tpu.memory_space<hbm>>
    %dma_wait3A_23 = arith.constant 0 : i32
    %dma_wait3A_24 = tpu.memref_slice %arg2[%dma_wait3A_19, %dma_wait3A_23] : memref<2x8192xf32, #tpu.memory_space<hbm>> -> memref<1x8192xf32, #tpu.memory_space<hbm>>
    %dma_wait3A_25 = tpu.memref_squeeze %dma_wait3A_24 : memref<1x8192xf32, #tpu.memory_space<hbm>> -> memref<8192xf32, #tpu.memory_space<hbm>>
    tpu.wait_dma2 semaphore(%arg19 : memref<!tpu.dma_semaphore, #tpu.memory_space<semaphore_mem>>) src(%dma_wait3A_25 : memref<8192xf32, #tpu.memory_space<hbm>>) dst(%arg8 : memref<8192xf32, #tpu.memory_space<vmem>>)
    %dma_wait3A_26 = arith.constant 1 : i32
    %dma_wait3A_27 = arith.constant 0 : i32
    %dma_wait3A_28 = tpu.memref_slice %arg2[%dma_wait3A_26, %dma_wait3A_27] : memref<2x8192xf32, #tpu.memory_space<hbm>> -> memref<1x8192xf32, #tpu.memory_space<hbm>>
    %dma_wait3A_29 = tpu.memref_squeeze %dma_wait3A_28 : memref<1x8192xf32, #tpu.memory_space<hbm>> -> memref<8192xf32, #tpu.memory_space<hbm>>
    %dma_wait3A_30 = arith.constant 0 : i32
    %dma_wait3A_31 = tpu.memref_slice %arg2[%dma_wait3A_26, %dma_wait3A_30] : memref<2x8192xf32, #tpu.memory_space<hbm>> -> memref<1x8192xf32, #tpu.memory_space<hbm>>
    %dma_wait3A_32 = tpu.memref_squeeze %dma_wait3A_31 : memref<1x8192xf32, #tpu.memory_space<hbm>> -> memref<8192xf32, #tpu.memory_space<hbm>>
    tpu.wait_dma2 semaphore(%arg20 : memref<!tpu.dma_semaphore, #tpu.memory_space<semaphore_mem>>) src(%dma_wait3A_32 : memref<8192xf32, #tpu.memory_space<hbm>>) dst(%arg9 : memref<8192xf32, #tpu.memory_space<vmem>>)
    %broadcast_in_dim3A = arith.constant 0.000000e+00 : f32
    %broadcast_in_dim3A_33 = vector.broadcast %broadcast_in_dim3A : f32 to vector<16xf32>
    %iota3A = tpu.iota {dimensions = array<i32: 0>} : vector<16xi32>
    %get3A = arith.constant 0 : index
    %get3A_34 = tpu.vector_load %arg10[%get3A] {strides = array<i32>} : memref<2048xi32, #tpu.memory_space<vmem>>, vector<16xi32>,
    %gather3A = tpu.vector_load_idx %arg8[%get3A_34] : memref<8192xf32, #tpu.memory_space<vmem>>[vector<16xi32>], vector<16xf32>,
    %gather3A_35 = tpu.vector_load_idx %arg9[%get3A_34] : memref<8192xf32, #tpu.memory_space<vmem>>[vector<16xi32>], vector<16xf32>,
    %swap3A = arith.constant 0 : index
    %swap3A_36 = tpu.vector_load %arg11[%swap3A] {strides = array<i32>} : memref<2048xf32, #tpu.memory_space<vmem>>, vector<16xf32>,
    tpu.vector_store %arg11[%swap3A], %gather3A {strides = array<i32>} : memref<2048xf32, #tpu.memory_space<vmem>>, vector<16xf32>,
    %swap3A_37 = arith.constant 0 : index
    %swap3A_38 = tpu.vector_load %arg12[%swap3A_37] {strides = array<i32>} : memref<2048xf32, #tpu.memory_space<vmem>>, vector<16xf32>,
    tpu.vector_store %arg12[%swap3A_37], %gather3A_35 {strides = array<i32>} : memref<2048xf32, #tpu.memory_space<vmem>>, vector<16xf32>,
    %add3A_39 = arith.addf %broadcast_in_dim3A_33, %gather3A : vector<16xf32>
    %add3A_40 = arith.addf %broadcast_in_dim3A_33, %gather3A_35 : vector<16xf32>
    %get3A_41 = arith.constant 16 : index
    %get3A_42 = tpu.vector_load %arg10[%get3A_41] {strides = array<i32>} : memref<2048xi32, #tpu.memory_space<vmem>>, vector<16xi32>,
    %gather3A_43 = tpu.vector_load_idx %arg8[%get3A_42] : memref<8192xf32, #tpu.memory_space<vmem>>[vector<16xi32>], vector<16xf32>,
    %gather3A_44 = tpu.vector_load_idx %arg9[%get3A_42] : memref<8192xf32, #tpu.memory_space<vmem>>[vector<16xi32>], vector<16xf32>,
    %swap3A_45 = arith.constant 16 : index
    %swap3A_46 = tpu.vector_load %arg11[%swap3A_45] {strides = array<i32>} : memref<2048xf32, #tpu.memory_space<vmem>>, vector<16xf32>,
    tpu.vector_store %arg11[%swap3A_45], %gather3A_43 {strides = array<i32>} : memref<2048xf32, #tpu.memory_space<vmem>>, vector<16xf32>,
    %swap3A_47 = arith.constant 16 : index
    %swap3A_48 = tpu.vector_load %arg12[%swap3A_47] {strides = array<i32>} : memref<2048xf32, #tpu.memory_space<vmem>>, vector<16xf32>,
    tpu.vector_store %arg12[%swap3A_47], %gather3A_44 {strides = array<i32>} : memref<2048xf32, #tpu.memory_space<vmem>>, vector<16xf32>,
    %add3A_49 = arith.addf %broadcast_in_dim3A_33, %gather3A_43 : vector<16xf32>
    %add3A_50 = arith.addf %broadcast_in_dim3A_33, %gather3A_44 : vector<16xf32>
    %get3A_51 = arith.constant 32 : index
    %get3A_52 = tpu.vector_load %arg10[%get3A_51] {strides = array<i32>} : memref<2048xi32, #tpu.memory_space<vmem>>, vector<16xi32>,
    %gather3A_53 = tpu.vector_load_idx %arg8[%get3A_52] : memref<8192xf32, #tpu.memory_space<vmem>>[vector<16xi32>], vector<16xf32>,
    %gather3A_54 = tpu.vector_load_idx %arg9[%get3A_52] : memref<8192xf32, #tpu.memory_space<vmem>>[vector<16xi32>], vector<16xf32>,
    %swap3A_55 = arith.constant 32 : index
    %swap3A_56 = tpu.vector_load %arg11[%swap3A_55] {strides = array<i32>} : memref<2048xf32, #tpu.memory_space<vmem>>, vector<16xf32>,
    tpu.vector_store %arg11[%swap3A_55], %gather3A_53 {strides = array<i32>} : memref<2048xf32, #tpu.memory_space<vmem>>, vector<16xf32>,
    %swap3A_57 = arith.constant 32 : index
    %swap3A_58 = tpu.vector_load %arg12[%swap3A_57] {strides = array<i32>} : memref<2048xf32, #tpu.memory_space<vmem>>, vector<16xf32>,
    tpu.vector_store %arg12[%swap3A_57], %gather3A_54 {strides = array<i32>} : memref<2048xf32, #tpu.memory_space<vmem>>, vector<16xf32>,
    %add3A_59 = arith.addf %broadcast_in_dim3A_33, %gather3A_53 : vector<16xf32>
    %add3A_60 = arith.addf %broadcast_in_dim3A_33, %gather3A_54 : vector<16xf32>
    %get3A_61 = arith.constant 48 : index
    %get3A_62 = tpu.vector_load %arg10[%get3A_61] {strides = array<i32>} : memref<2048xi32, #tpu.memory_space<vmem>>, vector<16xi32>,
    %gather3A_63 = tpu.vector_load_idx %arg8[%get3A_62] : memref<8192xf32, #tpu.memory_space<vmem>>[vector<16xi32>], vector<16xf32>,
    %gather3A_64 = tpu.vector_load_idx %arg9[%get3A_62] : memref<8192xf32, #tpu.memory_space<vmem>>[vector<16xi32>], vector<16xf32>,
    %swap3A_65 = arith.constant 48 : index
    %swap3A_66 = tpu.vector_load %arg11[%swap3A_65] {strides = array<i32>} : memref<2048xf32, #tpu.memory_space<vmem>>, vector<16xf32>,
    tpu.vector_store %arg11[%swap3A_65], %gather3A_63 {strides = array<i32>} : memref<2048xf32, #tpu.memory_space<vmem>>, vector<16xf32>,
    %swap3A_67 = arith.constant 48 : index
    %swap3A_68 = tpu.vector_load %arg12[%swap3A_67] {strides = array<i32>} : memref<2048xf32, #tpu.memory_space<vmem>>, vector<16xf32>,
    tpu.vector_store %arg12[%swap3A_67], %gather3A_64 {strides = array<i32>} : memref<2048xf32, #tpu.memory_space<vmem>>, vector<16xf32>,
    %add3A_69 = arith.addf %broadcast_in_dim3A_33, %gather3A_63 : vector<16xf32>
    %add3A_70 = arith.addf %broadcast_in_dim3A_33, %gather3A_64 : vector<16xf32>
    %get3A_71 = arith.constant 64 : index
    %get3A_72 = tpu.vector_load %arg10[%get3A_71] {strides = array<i32>} : memref<2048xi32, #tpu.memory_space<vmem>>, vector<16xi32>,
    %gather3A_73 = tpu.vector_load_idx %arg8[%get3A_72] : memref<8192xf32, #tpu.memory_space<vmem>>[vector<16xi32>], vector<16xf32>,
    %gather3A_74 = tpu.vector_load_idx %arg9[%get3A_72] : memref<8192xf32, #tpu.memory_space<vmem>>[vector<16xi32>], vector<16xf32>,
    %swap3A_75 = arith.constant 64 : index
    %swap3A_76 = tpu.vector_load %arg11[%swap3A_75] {strides = array<i32>} : memref<2048xf32, #tpu.memory_space<vmem>>, vector<16xf32>,
    tpu.vector_store %arg11[%swap3A_75], %gather3A_73 {strides = array<i32>} : memref<2048xf32, #tpu.memory_space<vmem>>, vector<16xf32>,
    %swap3A_77 = arith.constant 64 : index
    %swap3A_78 = tpu.vector_load %arg12[%swap3A_77] {strides = array<i32>} : memref<2048xf32, #tpu.memory_space<vmem>>, vector<16xf32>,
    tpu.vector_store %arg12[%swap3A_77], %gather3A_74 {strides = array<i32>} : memref<2048xf32, #tpu.memory_space<vmem>>, vector<16xf32>,
    %add3A_79 = arith.addf %add3A_39, %gather3A_73 : vector<16xf32>
    %add3A_80 = arith.addf %add3A_40, %gather3A_74 : vector<16xf32>
    %get3A_81 = arith.constant 80 : index
    %get3A_82 = tpu.vector_load %arg10[%get3A_81] {strides = array<i32>} : memref<2048xi32, #tpu.memory_space<vmem>>, vector<16xi32>,
    %gather3A_83 = tpu.vector_load_idx %arg8[%get3A_82] : memref<8192xf32, #tpu.memory_space<vmem>>[vector<16xi32>], vector<16xf32>,
    %gather3A_84 = tpu.vector_load_idx %arg9[%get3A_82] : memref<8192xf32, #tpu.memory_space<vmem>>[vector<16xi32>], vector<16xf32>,
    %swap3A_85 = arith.constant 80 : index
    %swap3A_86 = tpu.vector_load %arg11[%swap3A_85] {strides = array<i32>} : memref<2048xf32, #tpu.memory_space<vmem>>, vector<16xf32>,
    tpu.vector_store %arg11[%swap3A_85], %gather3A_83 {strides = array<i32>} : memref<2048xf32, #tpu.memory_space<vmem>>, vector<16xf32>,
    %swap3A_87 = arith.constant 80 : index
    %swap3A_88 = tpu.vector_load %arg12[%swap3A_87] {strides = array<i32>} : memref<2048xf32, #tpu.memory_space<vmem>>, vector<16xf32>,
    tpu.vector_store %arg12[%swap3A_87], %gather3A_84 {strides = array<i32>} : memref<2048xf32, #tpu.memory_space<vmem>>, vector<16xf32>,
    %add3A_89 = arith.addf %add3A_49, %gather3A_83 : vector<16xf32>
    %add3A_90 = arith.addf %add3A_50, %gather3A_84 : vector<16xf32>
    %get3A_91 = arith.constant 96 : index
    %get3A_92 = tpu.vector_load %arg10[%get3A_91] {strides = array<i32>} : memref<2048xi32, #tpu.memory_space<vmem>>, vector<16xi32>,
    %gather3A_93 = tpu.vector_load_idx %arg8[%get3A_92] : memref<8192xf32, #tpu.memory_space<vmem>>[vector<16xi32>], vector<16xf32>,
    %gather3A_94 = tpu.vector_load_idx %arg9[%get3A_92] : memref<8192xf32, #tpu.memory_space<vmem>>[vector<16xi32>], vector<16xf32>,
    %swap3A_95 = arith.constant 96 : index
    %swap3A_96 = tpu.vector_load %arg11[%swap3A_95] {strides = array<i32>} : memref<2048xf32, #tpu.memory_space<vmem>>, vector<16xf32>,
    tpu.vector_store %arg11[%swap3A_95], %gather3A_93 {strides = array<i32>} : memref<2048xf32, #tpu.memory_space<vmem>>, vector<16xf32>,
    %swap3A_97 = arith.constant 96 : index
    %swap3A_98 = tpu.vector_load %arg12[%swap3A_97] {strides = array<i32>} : memref<2048xf32, #tpu.memory_space<vmem>>, vector<16xf32>,
    tpu.vector_store %arg12[%swap3A_97], %gather3A_94 {strides = array<i32>} : memref<2048xf32, #tpu.memory_space<vmem>>, vector<16xf32>,
    %add3A_99 = arith.addf %add3A_59, %gather3A_93 : vector<16xf32>
    %add3A_100 = arith.addf %add3A_60, %gather3A_94 : vector<16xf32>
    %get3A_101 = arith.constant 112 : index
    %get3A_102 = tpu.vector_load %arg10[%get3A_101] {strides = array<i32>} : memref<2048xi32, #tpu.memory_space<vmem>>, vector<16xi32>,
    %gather3A_103 = tpu.vector_load_idx %arg8[%get3A_102] : memref<8192xf32, #tpu.memory_space<vmem>>[vector<16xi32>], vector<16xf32>,
    %gather3A_104 = tpu.vector_load_idx %arg9[%get3A_102] : memref<8192xf32, #tpu.memory_space<vmem>>[vector<16xi32>], vector<16xf32>,
    %swap3A_105 = arith.constant 112 : index
    %swap3A_106 = tpu.vector_load %arg11[%swap3A_105] {strides = array<i32>} : memref<2048xf32, #tpu.memory_space<vmem>>, vector<16xf32>,
    tpu.vector_store %arg11[%swap3A_105], %gather3A_103 {strides = array<i32>} : memref<2048xf32, #tpu.memory_space<vmem>>, vector<16xf32>,
    %swap3A_107 = arith.constant 112 : index
    %swap3A_108 = tpu.vector_load %arg12[%swap3A_107] {strides = array<i32>} : memref<2048xf32, #tpu.memory_space<vmem>>, vector<16xf32>,
    tpu.vector_store %arg12[%swap3A_107], %gather3A_104 {strides = array<i32>} : memref<2048xf32, #tpu.memory_space<vmem>>, vector<16xf32>,
    %add3A_109 = arith.addf %add3A_69, %gather3A_103 : vector<16xf32>
    %add3A_110 = arith.addf %add3A_70, %gather3A_104 : vector<16xf32>
    %get3A_111 = arith.constant 128 : index
    %get3A_112 = tpu.vector_load %arg10[%get3A_111] {strides = array<i32>} : memref<2048xi32, #tpu.memory_space<vmem>>, vector<16xi32>,
    %gather3A_113 = tpu.vector_load_idx %arg8[%get3A_112] : memref<8192xf32, #tpu.memory_space<vmem>>[vector<16xi32>], vector<16xf32>,
    %gather3A_114 = tpu.vector_load_idx %arg9[%get3A_112] : memref<8192xf32, #tpu.memory_space<vmem>>[vector<16xi32>], vector<16xf32>,
    %swap3A_115 = arith.constant 128 : index
    %swap3A_116 = tpu.vector_load %arg11[%swap3A_115] {strides = array<i32>} : memref<2048xf32, #tpu.memory_space<vmem>>, vector<16xf32>,
    tpu.vector_store %arg11[%swap3A_115], %gather3A_113 {strides = array<i32>} : memref<2048xf32, #tpu.memory_space<vmem>>, vector<16xf32>,
    %swap3A_117 = arith.constant 128 : index
    %swap3A_118 = tpu.vector_load %arg12[%swap3A_117] {strides = array<i32>} : memref<2048xf32, #tpu.memory_space<vmem>>, vector<16xf32>,
    tpu.vector_store %arg12[%swap3A_117], %gather3A_114 {strides = array<i32>} : memref<2048xf32, #tpu.memory_space<vmem>>, vector<16xf32>,
    %add3A_119 = arith.addf %add3A_79, %gather3A_113 : vector<16xf32>
    %add3A_120 = arith.addf %add3A_80, %gather3A_114 : vector<16xf32>
    %get3A_121 = arith.constant 144 : index
    %get3A_122 = tpu.vector_load %arg10[%get3A_121] {strides = array<i32>} : memref<2048xi32, #tpu.memory_space<vmem>>, vector<16xi32>,
    %gather3A_123 = tpu.vector_load_idx %arg8[%get3A_122] : memref<8192xf32, #tpu.memory_space<vmem>>[vector<16xi32>], vector<16xf32>,
    %gather3A_124 = tpu.vector_load_idx %arg9[%get3A_122] : memref<8192xf32, #tpu.memory_space<vmem>>[vector<16xi32>], vector<16xf32>,
    %swap3A_125 = arith.constant 144 : index
    %swap3A_126 = tpu.vector_load %arg11[%swap3A_125] {strides = array<i32>} : memref<2048xf32, #tpu.memory_space<vmem>>, vector<16xf32>,
    tpu.vector_store %arg11[%swap3A_125], %gather3A_123 {strides = array<i32>} : memref<2048xf32, #tpu.memory_space<vmem>>, vector<16xf32>,
    %swap3A_127 = arith.constant 144 : index
    %swap3A_128 = tpu.vector_load %arg12[%swap3A_127] {strides = array<i32>} : memref<2048xf32, #tpu.memory_space<vmem>>, vector<16xf32>,
    tpu.vector_store %arg12[%swap3A_127], %gather3A_124 {strides = array<i32>} : memref<2048xf32, #tpu.memory_space<vmem>>, vector<16xf32>,
    %add3A_129 = arith.addf %add3A_89, %gather3A_123 : vector<16xf32>
    %add3A_130 = arith.addf %add3A_90, %gather3A_124 : vector<16xf32>
    %get3A_131 = arith.constant 160 : index
    %get3A_132 = tpu.vector_load %arg10[%get3A_131] {strides = array<i32>} : memref<2048xi32, #tpu.memory_space<vmem>>, vector<16xi32>,
    %gather3A_133 = tpu.vector_load_idx %arg8[%get3A_132] : memref<8192xf32, #tpu.memory_space<vmem>>[vector<16xi32>], vector<16xf32>,
    %gather3A_134 = tpu.vector_load_idx %arg9[%get3A_132] : memref<8192xf32, #tpu.memory_space<vmem>>[vector<16xi32>], vector<16xf32>,
    %swap3A_135 = arith.constant 160 : index
    %swap3A_136 = tpu.vector_load %arg11[%swap3A_135] {strides = array<i32>} : memref<2048xf32, #tpu.memory_space<vmem>>, vector<16xf32>,
    tpu.vector_store %arg11[%swap3A_135], %gather3A_133 {strides = array<i32>} : memref<2048xf32, #tpu.memory_space<vmem>>, vector<16xf32>,
    %swap3A_137 = arith.constant 160 : index
    %swap3A_138 = tpu.vector_load %arg12[%swap3A_137] {strides = array<i32>} : memref<2048xf32, #tpu.memory_space<vmem>>, vector<16xf32>,
    tpu.vector_store %arg12[%swap3A_137], %gather3A_134 {strides = array<i32>} : memref<2048xf32, #tpu.memory_space<vmem>>, vector<16xf32>,
    %add3A_139 = arith.addf %add3A_99, %gather3A_133 : vector<16xf32>
    %add3A_140 = arith.addf %add3A_100, %gather3A_134 : vector<16xf32>
    %get3A_141 = arith.constant 176 : index
    %get3A_142 = tpu.vector_load %arg10[%get3A_141] {strides = array<i32>} : memref<2048xi32, #tpu.memory_space<vmem>>, vector<16xi32>,
    %gather3A_143 = tpu.vector_load_idx %arg8[%get3A_142] : memref<8192xf32, #tpu.memory_space<vmem>>[vector<16xi32>], vector<16xf32>,
    %gather3A_144 = tpu.vector_load_idx %arg9[%get3A_142] : memref<8192xf32, #tpu.memory_space<vmem>>[vector<16xi32>], vector<16xf32>,
    %swap3A_145 = arith.constant 176 : index
    %swap3A_146 = tpu.vector_load %arg11[%swap3A_145] {strides = array<i32>} : memref<2048xf32, #tpu.memory_space<vmem>>, vector<16xf32>,
    tpu.vector_store %arg11[%swap3A_145], %gather3A_143 {strides = array<i32>} : memref<2048xf32, #tpu.memory_space<vmem>>, vector<16xf32>,
    %swap3A_147 = arith.constant 176 : index
    %swap3A_148 = tpu.vector_load %arg12[%swap3A_147] {strides = array<i32>} : memref<2048xf32, #tpu.memory_space<vmem>>, vector<16xf32>,
    tpu.vector_store %arg12[%swap3A_147], %gather3A_144 {strides = array<i32>} : memref<2048xf32, #tpu.memory_space<vmem>>, vector<16xf32>,
    %add3A_149 = arith.addf %add3A_109, %gather3A_143 : vector<16xf32>
    %add3A_150 = arith.addf %add3A_110, %gather3A_144 : vector<16xf32>
    %get3A_151 = arith.constant 192 : index
    %get3A_152 = tpu.vector_load %arg10[%get3A_151] {strides = array<i32>} : memref<2048xi32, #tpu.memory_space<vmem>>, vector<16xi32>,
    %gather3A_153 = tpu.vector_load_idx %arg8[%get3A_152] : memref<8192xf32, #tpu.memory_space<vmem>>[vector<16xi32>], vector<16xf32>,
    %gather3A_154 = tpu.vector_load_idx %arg9[%get3A_152] : memref<8192xf32, #tpu.memory_space<vmem>>[vector<16xi32>], vector<16xf32>,
    %swap3A_155 = arith.constant 192 : index
    %swap3A_156 = tpu.vector_load %arg11[%swap3A_155] {strides = array<i32>} : memref<2048xf32, #tpu.memory_space<vmem>>, vector<16xf32>,
    tpu.vector_store %arg11[%swap3A_155], %gather3A_153 {strides = array<i32>} : memref<2048xf32, #tpu.memory_space<vmem>>, vector<16xf32>,
    %swap3A_157 = arith.constant 192 : index
    %swap3A_158 = tpu.vector_load %arg12[%swap3A_157] {strides = array<i32>} : memref<2048xf32, #tpu.memory_space<vmem>>, vector<16xf32>,
    tpu.vector_store %arg12[%swap3A_157], %gather3A_154 {strides = array<i32>} : memref<2048xf32, #tpu.memory_space<vmem>>, vector<16xf32>,
    %add3A_159 = arith.addf %add3A_119, %gather3A_153 : vector<16xf32>
    %add3A_160 = arith.addf %add3A_120, %gather3A_154 : vector<16xf32>
    %get3A_161 = arith.constant 208 : index
    %get3A_162 = tpu.vector_load %arg10[%get3A_161] {strides = array<i32>} : memref<2048xi32, #tpu.memory_space<vmem>>, vector<16xi32>,
    %gather3A_163 = tpu.vector_load_idx %arg8[%get3A_162] : memref<8192xf32, #tpu.memory_space<vmem>>[vector<16xi32>], vector<16xf32>,
    %gather3A_164 = tpu.vector_load_idx %arg9[%get3A_162] : memref<8192xf32, #tpu.memory_space<vmem>>[vector<16xi32>], vector<16xf32>,
    %swap3A_165 = arith.constant 208 : index
    %swap3A_166 = tpu.vector_load %arg11[%swap3A_165] {strides = array<i32>} : memref<2048xf32, #tpu.memory_space<vmem>>, vector<16xf32>,
    tpu.vector_store %arg11[%swap3A_165], %gather3A_163 {strides = array<i32>} : memref<2048xf32, #tpu.memory_space<vmem>>, vector<16xf32>,
    %swap3A_167 = arith.constant 208 : index
    %swap3A_168 = tpu.vector_load %arg12[%swap3A_167] {strides = array<i32>} : memref<2048xf32, #tpu.memory_space<vmem>>, vector<16xf32>,
    tpu.vector_store %arg12[%swap3A_167], %gather3A_164 {strides = array<i32>} : memref<2048xf32, #tpu.memory_space<vmem>>, vector<16xf32>,
    %add3A_169 = arith.addf %add3A_129, %gather3A_163 : vector<16xf32>
    %add3A_170 = arith.addf %add3A_130, %gather3A_164 : vector<16xf32>
    %get3A_171 = arith.constant 224 : index
    %get3A_172 = tpu.vector_load %arg10[%get3A_171] {strides = array<i32>} : memref<2048xi32, #tpu.memory_space<vmem>>, vector<16xi32>,
    %gather3A_173 = tpu.vector_load_idx %arg8[%get3A_172] : memref<8192xf32, #tpu.memory_space<vmem>>[vector<16xi32>], vector<16xf32>,
    %gather3A_174 = tpu.vector_load_idx %arg9[%get3A_172] : memref<8192xf32, #tpu.memory_space<vmem>>[vector<16xi32>], vector<16xf32>,
    %swap3A_175 = arith.constant 224 : index
    %swap3A_176 = tpu.vector_load %arg11[%swap3A_175] {strides = array<i32>} : memref<2048xf32, #tpu.memory_space<vmem>>, vector<16xf32>,
    tpu.vector_store %arg11[%swap3A_175], %gather3A_173 {strides = array<i32>} : memref<2048xf32, #tpu.memory_space<vmem>>, vector<16xf32>,
    %swap3A_177 = arith.constant 224 : index
    %swap3A_178 = tpu.vector_load %arg12[%swap3A_177] {strides = array<i32>} : memref<2048xf32, #tpu.memory_space<vmem>>, vector<16xf32>,
    tpu.vector_store %arg12[%swap3A_177], %gather3A_174 {strides = array<i32>} : memref<2048xf32, #tpu.memory_space<vmem>>, vector<16xf32>,
    %add3A_179 = arith.addf %add3A_139, %gather3A_173 : vector<16xf32>
    %add3A_180 = arith.addf %add3A_140, %gather3A_174 : vector<16xf32>
    %get3A_181 = arith.constant 240 : index
    %get3A_182 = tpu.vector_load %arg10[%get3A_181] {strides = array<i32>} : memref<2048xi32, #tpu.memory_space<vmem>>, vector<16xi32>,
    %gather3A_183 = tpu.vector_load_idx %arg8[%get3A_182] : memref<8192xf32, #tpu.memory_space<vmem>>[vector<16xi32>], vector<16xf32>,
    %gather3A_184 = tpu.vector_load_idx %arg9[%get3A_182] : memref<8192xf32, #tpu.memory_space<vmem>>[vector<16xi32>], vector<16xf32>,
    %swap3A_185 = arith.constant 240 : index
    %swap3A_186 = tpu.vector_load %arg11[%swap3A_185] {strides = array<i32>} : memref<2048xf32, #tpu.memory_space<vmem>>, vector<16xf32>,
    tpu.vector_store %arg11[%swap3A_185], %gather3A_183 {strides = array<i32>} : memref<2048xf32, #tpu.memory_space<vmem>>, vector<16xf32>,
    %swap3A_187 = arith.constant 240 : index
    %swap3A_188 = tpu.vector_load %arg12[%swap3A_187] {strides = array<i32>} : memref<2048xf32, #tpu.memory_space<vmem>>, vector<16xf32>,
    tpu.vector_store %arg12[%swap3A_187], %gather3A_184 {strides = array<i32>} : memref<2048xf32, #tpu.memory_space<vmem>>, vector<16xf32>,
    %add3A_189 = arith.addf %add3A_149, %gather3A_183 : vector<16xf32>
    %add3A_190 = arith.addf %add3A_150, %gather3A_184 : vector<16xf32>
    %get3A_191 = arith.constant 256 : index
    %get3A_192 = tpu.vector_load %arg10[%get3A_191] {strides = array<i32>} : memref<2048xi32, #tpu.memory_space<vmem>>, vector<16xi32>,
    %gather3A_193 = tpu.vector_load_idx %arg8[%get3A_192] : memref<8192xf32, #tpu.memory_space<vmem>>[vector<16xi32>], vector<16xf32>,
    %gather3A_194 = tpu.vector_load_idx %arg9[%get3A_192] : memref<8192xf32, #tpu.memory_space<vmem>>[vector<16xi32>], vector<16xf32>,
    %swap3A_195 = arith.constant 256 : index
    %swap3A_196 = tpu.vector_load %arg11[%swap3A_195] {strides = array<i32>} : memref<2048xf32, #tpu.memory_space<vmem>>, vector<16xf32>,
    tpu.vector_store %arg11[%swap3A_195], %gather3A_193 {strides = array<i32>} : memref<2048xf32, #tpu.memory_space<vmem>>, vector<16xf32>,
    %swap3A_197 = arith.constant 256 : index
    %swap3A_198 = tpu.vector_load %arg12[%swap3A_197] {strides = array<i32>} : memref<2048xf32, #tpu.memory_space<vmem>>, vector<16xf32>,
    tpu.vector_store %arg12[%swap3A_197], %gather3A_194 {strides = array<i32>} : memref<2048xf32, #tpu.memory_space<vmem>>, vector<16xf32>,
    %add3A_199 = arith.addf %add3A_159, %gather3A_193 : vector<16xf32>
    %add3A_200 = arith.addf %add3A_160, %gather3A_194 : vector<16xf32>
    %get3A_201 = arith.constant 272 : index
    %get3A_202 = tpu.vector_load %arg10[%get3A_201] {strides = array<i32>} : memref<2048xi32, #tpu.memory_space<vmem>>, vector<16xi32>,
    %gather3A_203 = tpu.vector_load_idx %arg8[%get3A_202] : memref<8192xf32, #tpu.memory_space<vmem>>[vector<16xi32>], vector<16xf32>,
    %gather3A_204 = tpu.vector_load_idx %arg9[%get3A_202] : memref<8192xf32, #tpu.memory_space<vmem>>[vector<16xi32>], vector<16xf32>,
    %swap3A_205 = arith.constant 272 : index
    %swap3A_206 = tpu.vector_load %arg11[%swap3A_205] {strides = array<i32>} : memref<2048xf32, #tpu.memory_space<vmem>>, vector<16xf32>,
    tpu.vector_store %arg11[%swap3A_205], %gather3A_203 {strides = array<i32>} : memref<2048xf32, #tpu.memory_space<vmem>>, vector<16xf32>,
    %swap3A_207 = arith.constant 272 : index
    %swap3A_208 = tpu.vector_load %arg12[%swap3A_207] {strides = array<i32>} : memref<2048xf32, #tpu.memory_space<vmem>>, vector<16xf32>,
    tpu.vector_store %arg12[%swap3A_207], %gather3A_204 {strides = array<i32>} : memref<2048xf32, #tpu.memory_space<vmem>>, vector<16xf32>,
    %add3A_209 = arith.addf %add3A_169, %gather3A_203 : vector<16xf32>
    %add3A_210 = arith.addf %add3A_170, %gather3A_204 : vector<16xf32>
    %get3A_211 = arith.constant 288 : index
    %get3A_212 = tpu.vector_load %arg10[%get3A_211] {strides = array<i32>} : memref<2048xi32, #tpu.memory_space<vmem>>, vector<16xi32>,
    %gather3A_213 = tpu.vector_load_idx %arg8[%get3A_212] : memref<8192xf32, #tpu.memory_space<vmem>>[vector<16xi32>], vector<16xf32>,
    %gather3A_214 = tpu.vector_load_idx %arg9[%get3A_212] : memref<8192xf32, #tpu.memory_space<vmem>>[vector<16xi32>], vector<16xf32>,
    %swap3A_215 = arith.constant 288 : index
    %swap3A_216 = tpu.vector_load %arg11[%swap3A_215] {strides = array<i32>} : memref<2048xf32, #tpu.memory_space<vmem>>, vector<16xf32>,
    tpu.vector_store %arg11[%swap3A_215], %gather3A_213 {strides = array<i32>} : memref<2048xf32, #tpu.memory_space<vmem>>, vector<16xf32>,
    %swap3A_217 = arith.constant 288 : index
    %swap3A_218 = tpu.vector_load %arg12[%swap3A_217] {strides = array<i32>} : memref<2048xf32, #tpu.memory_space<vmem>>, vector<16xf32>,
    tpu.vector_store %arg12[%swap3A_217], %gather3A_214 {strides = array<i32>} : memref<2048xf32, #tpu.memory_space<vmem>>, vector<16xf32>,
    %add3A_219 = arith.addf %add3A_179, %gather3A_213 : vector<16xf32>
    %add3A_220 = arith.addf %add3A_180, %gather3A_214 : vector<16xf32>
    %get3A_221 = arith.constant 304 : index
    %get3A_222 = tpu.vector_load %arg10[%get3A_221] {strides = array<i32>} : memref<2048xi32, #tpu.memory_space<vmem>>, vector<16xi32>,
    %gather3A_223 = tpu.vector_load_idx %arg8[%get3A_222] : memref<8192xf32, #tpu.memory_space<vmem>>[vector<16xi32>], vector<16xf32>,
    %gather3A_224 = tpu.vector_load_idx %arg9[%get3A_222] : memref<8192xf32, #tpu.memory_space<vmem>>[vector<16xi32>], vector<16xf32>,
    %swap3A_225 = arith.constant 304 : index
    %swap3A_226 = tpu.vector_load %arg11[%swap3A_225] {strides = array<i32>} : memref<2048xf32, #tpu.memory_space<vmem>>, vector<16xf32>,
    tpu.vector_store %arg11[%swap3A_225], %gather3A_223 {strides = array<i32>} : memref<2048xf32, #tpu.memory_space<vmem>>, vector<16xf32>,
    %swap3A_227 = arith.constant 304 : index
    %swap3A_228 = tpu.vector_load %arg12[%swap3A_227] {strides = array<i32>} : memref<2048xf32, #tpu.memory_space<vmem>>, vector<16xf32>,
    tpu.vector_store %arg12[%swap3A_227], %gather3A_224 {strides = array<i32>} : memref<2048xf32, #tpu.memory_space<vmem>>, vector<16xf32>,
    %add3A_229 = arith.addf %add3A_189, %gather3A_223 : vector<16xf32>
    %add3A_230 = arith.addf %add3A_190, %gather3A_224 : vector<16xf32>
    %get3A_231 = arith.constant 320 : index
    %get3A_232 = tpu.vector_load %arg10[%get3A_231] {strides = array<i32>} : memref<2048xi32, #tpu.memory_space<vmem>>, vector<16xi32>,
    %gather3A_233 = tpu.vector_load_idx %arg8[%get3A_232] : memref<8192xf32, #tpu.memory_space<vmem>>[vector<16xi32>], vector<16xf32>,
    %gather3A_234 = tpu.vector_load_idx %arg9[%get3A_232] : memref<8192xf32, #tpu.memory_space<vmem>>[vector<16xi32>], vector<16xf32>,
    %swap3A_235 = arith.constant 320 : index
    %swap3A_236 = tpu.vector_load %arg11[%swap3A_235] {strides = array<i32>} : memref<2048xf32, #tpu.memory_space<vmem>>, vector<16xf32>,
    tpu.vector_store %arg11[%swap3A_235], %gather3A_233 {strides = array<i32>} : memref<2048xf32, #tpu.memory_space<vmem>>, vector<16xf32>,
    %swap3A_237 = arith.constant 320 : index
    %swap3A_238 = tpu.vector_load %arg12[%swap3A_237] {strides = array<i32>} : memref<2048xf32, #tpu.memory_space<vmem>>, vector<16xf32>,
    tpu.vector_store %arg12[%swap3A_237], %gather3A_234 {strides = array<i32>} : memref<2048xf32, #tpu.memory_space<vmem>>, vector<16xf32>,
    %add3A_239 = arith.addf %add3A_199, %gather3A_233 : vector<16xf32>
    %add3A_240 = arith.addf %add3A_200, %gather3A_234 : vector<16xf32>
    %get3A_241 = arith.constant 336 : index
    %get3A_242 = tpu.vector_load %arg10[%get3A_241] {strides = array<i32>} : memref<2048xi32, #tpu.memory_space<vmem>>, vector<16xi32>,
    %gather3A_243 = tpu.vector_load_idx %arg8[%get3A_242] : memref<8192xf32, #tpu.memory_space<vmem>>[vector<16xi32>], vector<16xf32>,
    %gather3A_244 = tpu.vector_load_idx %arg9[%get3A_242] : memref<8192xf32, #tpu.memory_space<vmem>>[vector<16xi32>], vector<16xf32>,
    %swap3A_245 = arith.constant 336 : index
    %swap3A_246 = tpu.vector_load %arg11[%swap3A_245] {strides = array<i32>} : memref<2048xf32, #tpu.memory_space<vmem>>, vector<16xf32>,
    tpu.vector_store %arg11[%swap3A_245], %gather3A_243 {strides = array<i32>} : memref<2048xf32, #tpu.memory_space<vmem>>, vector<16xf32>,
    %swap3A_247 = arith.constant 336 : index
    %swap3A_248 = tpu.vector_load %arg12[%swap3A_247] {strides = array<i32>} : memref<2048xf32, #tpu.memory_space<vmem>>, vector<16xf32>,
    tpu.vector_store %arg12[%swap3A_247], %gather3A_244 {strides = array<i32>} : memref<2048xf32, #tpu.memory_space<vmem>>, vector<16xf32>,
    %add3A_249 = arith.addf %add3A_209, %gather3A_243 : vector<16xf32>
    %add3A_250 = arith.addf %add3A_210, %gather3A_244 : vector<16xf32>
    %get3A_251 = arith.constant 352 : index
    %get3A_252 = tpu.vector_load %arg10[%get3A_251] {strides = array<i32>} : memref<2048xi32, #tpu.memory_space<vmem>>, vector<16xi32>,
    %gather3A_253 = tpu.vector_load_idx %arg8[%get3A_252] : memref<8192xf32, #tpu.memory_space<vmem>>[vector<16xi32>], vector<16xf32>,
    %gather3A_254 = tpu.vector_load_idx %arg9[%get3A_252] : memref<8192xf32, #tpu.memory_space<vmem>>[vector<16xi32>], vector<16xf32>,
    %swap3A_255 = arith.constant 352 : index
    %swap3A_256 = tpu.vector_load %arg11[%swap3A_255] {strides = array<i32>} : memref<2048xf32, #tpu.memory_space<vmem>>, vector<16xf32>,
    tpu.vector_store %arg11[%swap3A_255], %gather3A_253 {strides = array<i32>} : memref<2048xf32, #tpu.memory_space<vmem>>, vector<16xf32>,
    %swap3A_257 = arith.constant 352 : index
    %swap3A_258 = tpu.vector_load %arg12[%swap3A_257] {strides = array<i32>} : memref<2048xf32, #tpu.memory_space<vmem>>, vector<16xf32>,
    tpu.vector_store %arg12[%swap3A_257], %gather3A_254 {strides = array<i32>} : memref<2048xf32, #tpu.memory_space<vmem>>, vector<16xf32>,
    %add3A_259 = arith.addf %add3A_219, %gather3A_253 : vector<16xf32>
    %add3A_260 = arith.addf %add3A_220, %gather3A_254 : vector<16xf32>
    %get3A_261 = arith.constant 368 : index
    %get3A_262 = tpu.vector_load %arg10[%get3A_261] {strides = array<i32>} : memref<2048xi32, #tpu.memory_space<vmem>>, vector<16xi32>,
    %gather3A_263 = tpu.vector_load_idx %arg8[%get3A_262] : memref<8192xf32, #tpu.memory_space<vmem>>[vector<16xi32>], vector<16xf32>,
    %gather3A_264 = tpu.vector_load_idx %arg9[%get3A_262] : memref<8192xf32, #tpu.memory_space<vmem>>[vector<16xi32>], vector<16xf32>,
    %swap3A_265 = arith.constant 368 : index
    %swap3A_266 = tpu.vector_load %arg11[%swap3A_265] {strides = array<i32>} : memref<2048xf32, #tpu.memory_space<vmem>>, vector<16xf32>,
    tpu.vector_store %arg11[%swap3A_265], %gather3A_263 {strides = array<i32>} : memref<2048xf32, #tpu.memory_space<vmem>>, vector<16xf32>,
    %swap3A_267 = arith.constant 368 : index
    %swap3A_268 = tpu.vector_load %arg12[%swap3A_267] {strides = array<i32>} : memref<2048xf32, #tpu.memory_space<vmem>>, vector<16xf32>,
    tpu.vector_store %arg12[%swap3A_267], %gather3A_264 {strides = array<i32>} : memref<2048xf32, #tpu.memory_space<vmem>>, vector<16xf32>,
    %add3A_269 = arith.addf %add3A_229, %gather3A_263 : vector<16xf32>
    %add3A_270 = arith.addf %add3A_230, %gather3A_264 : vector<16xf32>
    %get3A_271 = arith.constant 384 : index
    %get3A_272 = tpu.vector_load %arg10[%get3A_271] {strides = array<i32>} : memref<2048xi32, #tpu.memory_space<vmem>>, vector<16xi32>,
    %gather3A_273 = tpu.vector_load_idx %arg8[%get3A_272] : memref<8192xf32, #tpu.memory_space<vmem>>[vector<16xi32>], vector<16xf32>,
    %gather3A_274 = tpu.vector_load_idx %arg9[%get3A_272] : memref<8192xf32, #tpu.memory_space<vmem>>[vector<16xi32>], vector<16xf32>,
    %swap3A_275 = arith.constant 384 : index
    %swap3A_276 = tpu.vector_load %arg11[%swap3A_275] {strides = array<i32>} : memref<2048xf32, #tpu.memory_space<vmem>>, vector<16xf32>,
    tpu.vector_store %arg11[%swap3A_275], %gather3A_273 {strides = array<i32>} : memref<2048xf32, #tpu.memory_space<vmem>>, vector<16xf32>,
    %swap3A_277 = arith.constant 384 : index
    %swap3A_278 = tpu.vector_load %arg12[%swap3A_277] {strides = array<i32>} : memref<2048xf32, #tpu.memory_space<vmem>>, vector<16xf32>,
    tpu.vector_store %arg12[%swap3A_277], %gather3A_274 {strides = array<i32>} : memref<2048xf32, #tpu.memory_space<vmem>>, vector<16xf32>,
    %add3A_279 = arith.addf %add3A_239, %gather3A_273 : vector<16xf32>
    %add3A_280 = arith.addf %add3A_240, %gather3A_274 : vector<16xf32>
    %get3A_281 = arith.constant 400 : index
    %get3A_282 = tpu.vector_load %arg10[%get3A_281] {strides = array<i32>} : memref<2048xi32, #tpu.memory_space<vmem>>, vector<16xi32>,
    %gather3A_283 = tpu.vector_load_idx %arg8[%get3A_282] : memref<8192xf32, #tpu.memory_space<vmem>>[vector<16xi32>], vector<16xf32>,
    %gather3A_284 = tpu.vector_load_idx %arg9[%get3A_282] : memref<8192xf32, #tpu.memory_space<vmem>>[vector<16xi32>], vector<16xf32>,
    %swap3A_285 = arith.constant 400 : index
    %swap3A_286 = tpu.vector_load %arg11[%swap3A_285] {strides = array<i32>} : memref<2048xf32, #tpu.memory_space<vmem>>, vector<16xf32>,
    tpu.vector_store %arg11[%swap3A_285], %gather3A_283 {strides = array<i32>} : memref<2048xf32, #tpu.memory_space<vmem>>, vector<16xf32>,
    %swap3A_287 = arith.constant 400 : index
    %swap3A_288 = tpu.vector_load %arg12[%swap3A_287] {strides = array<i32>} : memref<2048xf32, #tpu.memory_space<vmem>>, vector<16xf32>,
    tpu.vector_store %arg12[%swap3A_287], %gather3A_284 {strides = array<i32>} : memref<2048xf32, #tpu.memory_space<vmem>>, vector<16xf32>,
    %add3A_289 = arith.addf %add3A_249, %gather3A_283 : vector<16xf32>
    %add3A_290 = arith.addf %add3A_250, %gather3A_284 : vector<16xf32>
    %get3A_291 = arith.constant 416 : index
    %get3A_292 = tpu.vector_load %arg10[%get3A_291] {strides = array<i32>} : memref<2048xi32, #tpu.memory_space<vmem>>, vector<16xi32>,
    %gather3A_293 = tpu.vector_load_idx %arg8[%get3A_292] : memref<8192xf32, #tpu.memory_space<vmem>>[vector<16xi32>], vector<16xf32>,
    %gather3A_294 = tpu.vector_load_idx %arg9[%get3A_292] : memref<8192xf32, #tpu.memory_space<vmem>>[vector<16xi32>], vector<16xf32>,
    %swap3A_295 = arith.constant 416 : index
    %swap3A_296 = tpu.vector_load %arg11[%swap3A_295] {strides = array<i32>} : memref<2048xf32, #tpu.memory_space<vmem>>, vector<16xf32>,
    tpu.vector_store %arg11[%swap3A_295], %gather3A_293 {strides = array<i32>} : memref<2048xf32, #tpu.memory_space<vmem>>, vector<16xf32>,
    %swap3A_297 = arith.constant 416 : index
    %swap3A_298 = tpu.vector_load %arg12[%swap3A_297] {strides = array<i32>} : memref<2048xf32, #tpu.memory_space<vmem>>, vector<16xf32>,
    tpu.vector_store %arg12[%swap3A_297], %gather3A_294 {strides = array<i32>} : memref<2048xf32, #tpu.memory_space<vmem>>, vector<16xf32>,
    %add3A_299 = arith.addf %add3A_259, %gather3A_293 : vector<16xf32>
    %add3A_300 = arith.addf %add3A_260, %gather3A_294 : vector<16xf32>
    %get3A_301 = arith.constant 432 : index
    %get3A_302 = tpu.vector_load %arg10[%get3A_301] {strides = array<i32>} : memref<2048xi32, #tpu.memory_space<vmem>>, vector<16xi32>,
    %gather3A_303 = tpu.vector_load_idx %arg8[%get3A_302] : memref<8192xf32, #tpu.memory_space<vmem>>[vector<16xi32>], vector<16xf32>,
    %gather3A_304 = tpu.vector_load_idx %arg9[%get3A_302] : memref<8192xf32, #tpu.memory_space<vmem>>[vector<16xi32>], vector<16xf32>,
    %swap3A_305 = arith.constant 432 : index
    %swap3A_306 = tpu.vector_load %arg11[%swap3A_305] {strides = array<i32>} : memref<2048xf32, #tpu.memory_space<vmem>>, vector<16xf32>,
    tpu.vector_store %arg11[%swap3A_305], %gather3A_303 {strides = array<i32>} : memref<2048xf32, #tpu.memory_space<vmem>>, vector<16xf32>,
    %swap3A_307 = arith.constant 432 : index
    %swap3A_308 = tpu.vector_load %arg12[%swap3A_307] {strides = array<i32>} : memref<2048xf32, #tpu.memory_space<vmem>>, vector<16xf32>,
    tpu.vector_store %arg12[%swap3A_307], %gather3A_304 {strides = array<i32>} : memref<2048xf32, #tpu.memory_space<vmem>>, vector<16xf32>,
    %add3A_309 = arith.addf %add3A_269, %gather3A_303 : vector<16xf32>
    %add3A_310 = arith.addf %add3A_270, %gather3A_304 : vector<16xf32>
    %get3A_311 = arith.constant 448 : index
    %get3A_312 = tpu.vector_load %arg10[%get3A_311] {strides = array<i32>} : memref<2048xi32, #tpu.memory_space<vmem>>, vector<16xi32>,
    %gather3A_313 = tpu.vector_load_idx %arg8[%get3A_312] : memref<8192xf32, #tpu.memory_space<vmem>>[vector<16xi32>], vector<16xf32>,
    %gather3A_314 = tpu.vector_load_idx %arg9[%get3A_312] : memref<8192xf32, #tpu.memory_space<vmem>>[vector<16xi32>], vector<16xf32>,
    %swap3A_315 = arith.constant 448 : index
    %swap3A_316 = tpu.vector_load %arg11[%swap3A_315] {strides = array<i32>} : memref<2048xf32, #tpu.memory_space<vmem>>, vector<16xf32>,
    tpu.vector_store %arg11[%swap3A_315], %gather3A_313 {strides = array<i32>} : memref<2048xf32, #tpu.memory_space<vmem>>, vector<16xf32>,
    %swap3A_317 = arith.constant 448 : index
    %swap3A_318 = tpu.vector_load %arg12[%swap3A_317] {strides = array<i32>} : memref<2048xf32, #tpu.memory_space<vmem>>, vector<16xf32>,
    tpu.vector_store %arg12[%swap3A_317], %gather3A_314 {strides = array<i32>} : memref<2048xf32, #tpu.memory_space<vmem>>, vector<16xf32>,
    %add3A_319 = arith.addf %add3A_279, %gather3A_313 : vector<16xf32>
    %add3A_320 = arith.addf %add3A_280, %gather3A_314 : vector<16xf32>
    %get3A_321 = arith.constant 464 : index
    %get3A_322 = tpu.vector_load %arg10[%get3A_321] {strides = array<i32>} : memref<2048xi32, #tpu.memory_space<vmem>>, vector<16xi32>,
    %gather3A_323 = tpu.vector_load_idx %arg8[%get3A_322] : memref<8192xf32, #tpu.memory_space<vmem>>[vector<16xi32>], vector<16xf32>,
    %gather3A_324 = tpu.vector_load_idx %arg9[%get3A_322] : memref<8192xf32, #tpu.memory_space<vmem>>[vector<16xi32>], vector<16xf32>,
    %swap3A_325 = arith.constant 464 : index
    %swap3A_326 = tpu.vector_load %arg11[%swap3A_325] {strides = array<i32>} : memref<2048xf32, #tpu.memory_space<vmem>>, vector<16xf32>,
    tpu.vector_store %arg11[%swap3A_325], %gather3A_323 {strides = array<i32>} : memref<2048xf32, #tpu.memory_space<vmem>>, vector<16xf32>,
    %swap3A_327 = arith.constant 464 : index
    %swap3A_328 = tpu.vector_load %arg12[%swap3A_327] {strides = array<i32>} : memref<2048xf32, #tpu.memory_space<vmem>>, vector<16xf32>,
    tpu.vector_store %arg12[%swap3A_327], %gather3A_324 {strides = array<i32>} : memref<2048xf32, #tpu.memory_space<vmem>>, vector<16xf32>,
    %add3A_329 = arith.addf %add3A_289, %gather3A_323 : vector<16xf32>
    %add3A_330 = arith.addf %add3A_290, %gather3A_324 : vector<16xf32>
    %get3A_331 = arith.constant 480 : index
    %get3A_332 = tpu.vector_load %arg10[%get3A_331] {strides = array<i32>} : memref<2048xi32, #tpu.memory_space<vmem>>, vector<16xi32>,
    %gather3A_333 = tpu.vector_load_idx %arg8[%get3A_332] : memref<8192xf32, #tpu.memory_space<vmem>>[vector<16xi32>], vector<16xf32>,
    %gather3A_334 = tpu.vector_load_idx %arg9[%get3A_332] : memref<8192xf32, #tpu.memory_space<vmem>>[vector<16xi32>], vector<16xf32>,
    %swap3A_335 = arith.constant 480 : index
    %swap3A_336 = tpu.vector_load %arg11[%swap3A_335] {strides = array<i32>} : memref<2048xf32, #tpu.memory_space<vmem>>, vector<16xf32>,
    tpu.vector_store %arg11[%swap3A_335], %gather3A_333 {strides = array<i32>} : memref<2048xf32, #tpu.memory_space<vmem>>, vector<16xf32>,
    %swap3A_337 = arith.constant 480 : index
    %swap3A_338 = tpu.vector_load %arg12[%swap3A_337] {strides = array<i32>} : memref<2048xf32, #tpu.memory_space<vmem>>, vector<16xf32>,
    tpu.vector_store %arg12[%swap3A_337], %gather3A_334 {strides = array<i32>} : memref<2048xf32, #tpu.memory_space<vmem>>, vector<16xf32>,
    %add3A_339 = arith.addf %add3A_299, %gather3A_333 : vector<16xf32>
    %add3A_340 = arith.addf %add3A_300, %gather3A_334 : vector<16xf32>
    %get3A_341 = arith.constant 496 : index
    %get3A_342 = tpu.vector_load %arg10[%get3A_341] {strides = array<i32>} : memref<2048xi32, #tpu.memory_space<vmem>>, vector<16xi32>,
    %gather3A_343 = tpu.vector_load_idx %arg8[%get3A_342] : memref<8192xf32, #tpu.memory_space<vmem>>[vector<16xi32>], vector<16xf32>,
    %gather3A_344 = tpu.vector_load_idx %arg9[%get3A_342] : memref<8192xf32, #tpu.memory_space<vmem>>[vector<16xi32>], vector<16xf32>,
    %swap3A_345 = arith.constant 496 : index
    %swap3A_346 = tpu.vector_load %arg11[%swap3A_345] {strides = array<i32>} : memref<2048xf32, #tpu.memory_space<vmem>>, vector<16xf32>,
    tpu.vector_store %arg11[%swap3A_345], %gather3A_343 {strides = array<i32>} : memref<2048xf32, #tpu.memory_space<vmem>>, vector<16xf32>,
    %swap3A_347 = arith.constant 496 : index
    %swap3A_348 = tpu.vector_load %arg12[%swap3A_347] {strides = array<i32>} : memref<2048xf32, #tpu.memory_space<vmem>>, vector<16xf32>,
    tpu.vector_store %arg12[%swap3A_347], %gather3A_344 {strides = array<i32>} : memref<2048xf32, #tpu.memory_space<vmem>>, vector<16xf32>,
    %add3A_349 = arith.addf %add3A_309, %gather3A_343 : vector<16xf32>
    %add3A_350 = arith.addf %add3A_310, %gather3A_344 : vector<16xf32>
    %get3A_351 = arith.constant 512 : index
    %get3A_352 = tpu.vector_load %arg10[%get3A_351] {strides = array<i32>} : memref<2048xi32, #tpu.memory_space<vmem>>, vector<16xi32>,
    %gather3A_353 = tpu.vector_load_idx %arg8[%get3A_352] : memref<8192xf32, #tpu.memory_space<vmem>>[vector<16xi32>], vector<16xf32>,
    %gather3A_354 = tpu.vector_load_idx %arg9[%get3A_352] : memref<8192xf32, #tpu.memory_space<vmem>>[vector<16xi32>], vector<16xf32>,
    %swap3A_355 = arith.constant 512 : index
    %swap3A_356 = tpu.vector_load %arg11[%swap3A_355] {strides = array<i32>} : memref<2048xf32, #tpu.memory_space<vmem>>, vector<16xf32>,
    tpu.vector_store %arg11[%swap3A_355], %gather3A_353 {strides = array<i32>} : memref<2048xf32, #tpu.memory_space<vmem>>, vector<16xf32>,
    %swap3A_357 = arith.constant 512 : index
    %swap3A_358 = tpu.vector_load %arg12[%swap3A_357] {strides = array<i32>} : memref<2048xf32, #tpu.memory_space<vmem>>, vector<16xf32>,
    tpu.vector_store %arg12[%swap3A_357], %gather3A_354 {strides = array<i32>} : memref<2048xf32, #tpu.memory_space<vmem>>, vector<16xf32>,
    %add3A_359 = arith.addf %add3A_319, %gather3A_353 : vector<16xf32>
    %add3A_360 = arith.addf %add3A_320, %gather3A_354 : vector<16xf32>
    %get3A_361 = arith.constant 528 : index
    %get3A_362 = tpu.vector_load %arg10[%get3A_361] {strides = array<i32>} : memref<2048xi32, #tpu.memory_space<vmem>>, vector<16xi32>,
    %gather3A_363 = tpu.vector_load_idx %arg8[%get3A_362] : memref<8192xf32, #tpu.memory_space<vmem>>[vector<16xi32>], vector<16xf32>,
    %gather3A_364 = tpu.vector_load_idx %arg9[%get3A_362] : memref<8192xf32, #tpu.memory_space<vmem>>[vector<16xi32>], vector<16xf32>,
    %swap3A_365 = arith.constant 528 : index
    %swap3A_366 = tpu.vector_load %arg11[%swap3A_365] {strides = array<i32>} : memref<2048xf32, #tpu.memory_space<vmem>>, vector<16xf32>,
    tpu.vector_store %arg11[%swap3A_365], %gather3A_363 {strides = array<i32>} : memref<2048xf32, #tpu.memory_space<vmem>>, vector<16xf32>,
    %swap3A_367 = arith.constant 528 : index
    %swap3A_368 = tpu.vector_load %arg12[%swap3A_367] {strides = array<i32>} : memref<2048xf32, #tpu.memory_space<vmem>>, vector<16xf32>,
    tpu.vector_store %arg12[%swap3A_367], %gather3A_364 {strides = array<i32>} : memref<2048xf32, #tpu.memory_space<vmem>>, vector<16xf32>,
    %add3A_369 = arith.addf %add3A_329, %gather3A_363 : vector<16xf32>
    %add3A_370 = arith.addf %add3A_330, %gather3A_364 : vector<16xf32>
    %get3A_371 = arith.constant 544 : index
    %get3A_372 = tpu.vector_load %arg10[%get3A_371] {strides = array<i32>} : memref<2048xi32, #tpu.memory_space<vmem>>, vector<16xi32>,
    %gather3A_373 = tpu.vector_load_idx %arg8[%get3A_372] : memref<8192xf32, #tpu.memory_space<vmem>>[vector<16xi32>], vector<16xf32>,
    %gather3A_374 = tpu.vector_load_idx %arg9[%get3A_372] : memref<8192xf32, #tpu.memory_space<vmem>>[vector<16xi32>], vector<16xf32>,
    %swap3A_375 = arith.constant 544 : index
    %swap3A_376 = tpu.vector_load %arg11[%swap3A_375] {strides = array<i32>} : memref<2048xf32, #tpu.memory_space<vmem>>, vector<16xf32>,
    tpu.vector_store %arg11[%swap3A_375], %gather3A_373 {strides = array<i32>} : memref<2048xf32, #tpu.memory_space<vmem>>, vector<16xf32>,
    %swap3A_377 = arith.constant 544 : index
    %swap3A_378 = tpu.vector_load %arg12[%swap3A_377] {strides = array<i32>} : memref<2048xf32, #tpu.memory_space<vmem>>, vector<16xf32>,
    tpu.vector_store %arg12[%swap3A_377], %gather3A_374 {strides = array<i32>} : memref<2048xf32, #tpu.memory_space<vmem>>, vector<16xf32>,
    %add3A_379 = arith.addf %add3A_339, %gather3A_373 : vector<16xf32>
    %add3A_380 = arith.addf %add3A_340, %gather3A_374 : vector<16xf32>
    %get3A_381 = arith.constant 560 : index
    %get3A_382 = tpu.vector_load %arg10[%get3A_381] {strides = array<i32>} : memref<2048xi32, #tpu.memory_space<vmem>>, vector<16xi32>,
    %gather3A_383 = tpu.vector_load_idx %arg8[%get3A_382] : memref<8192xf32, #tpu.memory_space<vmem>>[vector<16xi32>], vector<16xf32>,
    %gather3A_384 = tpu.vector_load_idx %arg9[%get3A_382] : memref<8192xf32, #tpu.memory_space<vmem>>[vector<16xi32>], vector<16xf32>,
    %swap3A_385 = arith.constant 560 : index
    %swap3A_386 = tpu.vector_load %arg11[%swap3A_385] {strides = array<i32>} : memref<2048xf32, #tpu.memory_space<vmem>>, vector<16xf32>,
    tpu.vector_store %arg11[%swap3A_385], %gather3A_383 {strides = array<i32>} : memref<2048xf32, #tpu.memory_space<vmem>>, vector<16xf32>,
    %swap3A_387 = arith.constant 560 : index
    %swap3A_388 = tpu.vector_load %arg12[%swap3A_387] {strides = array<i32>} : memref<2048xf32, #tpu.memory_space<vmem>>, vector<16xf32>,
    tpu.vector_store %arg12[%swap3A_387], %gather3A_384 {strides = array<i32>} : memref<2048xf32, #tpu.memory_space<vmem>>, vector<16xf32>,
    %add3A_389 = arith.addf %add3A_349, %gather3A_383 : vector<16xf32>
    %add3A_390 = arith.addf %add3A_350, %gather3A_384 : vector<16xf32>
    %get3A_391 = arith.constant 576 : index
    %get3A_392 = tpu.vector_load %arg10[%get3A_391] {strides = array<i32>} : memref<2048xi32, #tpu.memory_space<vmem>>, vector<16xi32>,
    %gather3A_393 = tpu.vector_load_idx %arg8[%get3A_392] : memref<8192xf32, #tpu.memory_space<vmem>>[vector<16xi32>], vector<16xf32>,
    %gather3A_394 = tpu.vector_load_idx %arg9[%get3A_392] : memref<8192xf32, #tpu.memory_space<vmem>>[vector<16xi32>], vector<16xf32>,
    %swap3A_395 = arith.constant 576 : index
    %swap3A_396 = tpu.vector_load %arg11[%swap3A_395] {strides = array<i32>} : memref<2048xf32, #tpu.memory_space<vmem>>, vector<16xf32>,
    tpu.vector_store %arg11[%swap3A_395], %gather3A_393 {strides = array<i32>} : memref<2048xf32, #tpu.memory_space<vmem>>, vector<16xf32>,
    %swap3A_397 = arith.constant 576 : index
    %swap3A_398 = tpu.vector_load %arg12[%swap3A_397] {strides = array<i32>} : memref<2048xf32, #tpu.memory_space<vmem>>, vector<16xf32>,
    tpu.vector_store %arg12[%swap3A_397], %gather3A_394 {strides = array<i32>} : memref<2048xf32, #tpu.memory_space<vmem>>, vector<16xf32>,
    %add3A_399 = arith.addf %add3A_359, %gather3A_393 : vector<16xf32>
    %add3A_400 = arith.addf %add3A_360, %gather3A_394 : vector<16xf32>
    %get3A_401 = arith.constant 592 : index
    %get3A_402 = tpu.vector_load %arg10[%get3A_401] {strides = array<i32>} : memref<2048xi32, #tpu.memory_space<vmem>>, vector<16xi32>,
    %gather3A_403 = tpu.vector_load_idx %arg8[%get3A_402] : memref<8192xf32, #tpu.memory_space<vmem>>[vector<16xi32>], vector<16xf32>,
    %gather3A_404 = tpu.vector_load_idx %arg9[%get3A_402] : memref<8192xf32, #tpu.memory_space<vmem>>[vector<16xi32>], vector<16xf32>,
    %swap3A_405 = arith.constant 592 : index
    %swap3A_406 = tpu.vector_load %arg11[%swap3A_405] {strides = array<i32>} : memref<2048xf32, #tpu.memory_space<vmem>>, vector<16xf32>,
    tpu.vector_store %arg11[%swap3A_405], %gather3A_403 {strides = array<i32>} : memref<2048xf32, #tpu.memory_space<vmem>>, vector<16xf32>,
    %swap3A_407 = arith.constant 592 : index
    %swap3A_408 = tpu.vector_load %arg12[%swap3A_407] {strides = array<i32>} : memref<2048xf32, #tpu.memory_space<vmem>>, vector<16xf32>,
    tpu.vector_store %arg12[%swap3A_407], %gather3A_404 {strides = array<i32>} : memref<2048xf32, #tpu.memory_space<vmem>>, vector<16xf32>,
    %add3A_409 = arith.addf %add3A_369, %gather3A_403 : vector<16xf32>
    %add3A_410 = arith.addf %add3A_370, %gather3A_404 : vector<16xf32>
    %get3A_411 = arith.constant 608 : index
    %get3A_412 = tpu.vector_load %arg10[%get3A_411] {strides = array<i32>} : memref<2048xi32, #tpu.memory_space<vmem>>, vector<16xi32>,
    %gather3A_413 = tpu.vector_load_idx %arg8[%get3A_412] : memref<8192xf32, #tpu.memory_space<vmem>>[vector<16xi32>], vector<16xf32>,
    %gather3A_414 = tpu.vector_load_idx %arg9[%get3A_412] : memref<8192xf32, #tpu.memory_space<vmem>>[vector<16xi32>], vector<16xf32>,
    %swap3A_415 = arith.constant 608 : index
    %swap3A_416 = tpu.vector_load %arg11[%swap3A_415] {strides = array<i32>} : memref<2048xf32, #tpu.memory_space<vmem>>, vector<16xf32>,
    tpu.vector_store %arg11[%swap3A_415], %gather3A_413 {strides = array<i32>} : memref<2048xf32, #tpu.memory_space<vmem>>, vector<16xf32>,
    %swap3A_417 = arith.constant 608 : index
    %swap3A_418 = tpu.vector_load %arg12[%swap3A_417] {strides = array<i32>} : memref<2048xf32, #tpu.memory_space<vmem>>, vector<16xf32>,
    tpu.vector_store %arg12[%swap3A_417], %gather3A_414 {strides = array<i32>} : memref<2048xf32, #tpu.memory_space<vmem>>, vector<16xf32>,
    %add3A_419 = arith.addf %add3A_379, %gather3A_413 : vector<16xf32>
    %add3A_420 = arith.addf %add3A_380, %gather3A_414 : vector<16xf32>
    %get3A_421 = arith.constant 624 : index
    %get3A_422 = tpu.vector_load %arg10[%get3A_421] {strides = array<i32>} : memref<2048xi32, #tpu.memory_space<vmem>>, vector<16xi32>,
    %gather3A_423 = tpu.vector_load_idx %arg8[%get3A_422] : memref<8192xf32, #tpu.memory_space<vmem>>[vector<16xi32>], vector<16xf32>,
    %gather3A_424 = tpu.vector_load_idx %arg9[%get3A_422] : memref<8192xf32, #tpu.memory_space<vmem>>[vector<16xi32>], vector<16xf32>,
    %swap3A_425 = arith.constant 624 : index
    %swap3A_426 = tpu.vector_load %arg11[%swap3A_425] {strides = array<i32>} : memref<2048xf32, #tpu.memory_space<vmem>>, vector<16xf32>,
    tpu.vector_store %arg11[%swap3A_425], %gather3A_423 {strides = array<i32>} : memref<2048xf32, #tpu.memory_space<vmem>>, vector<16xf32>,
    %swap3A_427 = arith.constant 624 : index
    %swap3A_428 = tpu.vector_load %arg12[%swap3A_427] {strides = array<i32>} : memref<2048xf32, #tpu.memory_space<vmem>>, vector<16xf32>,
    tpu.vector_store %arg12[%swap3A_427], %gather3A_424 {strides = array<i32>} : memref<2048xf32, #tpu.memory_space<vmem>>, vector<16xf32>,
    %add3A_429 = arith.addf %add3A_389, %gather3A_423 : vector<16xf32>
    %add3A_430 = arith.addf %add3A_390, %gather3A_424 : vector<16xf32>
    %get3A_431 = arith.constant 640 : index
    %get3A_432 = tpu.vector_load %arg10[%get3A_431] {strides = array<i32>} : memref<2048xi32, #tpu.memory_space<vmem>>, vector<16xi32>,
    %gather3A_433 = tpu.vector_load_idx %arg8[%get3A_432] : memref<8192xf32, #tpu.memory_space<vmem>>[vector<16xi32>], vector<16xf32>,
    %gather3A_434 = tpu.vector_load_idx %arg9[%get3A_432] : memref<8192xf32, #tpu.memory_space<vmem>>[vector<16xi32>], vector<16xf32>,
    %swap3A_435 = arith.constant 640 : index
    %swap3A_436 = tpu.vector_load %arg11[%swap3A_435] {strides = array<i32>} : memref<2048xf32, #tpu.memory_space<vmem>>, vector<16xf32>,
    tpu.vector_store %arg11[%swap3A_435], %gather3A_433 {strides = array<i32>} : memref<2048xf32, #tpu.memory_space<vmem>>, vector<16xf32>,
    %swap3A_437 = arith.constant 640 : index
    %swap3A_438 = tpu.vector_load %arg12[%swap3A_437] {strides = array<i32>} : memref<2048xf32, #tpu.memory_space<vmem>>, vector<16xf32>,
    tpu.vector_store %arg12[%swap3A_437], %gather3A_434 {strides = array<i32>} : memref<2048xf32, #tpu.memory_space<vmem>>, vector<16xf32>,
    %add3A_439 = arith.addf %add3A_399, %gather3A_433 : vector<16xf32>
    %add3A_440 = arith.addf %add3A_400, %gather3A_434 : vector<16xf32>
    %get3A_441 = arith.constant 656 : index
    %get3A_442 = tpu.vector_load %arg10[%get3A_441] {strides = array<i32>} : memref<2048xi32, #tpu.memory_space<vmem>>, vector<16xi32>,
    %gather3A_443 = tpu.vector_load_idx %arg8[%get3A_442] : memref<8192xf32, #tpu.memory_space<vmem>>[vector<16xi32>], vector<16xf32>,
    %gather3A_444 = tpu.vector_load_idx %arg9[%get3A_442] : memref<8192xf32, #tpu.memory_space<vmem>>[vector<16xi32>], vector<16xf32>,
    %swap3A_445 = arith.constant 656 : index
    %swap3A_446 = tpu.vector_load %arg11[%swap3A_445] {strides = array<i32>} : memref<2048xf32, #tpu.memory_space<vmem>>, vector<16xf32>,
    tpu.vector_store %arg11[%swap3A_445], %gather3A_443 {strides = array<i32>} : memref<2048xf32, #tpu.memory_space<vmem>>, vector<16xf32>,
    %swap3A_447 = arith.constant 656 : index
    %swap3A_448 = tpu.vector_load %arg12[%swap3A_447] {strides = array<i32>} : memref<2048xf32, #tpu.memory_space<vmem>>, vector<16xf32>,
    tpu.vector_store %arg12[%swap3A_447], %gather3A_444 {strides = array<i32>} : memref<2048xf32, #tpu.memory_space<vmem>>, vector<16xf32>,
    %add3A_449 = arith.addf %add3A_409, %gather3A_443 : vector<16xf32>
    %add3A_450 = arith.addf %add3A_410, %gather3A_444 : vector<16xf32>
    %get3A_451 = arith.constant 672 : index
    %get3A_452 = tpu.vector_load %arg10[%get3A_451] {strides = array<i32>} : memref<2048xi32, #tpu.memory_space<vmem>>, vector<16xi32>,
    %gather3A_453 = tpu.vector_load_idx %arg8[%get3A_452] : memref<8192xf32, #tpu.memory_space<vmem>>[vector<16xi32>], vector<16xf32>,
    %gather3A_454 = tpu.vector_load_idx %arg9[%get3A_452] : memref<8192xf32, #tpu.memory_space<vmem>>[vector<16xi32>], vector<16xf32>,
    %swap3A_455 = arith.constant 672 : index
    %swap3A_456 = tpu.vector_load %arg11[%swap3A_455] {strides = array<i32>} : memref<2048xf32, #tpu.memory_space<vmem>>, vector<16xf32>,
    tpu.vector_store %arg11[%swap3A_455], %gather3A_453 {strides = array<i32>} : memref<2048xf32, #tpu.memory_space<vmem>>, vector<16xf32>,
    %swap3A_457 = arith.constant 672 : index
    %swap3A_458 = tpu.vector_load %arg12[%swap3A_457] {strides = array<i32>} : memref<2048xf32, #tpu.memory_space<vmem>>, vector<16xf32>,
    tpu.vector_store %arg12[%swap3A_457], %gather3A_454 {strides = array<i32>} : memref<2048xf32, #tpu.memory_space<vmem>>, vector<16xf32>,
    %add3A_459 = arith.addf %add3A_419, %gather3A_453 : vector<16xf32>
    %add3A_460 = arith.addf %add3A_420, %gather3A_454 : vector<16xf32>
    %get3A_461 = arith.constant 688 : index
    %get3A_462 = tpu.vector_load %arg10[%get3A_461] {strides = array<i32>} : memref<2048xi32, #tpu.memory_space<vmem>>, vector<16xi32>,
    %gather3A_463 = tpu.vector_load_idx %arg8[%get3A_462] : memref<8192xf32, #tpu.memory_space<vmem>>[vector<16xi32>], vector<16xf32>,
    %gather3A_464 = tpu.vector_load_idx %arg9[%get3A_462] : memref<8192xf32, #tpu.memory_space<vmem>>[vector<16xi32>], vector<16xf32>,
    %swap3A_465 = arith.constant 688 : index
    %swap3A_466 = tpu.vector_load %arg11[%swap3A_465] {strides = array<i32>} : memref<2048xf32, #tpu.memory_space<vmem>>, vector<16xf32>,
    tpu.vector_store %arg11[%swap3A_465], %gather3A_463 {strides = array<i32>} : memref<2048xf32, #tpu.memory_space<vmem>>, vector<16xf32>,
    %swap3A_467 = arith.constant 688 : index
    %swap3A_468 = tpu.vector_load %arg12[%swap3A_467] {strides = array<i32>} : memref<2048xf32, #tpu.memory_space<vmem>>, vector<16xf32>,
    tpu.vector_store %arg12[%swap3A_467], %gather3A_464 {strides = array<i32>} : memref<2048xf32, #tpu.memory_space<vmem>>, vector<16xf32>,
    %add3A_469 = arith.addf %add3A_429, %gather3A_463 : vector<16xf32>
    %add3A_470 = arith.addf %add3A_430, %gather3A_464 : vector<16xf32>
    %get3A_471 = arith.constant 704 : index
    %get3A_472 = tpu.vector_load %arg10[%get3A_471] {strides = array<i32>} : memref<2048xi32, #tpu.memory_space<vmem>>, vector<16xi32>,
    %gather3A_473 = tpu.vector_load_idx %arg8[%get3A_472] : memref<8192xf32, #tpu.memory_space<vmem>>[vector<16xi32>], vector<16xf32>,
    %gather3A_474 = tpu.vector_load_idx %arg9[%get3A_472] : memref<8192xf32, #tpu.memory_space<vmem>>[vector<16xi32>], vector<16xf32>,
    %swap3A_475 = arith.constant 704 : index
    %swap3A_476 = tpu.vector_load %arg11[%swap3A_475] {strides = array<i32>} : memref<2048xf32, #tpu.memory_space<vmem>>, vector<16xf32>,
    tpu.vector_store %arg11[%swap3A_475], %gather3A_473 {strides = array<i32>} : memref<2048xf32, #tpu.memory_space<vmem>>, vector<16xf32>,
    %swap3A_477 = arith.constant 704 : index
    %swap3A_478 = tpu.vector_load %arg12[%swap3A_477] {strides = array<i32>} : memref<2048xf32, #tpu.memory_space<vmem>>, vector<16xf32>,
    tpu.vector_store %arg12[%swap3A_477], %gather3A_474 {strides = array<i32>} : memref<2048xf32, #tpu.memory_space<vmem>>, vector<16xf32>,
    %add3A_479 = arith.addf %add3A_439, %gather3A_473 : vector<16xf32>
    %add3A_480 = arith.addf %add3A_440, %gather3A_474 : vector<16xf32>
    %get3A_481 = arith.constant 720 : index
    %get3A_482 = tpu.vector_load %arg10[%get3A_481] {strides = array<i32>} : memref<2048xi32, #tpu.memory_space<vmem>>, vector<16xi32>,
    %gather3A_483 = tpu.vector_load_idx %arg8[%get3A_482] : memref<8192xf32, #tpu.memory_space<vmem>>[vector<16xi32>], vector<16xf32>,
    %gather3A_484 = tpu.vector_load_idx %arg9[%get3A_482] : memref<8192xf32, #tpu.memory_space<vmem>>[vector<16xi32>], vector<16xf32>,
    %swap3A_485 = arith.constant 720 : index
    %swap3A_486 = tpu.vector_load %arg11[%swap3A_485] {strides = array<i32>} : memref<2048xf32, #tpu.memory_space<vmem>>, vector<16xf32>,
    tpu.vector_store %arg11[%swap3A_485], %gather3A_483 {strides = array<i32>} : memref<2048xf32, #tpu.memory_space<vmem>>, vector<16xf32>,
    %swap3A_487 = arith.constant 720 : index
    %swap3A_488 = tpu.vector_load %arg12[%swap3A_487] {strides = array<i32>} : memref<2048xf32, #tpu.memory_space<vmem>>, vector<16xf32>,
    tpu.vector_store %arg12[%swap3A_487], %gather3A_484 {strides = array<i32>} : memref<2048xf32, #tpu.memory_space<vmem>>, vector<16xf32>,
    %add3A_489 = arith.addf %add3A_449, %gather3A_483 : vector<16xf32>
    %add3A_490 = arith.addf %add3A_450, %gather3A_484 : vector<16xf32>
    %get3A_491 = arith.constant 736 : index
    %get3A_492 = tpu.vector_load %arg10[%get3A_491] {strides = array<i32>} : memref<2048xi32, #tpu.memory_space<vmem>>, vector<16xi32>,
    %gather3A_493 = tpu.vector_load_idx %arg8[%get3A_492] : memref<8192xf32, #tpu.memory_space<vmem>>[vector<16xi32>], vector<16xf32>,
    %gather3A_494 = tpu.vector_load_idx %arg9[%get3A_492] : memref<8192xf32, #tpu.memory_space<vmem>>[vector<16xi32>], vector<16xf32>,
    %swap3A_495 = arith.constant 736 : index
    %swap3A_496 = tpu.vector_load %arg11[%swap3A_495] {strides = array<i32>} : memref<2048xf32, #tpu.memory_space<vmem>>, vector<16xf32>,
    tpu.vector_store %arg11[%swap3A_495], %gather3A_493 {strides = array<i32>} : memref<2048xf32, #tpu.memory_space<vmem>>, vector<16xf32>,
    %swap3A_497 = arith.constant 736 : index
    %swap3A_498 = tpu.vector_load %arg12[%swap3A_497] {strides = array<i32>} : memref<2048xf32, #tpu.memory_space<vmem>>, vector<16xf32>,
    tpu.vector_store %arg12[%swap3A_497], %gather3A_494 {strides = array<i32>} : memref<2048xf32, #tpu.memory_space<vmem>>, vector<16xf32>,
    %add3A_499 = arith.addf %add3A_459, %gather3A_493 : vector<16xf32>
    %add3A_500 = arith.addf %add3A_460, %gather3A_494 : vector<16xf32>
    %get3A_501 = arith.constant 752 : index
    %get3A_502 = tpu.vector_load %arg10[%get3A_501] {strides = array<i32>} : memref<2048xi32, #tpu.memory_space<vmem>>, vector<16xi32>,
    %gather3A_503 = tpu.vector_load_idx %arg8[%get3A_502] : memref<8192xf32, #tpu.memory_space<vmem>>[vector<16xi32>], vector<16xf32>,
    %gather3A_504 = tpu.vector_load_idx %arg9[%get3A_502] : memref<8192xf32, #tpu.memory_space<vmem>>[vector<16xi32>], vector<16xf32>,
    %swap3A_505 = arith.constant 752 : index
    %swap3A_506 = tpu.vector_load %arg11[%swap3A_505] {strides = array<i32>} : memref<2048xf32, #tpu.memory_space<vmem>>, vector<16xf32>,
    tpu.vector_store %arg11[%swap3A_505], %gather3A_503 {strides = array<i32>} : memref<2048xf32, #tpu.memory_space<vmem>>, vector<16xf32>,
    %swap3A_507 = arith.constant 752 : index
    %swap3A_508 = tpu.vector_load %arg12[%swap3A_507] {strides = array<i32>} : memref<2048xf32, #tpu.memory_space<vmem>>, vector<16xf32>,
    tpu.vector_store %arg12[%swap3A_507], %gather3A_504 {strides = array<i32>} : memref<2048xf32, #tpu.memory_space<vmem>>, vector<16xf32>,
    %add3A_509 = arith.addf %add3A_469, %gather3A_503 : vector<16xf32>
    %add3A_510 = arith.addf %add3A_470, %gather3A_504 : vector<16xf32>
    %get3A_511 = arith.constant 768 : index
    %get3A_512 = tpu.vector_load %arg10[%get3A_511] {strides = array<i32>} : memref<2048xi32, #tpu.memory_space<vmem>>, vector<16xi32>,
    %gather3A_513 = tpu.vector_load_idx %arg8[%get3A_512] : memref<8192xf32, #tpu.memory_space<vmem>>[vector<16xi32>], vector<16xf32>,
    %gather3A_514 = tpu.vector_load_idx %arg9[%get3A_512] : memref<8192xf32, #tpu.memory_space<vmem>>[vector<16xi32>], vector<16xf32>,
    %swap3A_515 = arith.constant 768 : index
    %swap3A_516 = tpu.vector_load %arg11[%swap3A_515] {strides = array<i32>} : memref<2048xf32, #tpu.memory_space<vmem>>, vector<16xf32>,
    tpu.vector_store %arg11[%swap3A_515], %gather3A_513 {strides = array<i32>} : memref<2048xf32, #tpu.memory_space<vmem>>, vector<16xf32>,
    %swap3A_517 = arith.constant 768 : index
    %swap3A_518 = tpu.vector_load %arg12[%swap3A_517] {strides = array<i32>} : memref<2048xf32, #tpu.memory_space<vmem>>, vector<16xf32>,
    tpu.vector_store %arg12[%swap3A_517], %gather3A_514 {strides = array<i32>} : memref<2048xf32, #tpu.memory_space<vmem>>, vector<16xf32>,
    %add3A_519 = arith.addf %add3A_479, %gather3A_513 : vector<16xf32>
    %add3A_520 = arith.addf %add3A_480, %gather3A_514 : vector<16xf32>
    %get3A_521 = arith.constant 784 : index
    %get3A_522 = tpu.vector_load %arg10[%get3A_521] {strides = array<i32>} : memref<2048xi32, #tpu.memory_space<vmem>>, vector<16xi32>,
    %gather3A_523 = tpu.vector_load_idx %arg8[%get3A_522] : memref<8192xf32, #tpu.memory_space<vmem>>[vector<16xi32>], vector<16xf32>,
    %gather3A_524 = tpu.vector_load_idx %arg9[%get3A_522] : memref<8192xf32, #tpu.memory_space<vmem>>[vector<16xi32>], vector<16xf32>,
    %swap3A_525 = arith.constant 784 : index
    %swap3A_526 = tpu.vector_load %arg11[%swap3A_525] {strides = array<i32>} : memref<2048xf32, #tpu.memory_space<vmem>>, vector<16xf32>,
    tpu.vector_store %arg11[%swap3A_525], %gather3A_523 {strides = array<i32>} : memref<2048xf32, #tpu.memory_space<vmem>>, vector<16xf32>,
    %swap3A_527 = arith.constant 784 : index
    %swap3A_528 = tpu.vector_load %arg12[%swap3A_527] {strides = array<i32>} : memref<2048xf32, #tpu.memory_space<vmem>>, vector<16xf32>,
    tpu.vector_store %arg12[%swap3A_527], %gather3A_524 {strides = array<i32>} : memref<2048xf32, #tpu.memory_space<vmem>>, vector<16xf32>,
    %add3A_529 = arith.addf %add3A_489, %gather3A_523 : vector<16xf32>
    %add3A_530 = arith.addf %add3A_490, %gather3A_524 : vector<16xf32>
    %get3A_531 = arith.constant 800 : index
    %get3A_532 = tpu.vector_load %arg10[%get3A_531] {strides = array<i32>} : memref<2048xi32, #tpu.memory_space<vmem>>, vector<16xi32>,
    %gather3A_533 = tpu.vector_load_idx %arg8[%get3A_532] : memref<8192xf32, #tpu.memory_space<vmem>>[vector<16xi32>], vector<16xf32>,
    %gather3A_534 = tpu.vector_load_idx %arg9[%get3A_532] : memref<8192xf32, #tpu.memory_space<vmem>>[vector<16xi32>], vector<16xf32>,
    %swap3A_535 = arith.constant 800 : index
    %swap3A_536 = tpu.vector_load %arg11[%swap3A_535] {strides = array<i32>} : memref<2048xf32, #tpu.memory_space<vmem>>, vector<16xf32>,
    tpu.vector_store %arg11[%swap3A_535], %gather3A_533 {strides = array<i32>} : memref<2048xf32, #tpu.memory_space<vmem>>, vector<16xf32>,
    %swap3A_537 = arith.constant 800 : index
    %swap3A_538 = tpu.vector_load %arg12[%swap3A_537] {strides = array<i32>} : memref<2048xf32, #tpu.memory_space<vmem>>, vector<16xf32>,
    tpu.vector_store %arg12[%swap3A_537], %gather3A_534 {strides = array<i32>} : memref<2048xf32, #tpu.memory_space<vmem>>, vector<16xf32>,
    %add3A_539 = arith.addf %add3A_499, %gather3A_533 : vector<16xf32>
    %add3A_540 = arith.addf %add3A_500, %gather3A_534 : vector<16xf32>
    %get3A_541 = arith.constant 816 : index
    %get3A_542 = tpu.vector_load %arg10[%get3A_541] {strides = array<i32>} : memref<2048xi32, #tpu.memory_space<vmem>>, vector<16xi32>,
    %gather3A_543 = tpu.vector_load_idx %arg8[%get3A_542] : memref<8192xf32, #tpu.memory_space<vmem>>[vector<16xi32>], vector<16xf32>,
    %gather3A_544 = tpu.vector_load_idx %arg9[%get3A_542] : memref<8192xf32, #tpu.memory_space<vmem>>[vector<16xi32>], vector<16xf32>,
    %swap3A_545 = arith.constant 816 : index
    %swap3A_546 = tpu.vector_load %arg11[%swap3A_545] {strides = array<i32>} : memref<2048xf32, #tpu.memory_space<vmem>>, vector<16xf32>,
    tpu.vector_store %arg11[%swap3A_545], %gather3A_543 {strides = array<i32>} : memref<2048xf32, #tpu.memory_space<vmem>>, vector<16xf32>,
    %swap3A_547 = arith.constant 816 : index
    %swap3A_548 = tpu.vector_load %arg12[%swap3A_547] {strides = array<i32>} : memref<2048xf32, #tpu.memory_space<vmem>>, vector<16xf32>,
    tpu.vector_store %arg12[%swap3A_547], %gather3A_544 {strides = array<i32>} : memref<2048xf32, #tpu.memory_space<vmem>>, vector<16xf32>,
    %add3A_549 = arith.addf %add3A_509, %gather3A_543 : vector<16xf32>
    %add3A_550 = arith.addf %add3A_510, %gather3A_544 : vector<16xf32>
    %get3A_551 = arith.constant 832 : index
    %get3A_552 = tpu.vector_load %arg10[%get3A_551] {strides = array<i32>} : memref<2048xi32, #tpu.memory_space<vmem>>, vector<16xi32>,
    %gather3A_553 = tpu.vector_load_idx %arg8[%get3A_552] : memref<8192xf32, #tpu.memory_space<vmem>>[vector<16xi32>], vector<16xf32>,
    %gather3A_554 = tpu.vector_load_idx %arg9[%get3A_552] : memref<8192xf32, #tpu.memory_space<vmem>>[vector<16xi32>], vector<16xf32>,
    %swap3A_555 = arith.constant 832 : index
    %swap3A_556 = tpu.vector_load %arg11[%swap3A_555] {strides = array<i32>} : memref<2048xf32, #tpu.memory_space<vmem>>, vector<16xf32>,
    tpu.vector_store %arg11[%swap3A_555], %gather3A_553 {strides = array<i32>} : memref<2048xf32, #tpu.memory_space<vmem>>, vector<16xf32>,
    %swap3A_557 = arith.constant 832 : index
    %swap3A_558 = tpu.vector_load %arg12[%swap3A_557] {strides = array<i32>} : memref<2048xf32, #tpu.memory_space<vmem>>, vector<16xf32>,
    tpu.vector_store %arg12[%swap3A_557], %gather3A_554 {strides = array<i32>} : memref<2048xf32, #tpu.memory_space<vmem>>, vector<16xf32>,
    %add3A_559 = arith.addf %add3A_519, %gather3A_553 : vector<16xf32>
    %add3A_560 = arith.addf %add3A_520, %gather3A_554 : vector<16xf32>
    %get3A_561 = arith.constant 848 : index
    %get3A_562 = tpu.vector_load %arg10[%get3A_561] {strides = array<i32>} : memref<2048xi32, #tpu.memory_space<vmem>>, vector<16xi32>,
    %gather3A_563 = tpu.vector_load_idx %arg8[%get3A_562] : memref<8192xf32, #tpu.memory_space<vmem>>[vector<16xi32>], vector<16xf32>,
    %gather3A_564 = tpu.vector_load_idx %arg9[%get3A_562] : memref<8192xf32, #tpu.memory_space<vmem>>[vector<16xi32>], vector<16xf32>,
    %swap3A_565 = arith.constant 848 : index
    %swap3A_566 = tpu.vector_load %arg11[%swap3A_565] {strides = array<i32>} : memref<2048xf32, #tpu.memory_space<vmem>>, vector<16xf32>,
    tpu.vector_store %arg11[%swap3A_565], %gather3A_563 {strides = array<i32>} : memref<2048xf32, #tpu.memory_space<vmem>>, vector<16xf32>,
    %swap3A_567 = arith.constant 848 : index
    %swap3A_568 = tpu.vector_load %arg12[%swap3A_567] {strides = array<i32>} : memref<2048xf32, #tpu.memory_space<vmem>>, vector<16xf32>,
    tpu.vector_store %arg12[%swap3A_567], %gather3A_564 {strides = array<i32>} : memref<2048xf32, #tpu.memory_space<vmem>>, vector<16xf32>,
    %add3A_569 = arith.addf %add3A_529, %gather3A_563 : vector<16xf32>
    %add3A_570 = arith.addf %add3A_530, %gather3A_564 : vector<16xf32>
    %get3A_571 = arith.constant 864 : index
    %get3A_572 = tpu.vector_load %arg10[%get3A_571] {strides = array<i32>} : memref<2048xi32, #tpu.memory_space<vmem>>, vector<16xi32>,
    %gather3A_573 = tpu.vector_load_idx %arg8[%get3A_572] : memref<8192xf32, #tpu.memory_space<vmem>>[vector<16xi32>], vector<16xf32>,
    %gather3A_574 = tpu.vector_load_idx %arg9[%get3A_572] : memref<8192xf32, #tpu.memory_space<vmem>>[vector<16xi32>], vector<16xf32>,
    %swap3A_575 = arith.constant 864 : index
    %swap3A_576 = tpu.vector_load %arg11[%swap3A_575] {strides = array<i32>} : memref<2048xf32, #tpu.memory_space<vmem>>, vector<16xf32>,
    tpu.vector_store %arg11[%swap3A_575], %gather3A_573 {strides = array<i32>} : memref<2048xf32, #tpu.memory_space<vmem>>, vector<16xf32>,
    %swap3A_577 = arith.constant 864 : index
    %swap3A_578 = tpu.vector_load %arg12[%swap3A_577] {strides = array<i32>} : memref<2048xf32, #tpu.memory_space<vmem>>, vector<16xf32>,
    tpu.vector_store %arg12[%swap3A_577], %gather3A_574 {strides = array<i32>} : memref<2048xf32, #tpu.memory_space<vmem>>, vector<16xf32>,
    %add3A_579 = arith.addf %add3A_539, %gather3A_573 : vector<16xf32>
    %add3A_580 = arith.addf %add3A_540, %gather3A_574 : vector<16xf32>
    %get3A_581 = arith.constant 880 : index
    %get3A_582 = tpu.vector_load %arg10[%get3A_581] {strides = array<i32>} : memref<2048xi32, #tpu.memory_space<vmem>>, vector<16xi32>,
    %gather3A_583 = tpu.vector_load_idx %arg8[%get3A_582] : memref<8192xf32, #tpu.memory_space<vmem>>[vector<16xi32>], vector<16xf32>,
    %gather3A_584 = tpu.vector_load_idx %arg9[%get3A_582] : memref<8192xf32, #tpu.memory_space<vmem>>[vector<16xi32>], vector<16xf32>,
    %swap3A_585 = arith.constant 880 : index
    %swap3A_586 = tpu.vector_load %arg11[%swap3A_585] {strides = array<i32>} : memref<2048xf32, #tpu.memory_space<vmem>>, vector<16xf32>,
    tpu.vector_store %arg11[%swap3A_585], %gather3A_583 {strides = array<i32>} : memref<2048xf32, #tpu.memory_space<vmem>>, vector<16xf32>,
    %swap3A_587 = arith.constant 880 : index
    %swap3A_588 = tpu.vector_load %arg12[%swap3A_587] {strides = array<i32>} : memref<2048xf32, #tpu.memory_space<vmem>>, vector<16xf32>,
    tpu.vector_store %arg12[%swap3A_587], %gather3A_584 {strides = array<i32>} : memref<2048xf32, #tpu.memory_space<vmem>>, vector<16xf32>,
    %add3A_589 = arith.addf %add3A_549, %gather3A_583 : vector<16xf32>
    %add3A_590 = arith.addf %add3A_550, %gather3A_584 : vector<16xf32>
    %get3A_591 = arith.constant 896 : index
    %get3A_592 = tpu.vector_load %arg10[%get3A_591] {strides = array<i32>} : memref<2048xi32, #tpu.memory_space<vmem>>, vector<16xi32>,
    %gather3A_593 = tpu.vector_load_idx %arg8[%get3A_592] : memref<8192xf32, #tpu.memory_space<vmem>>[vector<16xi32>], vector<16xf32>,
    %gather3A_594 = tpu.vector_load_idx %arg9[%get3A_592] : memref<8192xf32, #tpu.memory_space<vmem>>[vector<16xi32>], vector<16xf32>,
    %swap3A_595 = arith.constant 896 : index
    %swap3A_596 = tpu.vector_load %arg11[%swap3A_595] {strides = array<i32>} : memref<2048xf32, #tpu.memory_space<vmem>>, vector<16xf32>,
    tpu.vector_store %arg11[%swap3A_595], %gather3A_593 {strides = array<i32>} : memref<2048xf32, #tpu.memory_space<vmem>>, vector<16xf32>,
    %swap3A_597 = arith.constant 896 : index
    %swap3A_598 = tpu.vector_load %arg12[%swap3A_597] {strides = array<i32>} : memref<2048xf32, #tpu.memory_space<vmem>>, vector<16xf32>,
    tpu.vector_store %arg12[%swap3A_597], %gather3A_594 {strides = array<i32>} : memref<2048xf32, #tpu.memory_space<vmem>>, vector<16xf32>,
    %add3A_599 = arith.addf %add3A_559, %gather3A_593 : vector<16xf32>
    %add3A_600 = arith.addf %add3A_560, %gather3A_594 : vector<16xf32>
    %get3A_601 = arith.constant 912 : index
    %get3A_602 = tpu.vector_load %arg10[%get3A_601] {strides = array<i32>} : memref<2048xi32, #tpu.memory_space<vmem>>, vector<16xi32>,
    %gather3A_603 = tpu.vector_load_idx %arg8[%get3A_602] : memref<8192xf32, #tpu.memory_space<vmem>>[vector<16xi32>], vector<16xf32>,
    %gather3A_604 = tpu.vector_load_idx %arg9[%get3A_602] : memref<8192xf32, #tpu.memory_space<vmem>>[vector<16xi32>], vector<16xf32>,
    %swap3A_605 = arith.constant 912 : index
    %swap3A_606 = tpu.vector_load %arg11[%swap3A_605] {strides = array<i32>} : memref<2048xf32, #tpu.memory_space<vmem>>, vector<16xf32>,
    tpu.vector_store %arg11[%swap3A_605], %gather3A_603 {strides = array<i32>} : memref<2048xf32, #tpu.memory_space<vmem>>, vector<16xf32>,
    %swap3A_607 = arith.constant 912 : index
    %swap3A_608 = tpu.vector_load %arg12[%swap3A_607] {strides = array<i32>} : memref<2048xf32, #tpu.memory_space<vmem>>, vector<16xf32>,
    tpu.vector_store %arg12[%swap3A_607], %gather3A_604 {strides = array<i32>} : memref<2048xf32, #tpu.memory_space<vmem>>, vector<16xf32>,
    %add3A_609 = arith.addf %add3A_569, %gather3A_603 : vector<16xf32>
    %add3A_610 = arith.addf %add3A_570, %gather3A_604 : vector<16xf32>
    %get3A_611 = arith.constant 928 : index
    %get3A_612 = tpu.vector_load %arg10[%get3A_611] {strides = array<i32>} : memref<2048xi32, #tpu.memory_space<vmem>>, vector<16xi32>,
    %gather3A_613 = tpu.vector_load_idx %arg8[%get3A_612] : memref<8192xf32, #tpu.memory_space<vmem>>[vector<16xi32>], vector<16xf32>,
    %gather3A_614 = tpu.vector_load_idx %arg9[%get3A_612] : memref<8192xf32, #tpu.memory_space<vmem>>[vector<16xi32>], vector<16xf32>,
    %swap3A_615 = arith.constant 928 : index
    %swap3A_616 = tpu.vector_load %arg11[%swap3A_615] {strides = array<i32>} : memref<2048xf32, #tpu.memory_space<vmem>>, vector<16xf32>,
    tpu.vector_store %arg11[%swap3A_615], %gather3A_613 {strides = array<i32>} : memref<2048xf32, #tpu.memory_space<vmem>>, vector<16xf32>,
    %swap3A_617 = arith.constant 928 : index
    %swap3A_618 = tpu.vector_load %arg12[%swap3A_617] {strides = array<i32>} : memref<2048xf32, #tpu.memory_space<vmem>>, vector<16xf32>,
    tpu.vector_store %arg12[%swap3A_617], %gather3A_614 {strides = array<i32>} : memref<2048xf32, #tpu.memory_space<vmem>>, vector<16xf32>,
    %add3A_619 = arith.addf %add3A_579, %gather3A_613 : vector<16xf32>
    %add3A_620 = arith.addf %add3A_580, %gather3A_614 : vector<16xf32>
    %get3A_621 = arith.constant 944 : index
    %get3A_622 = tpu.vector_load %arg10[%get3A_621] {strides = array<i32>} : memref<2048xi32, #tpu.memory_space<vmem>>, vector<16xi32>,
    %gather3A_623 = tpu.vector_load_idx %arg8[%get3A_622] : memref<8192xf32, #tpu.memory_space<vmem>>[vector<16xi32>], vector<16xf32>,
    %gather3A_624 = tpu.vector_load_idx %arg9[%get3A_622] : memref<8192xf32, #tpu.memory_space<vmem>>[vector<16xi32>], vector<16xf32>,
    %swap3A_625 = arith.constant 944 : index
    %swap3A_626 = tpu.vector_load %arg11[%swap3A_625] {strides = array<i32>} : memref<2048xf32, #tpu.memory_space<vmem>>, vector<16xf32>,
    tpu.vector_store %arg11[%swap3A_625], %gather3A_623 {strides = array<i32>} : memref<2048xf32, #tpu.memory_space<vmem>>, vector<16xf32>,
    %swap3A_627 = arith.constant 944 : index
    %swap3A_628 = tpu.vector_load %arg12[%swap3A_627] {strides = array<i32>} : memref<2048xf32, #tpu.memory_space<vmem>>, vector<16xf32>,
    tpu.vector_store %arg12[%swap3A_627], %gather3A_624 {strides = array<i32>} : memref<2048xf32, #tpu.memory_space<vmem>>, vector<16xf32>,
    %add3A_629 = arith.addf %add3A_589, %gather3A_623 : vector<16xf32>
    %add3A_630 = arith.addf %add3A_590, %gather3A_624 : vector<16xf32>
    %get3A_631 = arith.constant 960 : index
    %get3A_632 = tpu.vector_load %arg10[%get3A_631] {strides = array<i32>} : memref<2048xi32, #tpu.memory_space<vmem>>, vector<16xi32>,
    %gather3A_633 = tpu.vector_load_idx %arg8[%get3A_632] : memref<8192xf32, #tpu.memory_space<vmem>>[vector<16xi32>], vector<16xf32>,
    %gather3A_634 = tpu.vector_load_idx %arg9[%get3A_632] : memref<8192xf32, #tpu.memory_space<vmem>>[vector<16xi32>], vector<16xf32>,
    %swap3A_635 = arith.constant 960 : index
    %swap3A_636 = tpu.vector_load %arg11[%swap3A_635] {strides = array<i32>} : memref<2048xf32, #tpu.memory_space<vmem>>, vector<16xf32>,
    tpu.vector_store %arg11[%swap3A_635], %gather3A_633 {strides = array<i32>} : memref<2048xf32, #tpu.memory_space<vmem>>, vector<16xf32>,
    %swap3A_637 = arith.constant 960 : index
    %swap3A_638 = tpu.vector_load %arg12[%swap3A_637] {strides = array<i32>} : memref<2048xf32, #tpu.memory_space<vmem>>, vector<16xf32>,
    tpu.vector_store %arg12[%swap3A_637], %gather3A_634 {strides = array<i32>} : memref<2048xf32, #tpu.memory_space<vmem>>, vector<16xf32>,
    %add3A_639 = arith.addf %add3A_599, %gather3A_633 : vector<16xf32>
    %add3A_640 = arith.addf %add3A_600, %gather3A_634 : vector<16xf32>
    %get3A_641 = arith.constant 976 : index
    %get3A_642 = tpu.vector_load %arg10[%get3A_641] {strides = array<i32>} : memref<2048xi32, #tpu.memory_space<vmem>>, vector<16xi32>,
    %gather3A_643 = tpu.vector_load_idx %arg8[%get3A_642] : memref<8192xf32, #tpu.memory_space<vmem>>[vector<16xi32>], vector<16xf32>,
    %gather3A_644 = tpu.vector_load_idx %arg9[%get3A_642] : memref<8192xf32, #tpu.memory_space<vmem>>[vector<16xi32>], vector<16xf32>,
    %swap3A_645 = arith.constant 976 : index
    %swap3A_646 = tpu.vector_load %arg11[%swap3A_645] {strides = array<i32>} : memref<2048xf32, #tpu.memory_space<vmem>>, vector<16xf32>,
    tpu.vector_store %arg11[%swap3A_645], %gather3A_643 {strides = array<i32>} : memref<2048xf32, #tpu.memory_space<vmem>>, vector<16xf32>,
    %swap3A_647 = arith.constant 976 : index
    %swap3A_648 = tpu.vector_load %arg12[%swap3A_647] {strides = array<i32>} : memref<2048xf32, #tpu.memory_space<vmem>>, vector<16xf32>,
    tpu.vector_store %arg12[%swap3A_647], %gather3A_644 {strides = array<i32>} : memref<2048xf32, #tpu.memory_space<vmem>>, vector<16xf32>,
    %add3A_649 = arith.addf %add3A_609, %gather3A_643 : vector<16xf32>
    %add3A_650 = arith.addf %add3A_610, %gather3A_644 : vector<16xf32>
    %get3A_651 = arith.constant 992 : index
    %get3A_652 = tpu.vector_load %arg10[%get3A_651] {strides = array<i32>} : memref<2048xi32, #tpu.memory_space<vmem>>, vector<16xi32>,
    %gather3A_653 = tpu.vector_load_idx %arg8[%get3A_652] : memref<8192xf32, #tpu.memory_space<vmem>>[vector<16xi32>], vector<16xf32>,
    %gather3A_654 = tpu.vector_load_idx %arg9[%get3A_652] : memref<8192xf32, #tpu.memory_space<vmem>>[vector<16xi32>], vector<16xf32>,
    %swap3A_655 = arith.constant 992 : index
    %swap3A_656 = tpu.vector_load %arg11[%swap3A_655] {strides = array<i32>} : memref<2048xf32, #tpu.memory_space<vmem>>, vector<16xf32>,
    tpu.vector_store %arg11[%swap3A_655], %gather3A_653 {strides = array<i32>} : memref<2048xf32, #tpu.memory_space<vmem>>, vector<16xf32>,
    %swap3A_657 = arith.constant 992 : index
    %swap3A_658 = tpu.vector_load %arg12[%swap3A_657] {strides = array<i32>} : memref<2048xf32, #tpu.memory_space<vmem>>, vector<16xf32>,
    tpu.vector_store %arg12[%swap3A_657], %gather3A_654 {strides = array<i32>} : memref<2048xf32, #tpu.memory_space<vmem>>, vector<16xf32>,
    %add3A_659 = arith.addf %add3A_619, %gather3A_653 : vector<16xf32>
    %add3A_660 = arith.addf %add3A_620, %gather3A_654 : vector<16xf32>
    %get3A_661 = arith.constant 1008 : index
    %get3A_662 = tpu.vector_load %arg10[%get3A_661] {strides = array<i32>} : memref<2048xi32, #tpu.memory_space<vmem>>, vector<16xi32>,
    %gather3A_663 = tpu.vector_load_idx %arg8[%get3A_662] : memref<8192xf32, #tpu.memory_space<vmem>>[vector<16xi32>], vector<16xf32>,
    %gather3A_664 = tpu.vector_load_idx %arg9[%get3A_662] : memref<8192xf32, #tpu.memory_space<vmem>>[vector<16xi32>], vector<16xf32>,
    %swap3A_665 = arith.constant 1008 : index
    %swap3A_666 = tpu.vector_load %arg11[%swap3A_665] {strides = array<i32>} : memref<2048xf32, #tpu.memory_space<vmem>>, vector<16xf32>,
    tpu.vector_store %arg11[%swap3A_665], %gather3A_663 {strides = array<i32>} : memref<2048xf32, #tpu.memory_space<vmem>>, vector<16xf32>,
    %swap3A_667 = arith.constant 1008 : index
    %swap3A_668 = tpu.vector_load %arg12[%swap3A_667] {strides = array<i32>} : memref<2048xf32, #tpu.memory_space<vmem>>, vector<16xf32>,
    tpu.vector_store %arg12[%swap3A_667], %gather3A_664 {strides = array<i32>} : memref<2048xf32, #tpu.memory_space<vmem>>, vector<16xf32>,
    %add3A_669 = arith.addf %add3A_629, %gather3A_663 : vector<16xf32>
    %add3A_670 = arith.addf %add3A_630, %gather3A_664 : vector<16xf32>
    %add3A_671 = arith.addf %add3A_639, %add3A_649 : vector<16xf32>
    %add3A_672 = arith.addf %add3A_671, %add3A_659 : vector<16xf32>
    %add3A_673 = arith.addf %add3A_672, %add3A_669 : vector<16xf32>
    %reduce_sum3A = arith.constant true
    %reduce_sum3A_674 = vector.broadcast %reduce_sum3A : i1 to vector<16xi1>
    %reduce_sum3A_675 = tpu.scan <sum>, %add3A_673 masked %reduce_sum3A_674 : vector<16xf32>, vector<16xi1> -> vector<16xf32>
    %reduce_sum3A_676 = vector.extract %reduce_sum3A_675[15] : f32 from vector<16xf32>
    %mul3A_677 = arith.constant 9.765625E-4 : f32
    %mul3A_678 = arith.mulf %reduce_sum3A_676, %mul3A_677 : f32
    %add3A_679 = arith.addf %add3A_640, %add3A_650 : vector<16xf32>
    %add3A_680 = arith.addf %add3A_679, %add3A_660 : vector<16xf32>
    %add3A_681 = arith.addf %add3A_680, %add3A_670 : vector<16xf32>
    %reduce_sum3A_682 = arith.constant true
    %reduce_sum3A_683 = vector.broadcast %reduce_sum3A_682 : i1 to vector<16xi1>
    %reduce_sum3A_684 = tpu.scan <sum>, %add3A_681 masked %reduce_sum3A_683 : vector<16xf32>, vector<16xi1> -> vector<16xf32>
    %reduce_sum3A_685 = vector.extract %reduce_sum3A_684[15] : f32 from vector<16xf32>
    %mul3A_686 = arith.constant 9.765625E-4 : f32
    %mul3A_687 = arith.mulf %reduce_sum3A_685, %mul3A_686 : f32
    %eq3A = arith.constant 0 : i32
    %eq3A_688 = vector.broadcast %eq3A : i32 to vector<16xi32>
    %eq3A_689 = arith.cmpi eq, %iota3A, %eq3A_688 : vector<16xi32>
    %jit3A = arith.constant 0.000000e+00 : f32
    %broadcast_in_dim3A_690 = vector.broadcast %mul3A_678 : f32 to vector<16xf32>
    %broadcast_in_dim3A_691 = vector.broadcast %jit3A : f32 to vector<16xf32>
    %select_n3A = arith.select %eq3A_689, %broadcast_in_dim3A_690, %broadcast_in_dim3A_691 : vector<16xi1>, vector<16xf32>
    %add3A_692 = arith.addf %broadcast_in_dim3A_33, %select_n3A : vector<16xf32>
    %eq3A_693 = arith.constant 2 : i32
    %eq3A_694 = vector.broadcast %eq3A_693 : i32 to vector<16xi32>
    %eq3A_695 = arith.cmpi eq, %iota3A, %eq3A_694 : vector<16xi32>
    %jit3A_696 = arith.constant 0.000000e+00 : f32
    %broadcast_in_dim3A_697 = vector.broadcast %mul3A_687 : f32 to vector<16xf32>
    %broadcast_in_dim3A_698 = vector.broadcast %jit3A_696 : f32 to vector<16xf32>
    %select_n3A_699 = arith.select %eq3A_695, %broadcast_in_dim3A_697, %broadcast_in_dim3A_698 : vector<16xi1>, vector<16xf32>
    %add3A_700 = arith.addf %add3A_692, %select_n3A_699 : vector<16xf32>
    %get3A_701 = arith.constant 1024 : index
    %get3A_702 = tpu.vector_load %arg10[%get3A_701] {strides = array<i32>} : memref<2048xi32, #tpu.memory_space<vmem>>, vector<16xi32>,
    %gather3A_703 = tpu.vector_load_idx %arg8[%get3A_702] : memref<8192xf32, #tpu.memory_space<vmem>>[vector<16xi32>], vector<16xf32>,
    %gather3A_704 = tpu.vector_load_idx %arg9[%get3A_702] : memref<8192xf32, #tpu.memory_space<vmem>>[vector<16xi32>], vector<16xf32>,
    %swap3A_705 = arith.constant 1024 : index
    %swap3A_706 = tpu.vector_load %arg11[%swap3A_705] {strides = array<i32>} : memref<2048xf32, #tpu.memory_space<vmem>>, vector<16xf32>,
    tpu.vector_store %arg11[%swap3A_705], %gather3A_703 {strides = array<i32>} : memref<2048xf32, #tpu.memory_space<vmem>>, vector<16xf32>,
    %swap3A_707 = arith.constant 1024 : index
    %swap3A_708 = tpu.vector_load %arg12[%swap3A_707] {strides = array<i32>} : memref<2048xf32, #tpu.memory_space<vmem>>, vector<16xf32>,
    tpu.vector_store %arg12[%swap3A_707], %gather3A_704 {strides = array<i32>} : memref<2048xf32, #tpu.memory_space<vmem>>, vector<16xf32>,
    %add3A_709 = arith.addf %broadcast_in_dim3A_33, %gather3A_703 : vector<16xf32>
    %add3A_710 = arith.addf %broadcast_in_dim3A_33, %gather3A_704 : vector<16xf32>
    %get3A_711 = arith.constant 1040 : index
    %get3A_712 = tpu.vector_load %arg10[%get3A_711] {strides = array<i32>} : memref<2048xi32, #tpu.memory_space<vmem>>, vector<16xi32>,
    %gather3A_713 = tpu.vector_load_idx %arg8[%get3A_712] : memref<8192xf32, #tpu.memory_space<vmem>>[vector<16xi32>], vector<16xf32>,
    %gather3A_714 = tpu.vector_load_idx %arg9[%get3A_712] : memref<8192xf32, #tpu.memory_space<vmem>>[vector<16xi32>], vector<16xf32>,
    %swap3A_715 = arith.constant 1040 : index
    %swap3A_716 = tpu.vector_load %arg11[%swap3A_715] {strides = array<i32>} : memref<2048xf32, #tpu.memory_space<vmem>>, vector<16xf32>,
    tpu.vector_store %arg11[%swap3A_715], %gather3A_713 {strides = array<i32>} : memref<2048xf32, #tpu.memory_space<vmem>>, vector<16xf32>,
    %swap3A_717 = arith.constant 1040 : index
    %swap3A_718 = tpu.vector_load %arg12[%swap3A_717] {strides = array<i32>} : memref<2048xf32, #tpu.memory_space<vmem>>, vector<16xf32>,
    tpu.vector_store %arg12[%swap3A_717], %gather3A_714 {strides = array<i32>} : memref<2048xf32, #tpu.memory_space<vmem>>, vector<16xf32>,
    %add3A_719 = arith.addf %broadcast_in_dim3A_33, %gather3A_713 : vector<16xf32>
    %add3A_720 = arith.addf %broadcast_in_dim3A_33, %gather3A_714 : vector<16xf32>
    %get3A_721 = arith.constant 1056 : index
    %get3A_722 = tpu.vector_load %arg10[%get3A_721] {strides = array<i32>} : memref<2048xi32, #tpu.memory_space<vmem>>, vector<16xi32>,
    %gather3A_723 = tpu.vector_load_idx %arg8[%get3A_722] : memref<8192xf32, #tpu.memory_space<vmem>>[vector<16xi32>], vector<16xf32>,
    %gather3A_724 = tpu.vector_load_idx %arg9[%get3A_722] : memref<8192xf32, #tpu.memory_space<vmem>>[vector<16xi32>], vector<16xf32>,
    %swap3A_725 = arith.constant 1056 : index
    %swap3A_726 = tpu.vector_load %arg11[%swap3A_725] {strides = array<i32>} : memref<2048xf32, #tpu.memory_space<vmem>>, vector<16xf32>,
    tpu.vector_store %arg11[%swap3A_725], %gather3A_723 {strides = array<i32>} : memref<2048xf32, #tpu.memory_space<vmem>>, vector<16xf32>,
    %swap3A_727 = arith.constant 1056 : index
    %swap3A_728 = tpu.vector_load %arg12[%swap3A_727] {strides = array<i32>} : memref<2048xf32, #tpu.memory_space<vmem>>, vector<16xf32>,
    tpu.vector_store %arg12[%swap3A_727], %gather3A_724 {strides = array<i32>} : memref<2048xf32, #tpu.memory_space<vmem>>, vector<16xf32>,
    %add3A_729 = arith.addf %broadcast_in_dim3A_33, %gather3A_723 : vector<16xf32>
    %add3A_730 = arith.addf %broadcast_in_dim3A_33, %gather3A_724 : vector<16xf32>
    %get3A_731 = arith.constant 1072 : index
    %get3A_732 = tpu.vector_load %arg10[%get3A_731] {strides = array<i32>} : memref<2048xi32, #tpu.memory_space<vmem>>, vector<16xi32>,
    %gather3A_733 = tpu.vector_load_idx %arg8[%get3A_732] : memref<8192xf32, #tpu.memory_space<vmem>>[vector<16xi32>], vector<16xf32>,
    %gather3A_734 = tpu.vector_load_idx %arg9[%get3A_732] : memref<8192xf32, #tpu.memory_space<vmem>>[vector<16xi32>], vector<16xf32>,
    %swap3A_735 = arith.constant 1072 : index
    %swap3A_736 = tpu.vector_load %arg11[%swap3A_735] {strides = array<i32>} : memref<2048xf32, #tpu.memory_space<vmem>>, vector<16xf32>,
    tpu.vector_store %arg11[%swap3A_735], %gather3A_733 {strides = array<i32>} : memref<2048xf32, #tpu.memory_space<vmem>>, vector<16xf32>,
    %swap3A_737 = arith.constant 1072 : index
    %swap3A_738 = tpu.vector_load %arg12[%swap3A_737] {strides = array<i32>} : memref<2048xf32, #tpu.memory_space<vmem>>, vector<16xf32>,
    tpu.vector_store %arg12[%swap3A_737], %gather3A_734 {strides = array<i32>} : memref<2048xf32, #tpu.memory_space<vmem>>, vector<16xf32>,
    %add3A_739 = arith.addf %broadcast_in_dim3A_33, %gather3A_733 : vector<16xf32>
    %add3A_740 = arith.addf %broadcast_in_dim3A_33, %gather3A_734 : vector<16xf32>
    %get3A_741 = arith.constant 1088 : index
    %get3A_742 = tpu.vector_load %arg10[%get3A_741] {strides = array<i32>} : memref<2048xi32, #tpu.memory_space<vmem>>, vector<16xi32>,
    %gather3A_743 = tpu.vector_load_idx %arg8[%get3A_742] : memref<8192xf32, #tpu.memory_space<vmem>>[vector<16xi32>], vector<16xf32>,
    %gather3A_744 = tpu.vector_load_idx %arg9[%get3A_742] : memref<8192xf32, #tpu.memory_space<vmem>>[vector<16xi32>], vector<16xf32>,
    %swap3A_745 = arith.constant 1088 : index
    %swap3A_746 = tpu.vector_load %arg11[%swap3A_745] {strides = array<i32>} : memref<2048xf32, #tpu.memory_space<vmem>>, vector<16xf32>,
    tpu.vector_store %arg11[%swap3A_745], %gather3A_743 {strides = array<i32>} : memref<2048xf32, #tpu.memory_space<vmem>>, vector<16xf32>,
    %swap3A_747 = arith.constant 1088 : index
    %swap3A_748 = tpu.vector_load %arg12[%swap3A_747] {strides = array<i32>} : memref<2048xf32, #tpu.memory_space<vmem>>, vector<16xf32>,
    tpu.vector_store %arg12[%swap3A_747], %gather3A_744 {strides = array<i32>} : memref<2048xf32, #tpu.memory_space<vmem>>, vector<16xf32>,
    %add3A_749 = arith.addf %add3A_709, %gather3A_743 : vector<16xf32>
    %add3A_750 = arith.addf %add3A_710, %gather3A_744 : vector<16xf32>
    %get3A_751 = arith.constant 1104 : index
    %get3A_752 = tpu.vector_load %arg10[%get3A_751] {strides = array<i32>} : memref<2048xi32, #tpu.memory_space<vmem>>, vector<16xi32>,
    %gather3A_753 = tpu.vector_load_idx %arg8[%get3A_752] : memref<8192xf32, #tpu.memory_space<vmem>>[vector<16xi32>], vector<16xf32>,
    %gather3A_754 = tpu.vector_load_idx %arg9[%get3A_752] : memref<8192xf32, #tpu.memory_space<vmem>>[vector<16xi32>], vector<16xf32>,
    %swap3A_755 = arith.constant 1104 : index
    %swap3A_756 = tpu.vector_load %arg11[%swap3A_755] {strides = array<i32>} : memref<2048xf32, #tpu.memory_space<vmem>>, vector<16xf32>,
    tpu.vector_store %arg11[%swap3A_755], %gather3A_753 {strides = array<i32>} : memref<2048xf32, #tpu.memory_space<vmem>>, vector<16xf32>,
    %swap3A_757 = arith.constant 1104 : index
    %swap3A_758 = tpu.vector_load %arg12[%swap3A_757] {strides = array<i32>} : memref<2048xf32, #tpu.memory_space<vmem>>, vector<16xf32>,
    tpu.vector_store %arg12[%swap3A_757], %gather3A_754 {strides = array<i32>} : memref<2048xf32, #tpu.memory_space<vmem>>, vector<16xf32>,
    %add3A_759 = arith.addf %add3A_719, %gather3A_753 : vector<16xf32>
    %add3A_760 = arith.addf %add3A_720, %gather3A_754 : vector<16xf32>
    %get3A_761 = arith.constant 1120 : index
    %get3A_762 = tpu.vector_load %arg10[%get3A_761] {strides = array<i32>} : memref<2048xi32, #tpu.memory_space<vmem>>, vector<16xi32>,
    %gather3A_763 = tpu.vector_load_idx %arg8[%get3A_762] : memref<8192xf32, #tpu.memory_space<vmem>>[vector<16xi32>], vector<16xf32>,
    %gather3A_764 = tpu.vector_load_idx %arg9[%get3A_762] : memref<8192xf32, #tpu.memory_space<vmem>>[vector<16xi32>], vector<16xf32>,
    %swap3A_765 = arith.constant 1120 : index
    %swap3A_766 = tpu.vector_load %arg11[%swap3A_765] {strides = array<i32>} : memref<2048xf32, #tpu.memory_space<vmem>>, vector<16xf32>,
    tpu.vector_store %arg11[%swap3A_765], %gather3A_763 {strides = array<i32>} : memref<2048xf32, #tpu.memory_space<vmem>>, vector<16xf32>,
    %swap3A_767 = arith.constant 1120 : index
    %swap3A_768 = tpu.vector_load %arg12[%swap3A_767] {strides = array<i32>} : memref<2048xf32, #tpu.memory_space<vmem>>, vector<16xf32>,
    tpu.vector_store %arg12[%swap3A_767], %gather3A_764 {strides = array<i32>} : memref<2048xf32, #tpu.memory_space<vmem>>, vector<16xf32>,
    %add3A_769 = arith.addf %add3A_729, %gather3A_763 : vector<16xf32>
    %add3A_770 = arith.addf %add3A_730, %gather3A_764 : vector<16xf32>
    %get3A_771 = arith.constant 1136 : index
    %get3A_772 = tpu.vector_load %arg10[%get3A_771] {strides = array<i32>} : memref<2048xi32, #tpu.memory_space<vmem>>, vector<16xi32>,
    %gather3A_773 = tpu.vector_load_idx %arg8[%get3A_772] : memref<8192xf32, #tpu.memory_space<vmem>>[vector<16xi32>], vector<16xf32>,
    %gather3A_774 = tpu.vector_load_idx %arg9[%get3A_772] : memref<8192xf32, #tpu.memory_space<vmem>>[vector<16xi32>], vector<16xf32>,
    %swap3A_775 = arith.constant 1136 : index
    %swap3A_776 = tpu.vector_load %arg11[%swap3A_775] {strides = array<i32>} : memref<2048xf32, #tpu.memory_space<vmem>>, vector<16xf32>,
    tpu.vector_store %arg11[%swap3A_775], %gather3A_773 {strides = array<i32>} : memref<2048xf32, #tpu.memory_space<vmem>>, vector<16xf32>,
    %swap3A_777 = arith.constant 1136 : index
    %swap3A_778 = tpu.vector_load %arg12[%swap3A_777] {strides = array<i32>} : memref<2048xf32, #tpu.memory_space<vmem>>, vector<16xf32>,
    tpu.vector_store %arg12[%swap3A_777], %gather3A_774 {strides = array<i32>} : memref<2048xf32, #tpu.memory_space<vmem>>, vector<16xf32>,
    %add3A_779 = arith.addf %add3A_739, %gather3A_773 : vector<16xf32>
    %add3A_780 = arith.addf %add3A_740, %gather3A_774 : vector<16xf32>
    %get3A_781 = arith.constant 1152 : index
    %get3A_782 = tpu.vector_load %arg10[%get3A_781] {strides = array<i32>} : memref<2048xi32, #tpu.memory_space<vmem>>, vector<16xi32>,
    %gather3A_783 = tpu.vector_load_idx %arg8[%get3A_782] : memref<8192xf32, #tpu.memory_space<vmem>>[vector<16xi32>], vector<16xf32>,
    %gather3A_784 = tpu.vector_load_idx %arg9[%get3A_782] : memref<8192xf32, #tpu.memory_space<vmem>>[vector<16xi32>], vector<16xf32>,
    %swap3A_785 = arith.constant 1152 : index
    %swap3A_786 = tpu.vector_load %arg11[%swap3A_785] {strides = array<i32>} : memref<2048xf32, #tpu.memory_space<vmem>>, vector<16xf32>,
    tpu.vector_store %arg11[%swap3A_785], %gather3A_783 {strides = array<i32>} : memref<2048xf32, #tpu.memory_space<vmem>>, vector<16xf32>,
    %swap3A_787 = arith.constant 1152 : index
    %swap3A_788 = tpu.vector_load %arg12[%swap3A_787] {strides = array<i32>} : memref<2048xf32, #tpu.memory_space<vmem>>, vector<16xf32>,
    tpu.vector_store %arg12[%swap3A_787], %gather3A_784 {strides = array<i32>} : memref<2048xf32, #tpu.memory_space<vmem>>, vector<16xf32>,
    %add3A_789 = arith.addf %add3A_749, %gather3A_783 : vector<16xf32>
    %add3A_790 = arith.addf %add3A_750, %gather3A_784 : vector<16xf32>
    %get3A_791 = arith.constant 1168 : index
    %get3A_792 = tpu.vector_load %arg10[%get3A_791] {strides = array<i32>} : memref<2048xi32, #tpu.memory_space<vmem>>, vector<16xi32>,
    %gather3A_793 = tpu.vector_load_idx %arg8[%get3A_792] : memref<8192xf32, #tpu.memory_space<vmem>>[vector<16xi32>], vector<16xf32>,
    %gather3A_794 = tpu.vector_load_idx %arg9[%get3A_792] : memref<8192xf32, #tpu.memory_space<vmem>>[vector<16xi32>], vector<16xf32>,
    %swap3A_795 = arith.constant 1168 : index
    %swap3A_796 = tpu.vector_load %arg11[%swap3A_795] {strides = array<i32>} : memref<2048xf32, #tpu.memory_space<vmem>>, vector<16xf32>,
    tpu.vector_store %arg11[%swap3A_795], %gather3A_793 {strides = array<i32>} : memref<2048xf32, #tpu.memory_space<vmem>>, vector<16xf32>,
    %swap3A_797 = arith.constant 1168 : index
    %swap3A_798 = tpu.vector_load %arg12[%swap3A_797] {strides = array<i32>} : memref<2048xf32, #tpu.memory_space<vmem>>, vector<16xf32>,
    tpu.vector_store %arg12[%swap3A_797], %gather3A_794 {strides = array<i32>} : memref<2048xf32, #tpu.memory_space<vmem>>, vector<16xf32>,
    %add3A_799 = arith.addf %add3A_759, %gather3A_793 : vector<16xf32>
    %add3A_800 = arith.addf %add3A_760, %gather3A_794 : vector<16xf32>
    %get3A_801 = arith.constant 1184 : index
    %get3A_802 = tpu.vector_load %arg10[%get3A_801] {strides = array<i32>} : memref<2048xi32, #tpu.memory_space<vmem>>, vector<16xi32>,
    %gather3A_803 = tpu.vector_load_idx %arg8[%get3A_802] : memref<8192xf32, #tpu.memory_space<vmem>>[vector<16xi32>], vector<16xf32>,
    %gather3A_804 = tpu.vector_load_idx %arg9[%get3A_802] : memref<8192xf32, #tpu.memory_space<vmem>>[vector<16xi32>], vector<16xf32>,
    %swap3A_805 = arith.constant 1184 : index
    %swap3A_806 = tpu.vector_load %arg11[%swap3A_805] {strides = array<i32>} : memref<2048xf32, #tpu.memory_space<vmem>>, vector<16xf32>,
    tpu.vector_store %arg11[%swap3A_805], %gather3A_803 {strides = array<i32>} : memref<2048xf32, #tpu.memory_space<vmem>>, vector<16xf32>,
    %swap3A_807 = arith.constant 1184 : index
    %swap3A_808 = tpu.vector_load %arg12[%swap3A_807] {strides = array<i32>} : memref<2048xf32, #tpu.memory_space<vmem>>, vector<16xf32>,
    tpu.vector_store %arg12[%swap3A_807], %gather3A_804 {strides = array<i32>} : memref<2048xf32, #tpu.memory_space<vmem>>, vector<16xf32>,
    %add3A_809 = arith.addf %add3A_769, %gather3A_803 : vector<16xf32>
    %add3A_810 = arith.addf %add3A_770, %gather3A_804 : vector<16xf32>
    %get3A_811 = arith.constant 1200 : index
    %get3A_812 = tpu.vector_load %arg10[%get3A_811] {strides = array<i32>} : memref<2048xi32, #tpu.memory_space<vmem>>, vector<16xi32>,
    %gather3A_813 = tpu.vector_load_idx %arg8[%get3A_812] : memref<8192xf32, #tpu.memory_space<vmem>>[vector<16xi32>], vector<16xf32>,
    %gather3A_814 = tpu.vector_load_idx %arg9[%get3A_812] : memref<8192xf32, #tpu.memory_space<vmem>>[vector<16xi32>], vector<16xf32>,
    %swap3A_815 = arith.constant 1200 : index
    %swap3A_816 = tpu.vector_load %arg11[%swap3A_815] {strides = array<i32>} : memref<2048xf32, #tpu.memory_space<vmem>>, vector<16xf32>,
    tpu.vector_store %arg11[%swap3A_815], %gather3A_813 {strides = array<i32>} : memref<2048xf32, #tpu.memory_space<vmem>>, vector<16xf32>,
    %swap3A_817 = arith.constant 1200 : index
    %swap3A_818 = tpu.vector_load %arg12[%swap3A_817] {strides = array<i32>} : memref<2048xf32, #tpu.memory_space<vmem>>, vector<16xf32>,
    tpu.vector_store %arg12[%swap3A_817], %gather3A_814 {strides = array<i32>} : memref<2048xf32, #tpu.memory_space<vmem>>, vector<16xf32>,
    %add3A_819 = arith.addf %add3A_779, %gather3A_813 : vector<16xf32>
    %add3A_820 = arith.addf %add3A_780, %gather3A_814 : vector<16xf32>
    %get3A_821 = arith.constant 1216 : index
    %get3A_822 = tpu.vector_load %arg10[%get3A_821] {strides = array<i32>} : memref<2048xi32, #tpu.memory_space<vmem>>, vector<16xi32>,
    %gather3A_823 = tpu.vector_load_idx %arg8[%get3A_822] : memref<8192xf32, #tpu.memory_space<vmem>>[vector<16xi32>], vector<16xf32>,
    %gather3A_824 = tpu.vector_load_idx %arg9[%get3A_822] : memref<8192xf32, #tpu.memory_space<vmem>>[vector<16xi32>], vector<16xf32>,
    %swap3A_825 = arith.constant 1216 : index
    %swap3A_826 = tpu.vector_load %arg11[%swap3A_825] {strides = array<i32>} : memref<2048xf32, #tpu.memory_space<vmem>>, vector<16xf32>,
    tpu.vector_store %arg11[%swap3A_825], %gather3A_823 {strides = array<i32>} : memref<2048xf32, #tpu.memory_space<vmem>>, vector<16xf32>,
    %swap3A_827 = arith.constant 1216 : index
    %swap3A_828 = tpu.vector_load %arg12[%swap3A_827] {strides = array<i32>} : memref<2048xf32, #tpu.memory_space<vmem>>, vector<16xf32>,
    tpu.vector_store %arg12[%swap3A_827], %gather3A_824 {strides = array<i32>} : memref<2048xf32, #tpu.memory_space<vmem>>, vector<16xf32>,
    %add3A_829 = arith.addf %add3A_789, %gather3A_823 : vector<16xf32>
    %add3A_830 = arith.addf %add3A_790, %gather3A_824 : vector<16xf32>
    %get3A_831 = arith.constant 1232 : index
    %get3A_832 = tpu.vector_load %arg10[%get3A_831] {strides = array<i32>} : memref<2048xi32, #tpu.memory_space<vmem>>, vector<16xi32>,
    %gather3A_833 = tpu.vector_load_idx %arg8[%get3A_832] : memref<8192xf32, #tpu.memory_space<vmem>>[vector<16xi32>], vector<16xf32>,
    %gather3A_834 = tpu.vector_load_idx %arg9[%get3A_832] : memref<8192xf32, #tpu.memory_space<vmem>>[vector<16xi32>], vector<16xf32>,
    %swap3A_835 = arith.constant 1232 : index
    %swap3A_836 = tpu.vector_load %arg11[%swap3A_835] {strides = array<i32>} : memref<2048xf32, #tpu.memory_space<vmem>>, vector<16xf32>,
    tpu.vector_store %arg11[%swap3A_835], %gather3A_833 {strides = array<i32>} : memref<2048xf32, #tpu.memory_space<vmem>>, vector<16xf32>,
    %swap3A_837 = arith.constant 1232 : index
    %swap3A_838 = tpu.vector_load %arg12[%swap3A_837] {strides = array<i32>} : memref<2048xf32, #tpu.memory_space<vmem>>, vector<16xf32>,
    tpu.vector_store %arg12[%swap3A_837], %gather3A_834 {strides = array<i32>} : memref<2048xf32, #tpu.memory_space<vmem>>, vector<16xf32>,
    %add3A_839 = arith.addf %add3A_799, %gather3A_833 : vector<16xf32>
    %add3A_840 = arith.addf %add3A_800, %gather3A_834 : vector<16xf32>
    %get3A_841 = arith.constant 1248 : index
    %get3A_842 = tpu.vector_load %arg10[%get3A_841] {strides = array<i32>} : memref<2048xi32, #tpu.memory_space<vmem>>, vector<16xi32>,
    %gather3A_843 = tpu.vector_load_idx %arg8[%get3A_842] : memref<8192xf32, #tpu.memory_space<vmem>>[vector<16xi32>], vector<16xf32>,
    %gather3A_844 = tpu.vector_load_idx %arg9[%get3A_842] : memref<8192xf32, #tpu.memory_space<vmem>>[vector<16xi32>], vector<16xf32>,
    %swap3A_845 = arith.constant 1248 : index
    %swap3A_846 = tpu.vector_load %arg11[%swap3A_845] {strides = array<i32>} : memref<2048xf32, #tpu.memory_space<vmem>>, vector<16xf32>,
    tpu.vector_store %arg11[%swap3A_845], %gather3A_843 {strides = array<i32>} : memref<2048xf32, #tpu.memory_space<vmem>>, vector<16xf32>,
    %swap3A_847 = arith.constant 1248 : index
    %swap3A_848 = tpu.vector_load %arg12[%swap3A_847] {strides = array<i32>} : memref<2048xf32, #tpu.memory_space<vmem>>, vector<16xf32>,
    tpu.vector_store %arg12[%swap3A_847], %gather3A_844 {strides = array<i32>} : memref<2048xf32, #tpu.memory_space<vmem>>, vector<16xf32>,
    %add3A_849 = arith.addf %add3A_809, %gather3A_843 : vector<16xf32>
    %add3A_850 = arith.addf %add3A_810, %gather3A_844 : vector<16xf32>
    %get3A_851 = arith.constant 1264 : index
    %get3A_852 = tpu.vector_load %arg10[%get3A_851] {strides = array<i32>} : memref<2048xi32, #tpu.memory_space<vmem>>, vector<16xi32>,
    %gather3A_853 = tpu.vector_load_idx %arg8[%get3A_852] : memref<8192xf32, #tpu.memory_space<vmem>>[vector<16xi32>], vector<16xf32>,
    %gather3A_854 = tpu.vector_load_idx %arg9[%get3A_852] : memref<8192xf32, #tpu.memory_space<vmem>>[vector<16xi32>], vector<16xf32>,
    %swap3A_855 = arith.constant 1264 : index
    %swap3A_856 = tpu.vector_load %arg11[%swap3A_855] {strides = array<i32>} : memref<2048xf32, #tpu.memory_space<vmem>>, vector<16xf32>,
    tpu.vector_store %arg11[%swap3A_855], %gather3A_853 {strides = array<i32>} : memref<2048xf32, #tpu.memory_space<vmem>>, vector<16xf32>,
    %swap3A_857 = arith.constant 1264 : index
    %swap3A_858 = tpu.vector_load %arg12[%swap3A_857] {strides = array<i32>} : memref<2048xf32, #tpu.memory_space<vmem>>, vector<16xf32>,
    tpu.vector_store %arg12[%swap3A_857], %gather3A_854 {strides = array<i32>} : memref<2048xf32, #tpu.memory_space<vmem>>, vector<16xf32>,
    %add3A_859 = arith.addf %add3A_819, %gather3A_853 : vector<16xf32>
    %add3A_860 = arith.addf %add3A_820, %gather3A_854 : vector<16xf32>
    %get3A_861 = arith.constant 1280 : index
    %get3A_862 = tpu.vector_load %arg10[%get3A_861] {strides = array<i32>} : memref<2048xi32, #tpu.memory_space<vmem>>, vector<16xi32>,
    %gather3A_863 = tpu.vector_load_idx %arg8[%get3A_862] : memref<8192xf32, #tpu.memory_space<vmem>>[vector<16xi32>], vector<16xf32>,
    %gather3A_864 = tpu.vector_load_idx %arg9[%get3A_862] : memref<8192xf32, #tpu.memory_space<vmem>>[vector<16xi32>], vector<16xf32>,
    %swap3A_865 = arith.constant 1280 : index
    %swap3A_866 = tpu.vector_load %arg11[%swap3A_865] {strides = array<i32>} : memref<2048xf32, #tpu.memory_space<vmem>>, vector<16xf32>,
    tpu.vector_store %arg11[%swap3A_865], %gather3A_863 {strides = array<i32>} : memref<2048xf32, #tpu.memory_space<vmem>>, vector<16xf32>,
    %swap3A_867 = arith.constant 1280 : index
    %swap3A_868 = tpu.vector_load %arg12[%swap3A_867] {strides = array<i32>} : memref<2048xf32, #tpu.memory_space<vmem>>, vector<16xf32>,
    tpu.vector_store %arg12[%swap3A_867], %gather3A_864 {strides = array<i32>} : memref<2048xf32, #tpu.memory_space<vmem>>, vector<16xf32>,
    %add3A_869 = arith.addf %add3A_829, %gather3A_863 : vector<16xf32>
    %add3A_870 = arith.addf %add3A_830, %gather3A_864 : vector<16xf32>
    %get3A_871 = arith.constant 1296 : index
    %get3A_872 = tpu.vector_load %arg10[%get3A_871] {strides = array<i32>} : memref<2048xi32, #tpu.memory_space<vmem>>, vector<16xi32>,
    %gather3A_873 = tpu.vector_load_idx %arg8[%get3A_872] : memref<8192xf32, #tpu.memory_space<vmem>>[vector<16xi32>], vector<16xf32>,
    %gather3A_874 = tpu.vector_load_idx %arg9[%get3A_872] : memref<8192xf32, #tpu.memory_space<vmem>>[vector<16xi32>], vector<16xf32>,
    %swap3A_875 = arith.constant 1296 : index
    %swap3A_876 = tpu.vector_load %arg11[%swap3A_875] {strides = array<i32>} : memref<2048xf32, #tpu.memory_space<vmem>>, vector<16xf32>,
    tpu.vector_store %arg11[%swap3A_875], %gather3A_873 {strides = array<i32>} : memref<2048xf32, #tpu.memory_space<vmem>>, vector<16xf32>,
    %swap3A_877 = arith.constant 1296 : index
    %swap3A_878 = tpu.vector_load %arg12[%swap3A_877] {strides = array<i32>} : memref<2048xf32, #tpu.memory_space<vmem>>, vector<16xf32>,
    tpu.vector_store %arg12[%swap3A_877], %gather3A_874 {strides = array<i32>} : memref<2048xf32, #tpu.memory_space<vmem>>, vector<16xf32>,
    %add3A_879 = arith.addf %add3A_839, %gather3A_873 : vector<16xf32>
    %add3A_880 = arith.addf %add3A_840, %gather3A_874 : vector<16xf32>
    %get3A_881 = arith.constant 1312 : index
    %get3A_882 = tpu.vector_load %arg10[%get3A_881] {strides = array<i32>} : memref<2048xi32, #tpu.memory_space<vmem>>, vector<16xi32>,
    %gather3A_883 = tpu.vector_load_idx %arg8[%get3A_882] : memref<8192xf32, #tpu.memory_space<vmem>>[vector<16xi32>], vector<16xf32>,
    %gather3A_884 = tpu.vector_load_idx %arg9[%get3A_882] : memref<8192xf32, #tpu.memory_space<vmem>>[vector<16xi32>], vector<16xf32>,
    %swap3A_885 = arith.constant 1312 : index
    %swap3A_886 = tpu.vector_load %arg11[%swap3A_885] {strides = array<i32>} : memref<2048xf32, #tpu.memory_space<vmem>>, vector<16xf32>,
    tpu.vector_store %arg11[%swap3A_885], %gather3A_883 {strides = array<i32>} : memref<2048xf32, #tpu.memory_space<vmem>>, vector<16xf32>,
    %swap3A_887 = arith.constant 1312 : index
    %swap3A_888 = tpu.vector_load %arg12[%swap3A_887] {strides = array<i32>} : memref<2048xf32, #tpu.memory_space<vmem>>, vector<16xf32>,
    tpu.vector_store %arg12[%swap3A_887], %gather3A_884 {strides = array<i32>} : memref<2048xf32, #tpu.memory_space<vmem>>, vector<16xf32>,
    %add3A_889 = arith.addf %add3A_849, %gather3A_883 : vector<16xf32>
    %add3A_890 = arith.addf %add3A_850, %gather3A_884 : vector<16xf32>
    %get3A_891 = arith.constant 1328 : index
    %get3A_892 = tpu.vector_load %arg10[%get3A_891] {strides = array<i32>} : memref<2048xi32, #tpu.memory_space<vmem>>, vector<16xi32>,
    %gather3A_893 = tpu.vector_load_idx %arg8[%get3A_892] : memref<8192xf32, #tpu.memory_space<vmem>>[vector<16xi32>], vector<16xf32>,
    %gather3A_894 = tpu.vector_load_idx %arg9[%get3A_892] : memref<8192xf32, #tpu.memory_space<vmem>>[vector<16xi32>], vector<16xf32>,
    %swap3A_895 = arith.constant 1328 : index
    %swap3A_896 = tpu.vector_load %arg11[%swap3A_895] {strides = array<i32>} : memref<2048xf32, #tpu.memory_space<vmem>>, vector<16xf32>,
    tpu.vector_store %arg11[%swap3A_895], %gather3A_893 {strides = array<i32>} : memref<2048xf32, #tpu.memory_space<vmem>>, vector<16xf32>,
    %swap3A_897 = arith.constant 1328 : index
    %swap3A_898 = tpu.vector_load %arg12[%swap3A_897] {strides = array<i32>} : memref<2048xf32, #tpu.memory_space<vmem>>, vector<16xf32>,
    tpu.vector_store %arg12[%swap3A_897], %gather3A_894 {strides = array<i32>} : memref<2048xf32, #tpu.memory_space<vmem>>, vector<16xf32>,
    %add3A_899 = arith.addf %add3A_859, %gather3A_893 : vector<16xf32>
    %add3A_900 = arith.addf %add3A_860, %gather3A_894 : vector<16xf32>
    %get3A_901 = arith.constant 1344 : index
    %get3A_902 = tpu.vector_load %arg10[%get3A_901] {strides = array<i32>} : memref<2048xi32, #tpu.memory_space<vmem>>, vector<16xi32>,
    %gather3A_903 = tpu.vector_load_idx %arg8[%get3A_902] : memref<8192xf32, #tpu.memory_space<vmem>>[vector<16xi32>], vector<16xf32>,
    %gather3A_904 = tpu.vector_load_idx %arg9[%get3A_902] : memref<8192xf32, #tpu.memory_space<vmem>>[vector<16xi32>], vector<16xf32>,
    %swap3A_905 = arith.constant 1344 : index
    %swap3A_906 = tpu.vector_load %arg11[%swap3A_905] {strides = array<i32>} : memref<2048xf32, #tpu.memory_space<vmem>>, vector<16xf32>,
    tpu.vector_store %arg11[%swap3A_905], %gather3A_903 {strides = array<i32>} : memref<2048xf32, #tpu.memory_space<vmem>>, vector<16xf32>,
    %swap3A_907 = arith.constant 1344 : index
    %swap3A_908 = tpu.vector_load %arg12[%swap3A_907] {strides = array<i32>} : memref<2048xf32, #tpu.memory_space<vmem>>, vector<16xf32>,
    tpu.vector_store %arg12[%swap3A_907], %gather3A_904 {strides = array<i32>} : memref<2048xf32, #tpu.memory_space<vmem>>, vector<16xf32>,
    %add3A_909 = arith.addf %add3A_869, %gather3A_903 : vector<16xf32>
    %add3A_910 = arith.addf %add3A_870, %gather3A_904 : vector<16xf32>
    %get3A_911 = arith.constant 1360 : index
    %get3A_912 = tpu.vector_load %arg10[%get3A_911] {strides = array<i32>} : memref<2048xi32, #tpu.memory_space<vmem>>, vector<16xi32>,
    %gather3A_913 = tpu.vector_load_idx %arg8[%get3A_912] : memref<8192xf32, #tpu.memory_space<vmem>>[vector<16xi32>], vector<16xf32>,
    %gather3A_914 = tpu.vector_load_idx %arg9[%get3A_912] : memref<8192xf32, #tpu.memory_space<vmem>>[vector<16xi32>], vector<16xf32>,
    %swap3A_915 = arith.constant 1360 : index
    %swap3A_916 = tpu.vector_load %arg11[%swap3A_915] {strides = array<i32>} : memref<2048xf32, #tpu.memory_space<vmem>>, vector<16xf32>,
    tpu.vector_store %arg11[%swap3A_915], %gather3A_913 {strides = array<i32>} : memref<2048xf32, #tpu.memory_space<vmem>>, vector<16xf32>,
    %swap3A_917 = arith.constant 1360 : index
    %swap3A_918 = tpu.vector_load %arg12[%swap3A_917] {strides = array<i32>} : memref<2048xf32, #tpu.memory_space<vmem>>, vector<16xf32>,
    tpu.vector_store %arg12[%swap3A_917], %gather3A_914 {strides = array<i32>} : memref<2048xf32, #tpu.memory_space<vmem>>, vector<16xf32>,
    %add3A_919 = arith.addf %add3A_879, %gather3A_913 : vector<16xf32>
    %add3A_920 = arith.addf %add3A_880, %gather3A_914 : vector<16xf32>
    %get3A_921 = arith.constant 1376 : index
    %get3A_922 = tpu.vector_load %arg10[%get3A_921] {strides = array<i32>} : memref<2048xi32, #tpu.memory_space<vmem>>, vector<16xi32>,
    %gather3A_923 = tpu.vector_load_idx %arg8[%get3A_922] : memref<8192xf32, #tpu.memory_space<vmem>>[vector<16xi32>], vector<16xf32>,
    %gather3A_924 = tpu.vector_load_idx %arg9[%get3A_922] : memref<8192xf32, #tpu.memory_space<vmem>>[vector<16xi32>], vector<16xf32>,
    %swap3A_925 = arith.constant 1376 : index
    %swap3A_926 = tpu.vector_load %arg11[%swap3A_925] {strides = array<i32>} : memref<2048xf32, #tpu.memory_space<vmem>>, vector<16xf32>,
    tpu.vector_store %arg11[%swap3A_925], %gather3A_923 {strides = array<i32>} : memref<2048xf32, #tpu.memory_space<vmem>>, vector<16xf32>,
    %swap3A_927 = arith.constant 1376 : index
    %swap3A_928 = tpu.vector_load %arg12[%swap3A_927] {strides = array<i32>} : memref<2048xf32, #tpu.memory_space<vmem>>, vector<16xf32>,
    tpu.vector_store %arg12[%swap3A_927], %gather3A_924 {strides = array<i32>} : memref<2048xf32, #tpu.memory_space<vmem>>, vector<16xf32>,
    %add3A_929 = arith.addf %add3A_889, %gather3A_923 : vector<16xf32>
    %add3A_930 = arith.addf %add3A_890, %gather3A_924 : vector<16xf32>
    %get3A_931 = arith.constant 1392 : index
    %get3A_932 = tpu.vector_load %arg10[%get3A_931] {strides = array<i32>} : memref<2048xi32, #tpu.memory_space<vmem>>, vector<16xi32>,
    %gather3A_933 = tpu.vector_load_idx %arg8[%get3A_932] : memref<8192xf32, #tpu.memory_space<vmem>>[vector<16xi32>], vector<16xf32>,
    %gather3A_934 = tpu.vector_load_idx %arg9[%get3A_932] : memref<8192xf32, #tpu.memory_space<vmem>>[vector<16xi32>], vector<16xf32>,
    %swap3A_935 = arith.constant 1392 : index
    %swap3A_936 = tpu.vector_load %arg11[%swap3A_935] {strides = array<i32>} : memref<2048xf32, #tpu.memory_space<vmem>>, vector<16xf32>,
    tpu.vector_store %arg11[%swap3A_935], %gather3A_933 {strides = array<i32>} : memref<2048xf32, #tpu.memory_space<vmem>>, vector<16xf32>,
    %swap3A_937 = arith.constant 1392 : index
    %swap3A_938 = tpu.vector_load %arg12[%swap3A_937] {strides = array<i32>} : memref<2048xf32, #tpu.memory_space<vmem>>, vector<16xf32>,
    tpu.vector_store %arg12[%swap3A_937], %gather3A_934 {strides = array<i32>} : memref<2048xf32, #tpu.memory_space<vmem>>, vector<16xf32>,
    %add3A_939 = arith.addf %add3A_899, %gather3A_933 : vector<16xf32>
    %add3A_940 = arith.addf %add3A_900, %gather3A_934 : vector<16xf32>
    %get3A_941 = arith.constant 1408 : index
    %get3A_942 = tpu.vector_load %arg10[%get3A_941] {strides = array<i32>} : memref<2048xi32, #tpu.memory_space<vmem>>, vector<16xi32>,
    %gather3A_943 = tpu.vector_load_idx %arg8[%get3A_942] : memref<8192xf32, #tpu.memory_space<vmem>>[vector<16xi32>], vector<16xf32>,
    %gather3A_944 = tpu.vector_load_idx %arg9[%get3A_942] : memref<8192xf32, #tpu.memory_space<vmem>>[vector<16xi32>], vector<16xf32>,
    %swap3A_945 = arith.constant 1408 : index
    %swap3A_946 = tpu.vector_load %arg11[%swap3A_945] {strides = array<i32>} : memref<2048xf32, #tpu.memory_space<vmem>>, vector<16xf32>,
    tpu.vector_store %arg11[%swap3A_945], %gather3A_943 {strides = array<i32>} : memref<2048xf32, #tpu.memory_space<vmem>>, vector<16xf32>,
    %swap3A_947 = arith.constant 1408 : index
    %swap3A_948 = tpu.vector_load %arg12[%swap3A_947] {strides = array<i32>} : memref<2048xf32, #tpu.memory_space<vmem>>, vector<16xf32>,
    tpu.vector_store %arg12[%swap3A_947], %gather3A_944 {strides = array<i32>} : memref<2048xf32, #tpu.memory_space<vmem>>, vector<16xf32>,
    %add3A_949 = arith.addf %add3A_909, %gather3A_943 : vector<16xf32>
    %add3A_950 = arith.addf %add3A_910, %gather3A_944 : vector<16xf32>
    %get3A_951 = arith.constant 1424 : index
    %get3A_952 = tpu.vector_load %arg10[%get3A_951] {strides = array<i32>} : memref<2048xi32, #tpu.memory_space<vmem>>, vector<16xi32>,
    %gather3A_953 = tpu.vector_load_idx %arg8[%get3A_952] : memref<8192xf32, #tpu.memory_space<vmem>>[vector<16xi32>], vector<16xf32>,
    %gather3A_954 = tpu.vector_load_idx %arg9[%get3A_952] : memref<8192xf32, #tpu.memory_space<vmem>>[vector<16xi32>], vector<16xf32>,
    %swap3A_955 = arith.constant 1424 : index
    %swap3A_956 = tpu.vector_load %arg11[%swap3A_955] {strides = array<i32>} : memref<2048xf32, #tpu.memory_space<vmem>>, vector<16xf32>,
    tpu.vector_store %arg11[%swap3A_955], %gather3A_953 {strides = array<i32>} : memref<2048xf32, #tpu.memory_space<vmem>>, vector<16xf32>,
    %swap3A_957 = arith.constant 1424 : index
    %swap3A_958 = tpu.vector_load %arg12[%swap3A_957] {strides = array<i32>} : memref<2048xf32, #tpu.memory_space<vmem>>, vector<16xf32>,
    tpu.vector_store %arg12[%swap3A_957], %gather3A_954 {strides = array<i32>} : memref<2048xf32, #tpu.memory_space<vmem>>, vector<16xf32>,
    %add3A_959 = arith.addf %add3A_919, %gather3A_953 : vector<16xf32>
    %add3A_960 = arith.addf %add3A_920, %gather3A_954 : vector<16xf32>
    %get3A_961 = arith.constant 1440 : index
    %get3A_962 = tpu.vector_load %arg10[%get3A_961] {strides = array<i32>} : memref<2048xi32, #tpu.memory_space<vmem>>, vector<16xi32>,
    %gather3A_963 = tpu.vector_load_idx %arg8[%get3A_962] : memref<8192xf32, #tpu.memory_space<vmem>>[vector<16xi32>], vector<16xf32>,
    %gather3A_964 = tpu.vector_load_idx %arg9[%get3A_962] : memref<8192xf32, #tpu.memory_space<vmem>>[vector<16xi32>], vector<16xf32>,
    %swap3A_965 = arith.constant 1440 : index
    %swap3A_966 = tpu.vector_load %arg11[%swap3A_965] {strides = array<i32>} : memref<2048xf32, #tpu.memory_space<vmem>>, vector<16xf32>,
    tpu.vector_store %arg11[%swap3A_965], %gather3A_963 {strides = array<i32>} : memref<2048xf32, #tpu.memory_space<vmem>>, vector<16xf32>,
    %swap3A_967 = arith.constant 1440 : index
    %swap3A_968 = tpu.vector_load %arg12[%swap3A_967] {strides = array<i32>} : memref<2048xf32, #tpu.memory_space<vmem>>, vector<16xf32>,
    tpu.vector_store %arg12[%swap3A_967], %gather3A_964 {strides = array<i32>} : memref<2048xf32, #tpu.memory_space<vmem>>, vector<16xf32>,
    %add3A_969 = arith.addf %add3A_929, %gather3A_963 : vector<16xf32>
    %add3A_970 = arith.addf %add3A_930, %gather3A_964 : vector<16xf32>
    %get3A_971 = arith.constant 1456 : index
    %get3A_972 = tpu.vector_load %arg10[%get3A_971] {strides = array<i32>} : memref<2048xi32, #tpu.memory_space<vmem>>, vector<16xi32>,
    %gather3A_973 = tpu.vector_load_idx %arg8[%get3A_972] : memref<8192xf32, #tpu.memory_space<vmem>>[vector<16xi32>], vector<16xf32>,
    %gather3A_974 = tpu.vector_load_idx %arg9[%get3A_972] : memref<8192xf32, #tpu.memory_space<vmem>>[vector<16xi32>], vector<16xf32>,
    %swap3A_975 = arith.constant 1456 : index
    %swap3A_976 = tpu.vector_load %arg11[%swap3A_975] {strides = array<i32>} : memref<2048xf32, #tpu.memory_space<vmem>>, vector<16xf32>,
    tpu.vector_store %arg11[%swap3A_975], %gather3A_973 {strides = array<i32>} : memref<2048xf32, #tpu.memory_space<vmem>>, vector<16xf32>,
    %swap3A_977 = arith.constant 1456 : index
    %swap3A_978 = tpu.vector_load %arg12[%swap3A_977] {strides = array<i32>} : memref<2048xf32, #tpu.memory_space<vmem>>, vector<16xf32>,
    tpu.vector_store %arg12[%swap3A_977], %gather3A_974 {strides = array<i32>} : memref<2048xf32, #tpu.memory_space<vmem>>, vector<16xf32>,
    %add3A_979 = arith.addf %add3A_939, %gather3A_973 : vector<16xf32>
    %add3A_980 = arith.addf %add3A_940, %gather3A_974 : vector<16xf32>
    %get3A_981 = arith.constant 1472 : index
    %get3A_982 = tpu.vector_load %arg10[%get3A_981] {strides = array<i32>} : memref<2048xi32, #tpu.memory_space<vmem>>, vector<16xi32>,
    %gather3A_983 = tpu.vector_load_idx %arg8[%get3A_982] : memref<8192xf32, #tpu.memory_space<vmem>>[vector<16xi32>], vector<16xf32>,
    %gather3A_984 = tpu.vector_load_idx %arg9[%get3A_982] : memref<8192xf32, #tpu.memory_space<vmem>>[vector<16xi32>], vector<16xf32>,
    %swap3A_985 = arith.constant 1472 : index
    %swap3A_986 = tpu.vector_load %arg11[%swap3A_985] {strides = array<i32>} : memref<2048xf32, #tpu.memory_space<vmem>>, vector<16xf32>,
    tpu.vector_store %arg11[%swap3A_985], %gather3A_983 {strides = array<i32>} : memref<2048xf32, #tpu.memory_space<vmem>>, vector<16xf32>,
    %swap3A_987 = arith.constant 1472 : index
    %swap3A_988 = tpu.vector_load %arg12[%swap3A_987] {strides = array<i32>} : memref<2048xf32, #tpu.memory_space<vmem>>, vector<16xf32>,
    tpu.vector_store %arg12[%swap3A_987], %gather3A_984 {strides = array<i32>} : memref<2048xf32, #tpu.memory_space<vmem>>, vector<16xf32>,
    %add3A_989 = arith.addf %add3A_949, %gather3A_983 : vector<16xf32>
    %add3A_990 = arith.addf %add3A_950, %gather3A_984 : vector<16xf32>
    %get3A_991 = arith.constant 1488 : index
    %get3A_992 = tpu.vector_load %arg10[%get3A_991] {strides = array<i32>} : memref<2048xi32, #tpu.memory_space<vmem>>, vector<16xi32>,
    %gather3A_993 = tpu.vector_load_idx %arg8[%get3A_992] : memref<8192xf32, #tpu.memory_space<vmem>>[vector<16xi32>], vector<16xf32>,
    %gather3A_994 = tpu.vector_load_idx %arg9[%get3A_992] : memref<8192xf32, #tpu.memory_space<vmem>>[vector<16xi32>], vector<16xf32>,
    %swap3A_995 = arith.constant 1488 : index
    %swap3A_996 = tpu.vector_load %arg11[%swap3A_995] {strides = array<i32>} : memref<2048xf32, #tpu.memory_space<vmem>>, vector<16xf32>,
    tpu.vector_store %arg11[%swap3A_995], %gather3A_993 {strides = array<i32>} : memref<2048xf32, #tpu.memory_space<vmem>>, vector<16xf32>,
    %swap3A_997 = arith.constant 1488 : index
    %swap3A_998 = tpu.vector_load %arg12[%swap3A_997] {strides = array<i32>} : memref<2048xf32, #tpu.memory_space<vmem>>, vector<16xf32>,
    tpu.vector_store %arg12[%swap3A_997], %gather3A_994 {strides = array<i32>} : memref<2048xf32, #tpu.memory_space<vmem>>, vector<16xf32>,
    %add3A_999 = arith.addf %add3A_959, %gather3A_993 : vector<16xf32>
    %add3A_1000 = arith.addf %add3A_960, %gather3A_994 : vector<16xf32>
    %get3A_1001 = arith.constant 1504 : index
    %get3A_1002 = tpu.vector_load %arg10[%get3A_1001] {strides = array<i32>} : memref<2048xi32, #tpu.memory_space<vmem>>, vector<16xi32>,
    %gather3A_1003 = tpu.vector_load_idx %arg8[%get3A_1002] : memref<8192xf32, #tpu.memory_space<vmem>>[vector<16xi32>], vector<16xf32>,
    %gather3A_1004 = tpu.vector_load_idx %arg9[%get3A_1002] : memref<8192xf32, #tpu.memory_space<vmem>>[vector<16xi32>], vector<16xf32>,
    %swap3A_1005 = arith.constant 1504 : index
    %swap3A_1006 = tpu.vector_load %arg11[%swap3A_1005] {strides = array<i32>} : memref<2048xf32, #tpu.memory_space<vmem>>, vector<16xf32>,
    tpu.vector_store %arg11[%swap3A_1005], %gather3A_1003 {strides = array<i32>} : memref<2048xf32, #tpu.memory_space<vmem>>, vector<16xf32>,
    %swap3A_1007 = arith.constant 1504 : index
    %swap3A_1008 = tpu.vector_load %arg12[%swap3A_1007] {strides = array<i32>} : memref<2048xf32, #tpu.memory_space<vmem>>, vector<16xf32>,
    tpu.vector_store %arg12[%swap3A_1007], %gather3A_1004 {strides = array<i32>} : memref<2048xf32, #tpu.memory_space<vmem>>, vector<16xf32>,
    %add3A_1009 = arith.addf %add3A_969, %gather3A_1003 : vector<16xf32>
    %add3A_1010 = arith.addf %add3A_970, %gather3A_1004 : vector<16xf32>
    %get3A_1011 = arith.constant 1520 : index
    %get3A_1012 = tpu.vector_load %arg10[%get3A_1011] {strides = array<i32>} : memref<2048xi32, #tpu.memory_space<vmem>>, vector<16xi32>,
    %gather3A_1013 = tpu.vector_load_idx %arg8[%get3A_1012] : memref<8192xf32, #tpu.memory_space<vmem>>[vector<16xi32>], vector<16xf32>,
    %gather3A_1014 = tpu.vector_load_idx %arg9[%get3A_1012] : memref<8192xf32, #tpu.memory_space<vmem>>[vector<16xi32>], vector<16xf32>,
    %swap3A_1015 = arith.constant 1520 : index
    %swap3A_1016 = tpu.vector_load %arg11[%swap3A_1015] {strides = array<i32>} : memref<2048xf32, #tpu.memory_space<vmem>>, vector<16xf32>,
    tpu.vector_store %arg11[%swap3A_1015], %gather3A_1013 {strides = array<i32>} : memref<2048xf32, #tpu.memory_space<vmem>>, vector<16xf32>,
    %swap3A_1017 = arith.constant 1520 : index
    %swap3A_1018 = tpu.vector_load %arg12[%swap3A_1017] {strides = array<i32>} : memref<2048xf32, #tpu.memory_space<vmem>>, vector<16xf32>,
    tpu.vector_store %arg12[%swap3A_1017], %gather3A_1014 {strides = array<i32>} : memref<2048xf32, #tpu.memory_space<vmem>>, vector<16xf32>,
    %add3A_1019 = arith.addf %add3A_979, %gather3A_1013 : vector<16xf32>
    %add3A_1020 = arith.addf %add3A_980, %gather3A_1014 : vector<16xf32>
    %get3A_1021 = arith.constant 1536 : index
    %get3A_1022 = tpu.vector_load %arg10[%get3A_1021] {strides = array<i32>} : memref<2048xi32, #tpu.memory_space<vmem>>, vector<16xi32>,
    %gather3A_1023 = tpu.vector_load_idx %arg8[%get3A_1022] : memref<8192xf32, #tpu.memory_space<vmem>>[vector<16xi32>], vector<16xf32>,
    %gather3A_1024 = tpu.vector_load_idx %arg9[%get3A_1022] : memref<8192xf32, #tpu.memory_space<vmem>>[vector<16xi32>], vector<16xf32>,
    %swap3A_1025 = arith.constant 1536 : index
    %swap3A_1026 = tpu.vector_load %arg11[%swap3A_1025] {strides = array<i32>} : memref<2048xf32, #tpu.memory_space<vmem>>, vector<16xf32>,
    tpu.vector_store %arg11[%swap3A_1025], %gather3A_1023 {strides = array<i32>} : memref<2048xf32, #tpu.memory_space<vmem>>, vector<16xf32>,
    %swap3A_1027 = arith.constant 1536 : index
    %swap3A_1028 = tpu.vector_load %arg12[%swap3A_1027] {strides = array<i32>} : memref<2048xf32, #tpu.memory_space<vmem>>, vector<16xf32>,
    tpu.vector_store %arg12[%swap3A_1027], %gather3A_1024 {strides = array<i32>} : memref<2048xf32, #tpu.memory_space<vmem>>, vector<16xf32>,
    %add3A_1029 = arith.addf %add3A_989, %gather3A_1023 : vector<16xf32>
    %add3A_1030 = arith.addf %add3A_990, %gather3A_1024 : vector<16xf32>
    %get3A_1031 = arith.constant 1552 : index
    %get3A_1032 = tpu.vector_load %arg10[%get3A_1031] {strides = array<i32>} : memref<2048xi32, #tpu.memory_space<vmem>>, vector<16xi32>,
    %gather3A_1033 = tpu.vector_load_idx %arg8[%get3A_1032] : memref<8192xf32, #tpu.memory_space<vmem>>[vector<16xi32>], vector<16xf32>,
    %gather3A_1034 = tpu.vector_load_idx %arg9[%get3A_1032] : memref<8192xf32, #tpu.memory_space<vmem>>[vector<16xi32>], vector<16xf32>,
    %swap3A_1035 = arith.constant 1552 : index
    %swap3A_1036 = tpu.vector_load %arg11[%swap3A_1035] {strides = array<i32>} : memref<2048xf32, #tpu.memory_space<vmem>>, vector<16xf32>,
    tpu.vector_store %arg11[%swap3A_1035], %gather3A_1033 {strides = array<i32>} : memref<2048xf32, #tpu.memory_space<vmem>>, vector<16xf32>,
    %swap3A_1037 = arith.constant 1552 : index
    %swap3A_1038 = tpu.vector_load %arg12[%swap3A_1037] {strides = array<i32>} : memref<2048xf32, #tpu.memory_space<vmem>>, vector<16xf32>,
    tpu.vector_store %arg12[%swap3A_1037], %gather3A_1034 {strides = array<i32>} : memref<2048xf32, #tpu.memory_space<vmem>>, vector<16xf32>,
    %add3A_1039 = arith.addf %add3A_999, %gather3A_1033 : vector<16xf32>
    %add3A_1040 = arith.addf %add3A_1000, %gather3A_1034 : vector<16xf32>
    %get3A_1041 = arith.constant 1568 : index
    %get3A_1042 = tpu.vector_load %arg10[%get3A_1041] {strides = array<i32>} : memref<2048xi32, #tpu.memory_space<vmem>>, vector<16xi32>,
    %gather3A_1043 = tpu.vector_load_idx %arg8[%get3A_1042] : memref<8192xf32, #tpu.memory_space<vmem>>[vector<16xi32>], vector<16xf32>,
    %gather3A_1044 = tpu.vector_load_idx %arg9[%get3A_1042] : memref<8192xf32, #tpu.memory_space<vmem>>[vector<16xi32>], vector<16xf32>,
    %swap3A_1045 = arith.constant 1568 : index
    %swap3A_1046 = tpu.vector_load %arg11[%swap3A_1045] {strides = array<i32>} : memref<2048xf32, #tpu.memory_space<vmem>>, vector<16xf32>,
    tpu.vector_store %arg11[%swap3A_1045], %gather3A_1043 {strides = array<i32>} : memref<2048xf32, #tpu.memory_space<vmem>>, vector<16xf32>,
    %swap3A_1047 = arith.constant 1568 : index
    %swap3A_1048 = tpu.vector_load %arg12[%swap3A_1047] {strides = array<i32>} : memref<2048xf32, #tpu.memory_space<vmem>>, vector<16xf32>,
    tpu.vector_store %arg12[%swap3A_1047], %gather3A_1044 {strides = array<i32>} : memref<2048xf32, #tpu.memory_space<vmem>>, vector<16xf32>,
    %add3A_1049 = arith.addf %add3A_1009, %gather3A_1043 : vector<16xf32>
    %add3A_1050 = arith.addf %add3A_1010, %gather3A_1044 : vector<16xf32>
    %get3A_1051 = arith.constant 1584 : index
    %get3A_1052 = tpu.vector_load %arg10[%get3A_1051] {strides = array<i32>} : memref<2048xi32, #tpu.memory_space<vmem>>, vector<16xi32>,
    %gather3A_1053 = tpu.vector_load_idx %arg8[%get3A_1052] : memref<8192xf32, #tpu.memory_space<vmem>>[vector<16xi32>], vector<16xf32>,
    %gather3A_1054 = tpu.vector_load_idx %arg9[%get3A_1052] : memref<8192xf32, #tpu.memory_space<vmem>>[vector<16xi32>], vector<16xf32>,
    %swap3A_1055 = arith.constant 1584 : index
    %swap3A_1056 = tpu.vector_load %arg11[%swap3A_1055] {strides = array<i32>} : memref<2048xf32, #tpu.memory_space<vmem>>, vector<16xf32>,
    tpu.vector_store %arg11[%swap3A_1055], %gather3A_1053 {strides = array<i32>} : memref<2048xf32, #tpu.memory_space<vmem>>, vector<16xf32>,
    %swap3A_1057 = arith.constant 1584 : index
    %swap3A_1058 = tpu.vector_load %arg12[%swap3A_1057] {strides = array<i32>} : memref<2048xf32, #tpu.memory_space<vmem>>, vector<16xf32>,
    tpu.vector_store %arg12[%swap3A_1057], %gather3A_1054 {strides = array<i32>} : memref<2048xf32, #tpu.memory_space<vmem>>, vector<16xf32>,
    %add3A_1059 = arith.addf %add3A_1019, %gather3A_1053 : vector<16xf32>
    %add3A_1060 = arith.addf %add3A_1020, %gather3A_1054 : vector<16xf32>
    %get3A_1061 = arith.constant 1600 : index
    %get3A_1062 = tpu.vector_load %arg10[%get3A_1061] {strides = array<i32>} : memref<2048xi32, #tpu.memory_space<vmem>>, vector<16xi32>,
    %gather3A_1063 = tpu.vector_load_idx %arg8[%get3A_1062] : memref<8192xf32, #tpu.memory_space<vmem>>[vector<16xi32>], vector<16xf32>,
    %gather3A_1064 = tpu.vector_load_idx %arg9[%get3A_1062] : memref<8192xf32, #tpu.memory_space<vmem>>[vector<16xi32>], vector<16xf32>,
    %swap3A_1065 = arith.constant 1600 : index
    %swap3A_1066 = tpu.vector_load %arg11[%swap3A_1065] {strides = array<i32>} : memref<2048xf32, #tpu.memory_space<vmem>>, vector<16xf32>,
    tpu.vector_store %arg11[%swap3A_1065], %gather3A_1063 {strides = array<i32>} : memref<2048xf32, #tpu.memory_space<vmem>>, vector<16xf32>,
    %swap3A_1067 = arith.constant 1600 : index
    %swap3A_1068 = tpu.vector_load %arg12[%swap3A_1067] {strides = array<i32>} : memref<2048xf32, #tpu.memory_space<vmem>>, vector<16xf32>,
    tpu.vector_store %arg12[%swap3A_1067], %gather3A_1064 {strides = array<i32>} : memref<2048xf32, #tpu.memory_space<vmem>>, vector<16xf32>,
    %add3A_1069 = arith.addf %add3A_1029, %gather3A_1063 : vector<16xf32>
    %add3A_1070 = arith.addf %add3A_1030, %gather3A_1064 : vector<16xf32>
    %get3A_1071 = arith.constant 1616 : index
    %get3A_1072 = tpu.vector_load %arg10[%get3A_1071] {strides = array<i32>} : memref<2048xi32, #tpu.memory_space<vmem>>, vector<16xi32>,
    %gather3A_1073 = tpu.vector_load_idx %arg8[%get3A_1072] : memref<8192xf32, #tpu.memory_space<vmem>>[vector<16xi32>], vector<16xf32>,
    %gather3A_1074 = tpu.vector_load_idx %arg9[%get3A_1072] : memref<8192xf32, #tpu.memory_space<vmem>>[vector<16xi32>], vector<16xf32>,
    %swap3A_1075 = arith.constant 1616 : index
    %swap3A_1076 = tpu.vector_load %arg11[%swap3A_1075] {strides = array<i32>} : memref<2048xf32, #tpu.memory_space<vmem>>, vector<16xf32>,
    tpu.vector_store %arg11[%swap3A_1075], %gather3A_1073 {strides = array<i32>} : memref<2048xf32, #tpu.memory_space<vmem>>, vector<16xf32>,
    %swap3A_1077 = arith.constant 1616 : index
    %swap3A_1078 = tpu.vector_load %arg12[%swap3A_1077] {strides = array<i32>} : memref<2048xf32, #tpu.memory_space<vmem>>, vector<16xf32>,
    tpu.vector_store %arg12[%swap3A_1077], %gather3A_1074 {strides = array<i32>} : memref<2048xf32, #tpu.memory_space<vmem>>, vector<16xf32>,
    %add3A_1079 = arith.addf %add3A_1039, %gather3A_1073 : vector<16xf32>
    %add3A_1080 = arith.addf %add3A_1040, %gather3A_1074 : vector<16xf32>
    %get3A_1081 = arith.constant 1632 : index
    %get3A_1082 = tpu.vector_load %arg10[%get3A_1081] {strides = array<i32>} : memref<2048xi32, #tpu.memory_space<vmem>>, vector<16xi32>,
    %gather3A_1083 = tpu.vector_load_idx %arg8[%get3A_1082] : memref<8192xf32, #tpu.memory_space<vmem>>[vector<16xi32>], vector<16xf32>,
    %gather3A_1084 = tpu.vector_load_idx %arg9[%get3A_1082] : memref<8192xf32, #tpu.memory_space<vmem>>[vector<16xi32>], vector<16xf32>,
    %swap3A_1085 = arith.constant 1632 : index
    %swap3A_1086 = tpu.vector_load %arg11[%swap3A_1085] {strides = array<i32>} : memref<2048xf32, #tpu.memory_space<vmem>>, vector<16xf32>,
    tpu.vector_store %arg11[%swap3A_1085], %gather3A_1083 {strides = array<i32>} : memref<2048xf32, #tpu.memory_space<vmem>>, vector<16xf32>,
    %swap3A_1087 = arith.constant 1632 : index
    %swap3A_1088 = tpu.vector_load %arg12[%swap3A_1087] {strides = array<i32>} : memref<2048xf32, #tpu.memory_space<vmem>>, vector<16xf32>,
    tpu.vector_store %arg12[%swap3A_1087], %gather3A_1084 {strides = array<i32>} : memref<2048xf32, #tpu.memory_space<vmem>>, vector<16xf32>,
    %add3A_1089 = arith.addf %add3A_1049, %gather3A_1083 : vector<16xf32>
    %add3A_1090 = arith.addf %add3A_1050, %gather3A_1084 : vector<16xf32>
    %get3A_1091 = arith.constant 1648 : index
    %get3A_1092 = tpu.vector_load %arg10[%get3A_1091] {strides = array<i32>} : memref<2048xi32, #tpu.memory_space<vmem>>, vector<16xi32>,
    %gather3A_1093 = tpu.vector_load_idx %arg8[%get3A_1092] : memref<8192xf32, #tpu.memory_space<vmem>>[vector<16xi32>], vector<16xf32>,
    %gather3A_1094 = tpu.vector_load_idx %arg9[%get3A_1092] : memref<8192xf32, #tpu.memory_space<vmem>>[vector<16xi32>], vector<16xf32>,
    %swap3A_1095 = arith.constant 1648 : index
    %swap3A_1096 = tpu.vector_load %arg11[%swap3A_1095] {strides = array<i32>} : memref<2048xf32, #tpu.memory_space<vmem>>, vector<16xf32>,
    tpu.vector_store %arg11[%swap3A_1095], %gather3A_1093 {strides = array<i32>} : memref<2048xf32, #tpu.memory_space<vmem>>, vector<16xf32>,
    %swap3A_1097 = arith.constant 1648 : index
    %swap3A_1098 = tpu.vector_load %arg12[%swap3A_1097] {strides = array<i32>} : memref<2048xf32, #tpu.memory_space<vmem>>, vector<16xf32>,
    tpu.vector_store %arg12[%swap3A_1097], %gather3A_1094 {strides = array<i32>} : memref<2048xf32, #tpu.memory_space<vmem>>, vector<16xf32>,
    %add3A_1099 = arith.addf %add3A_1059, %gather3A_1093 : vector<16xf32>
    %add3A_1100 = arith.addf %add3A_1060, %gather3A_1094 : vector<16xf32>
    %get3A_1101 = arith.constant 1664 : index
    %get3A_1102 = tpu.vector_load %arg10[%get3A_1101] {strides = array<i32>} : memref<2048xi32, #tpu.memory_space<vmem>>, vector<16xi32>,
    %gather3A_1103 = tpu.vector_load_idx %arg8[%get3A_1102] : memref<8192xf32, #tpu.memory_space<vmem>>[vector<16xi32>], vector<16xf32>,
    %gather3A_1104 = tpu.vector_load_idx %arg9[%get3A_1102] : memref<8192xf32, #tpu.memory_space<vmem>>[vector<16xi32>], vector<16xf32>,
    %swap3A_1105 = arith.constant 1664 : index
    %swap3A_1106 = tpu.vector_load %arg11[%swap3A_1105] {strides = array<i32>} : memref<2048xf32, #tpu.memory_space<vmem>>, vector<16xf32>,
    tpu.vector_store %arg11[%swap3A_1105], %gather3A_1103 {strides = array<i32>} : memref<2048xf32, #tpu.memory_space<vmem>>, vector<16xf32>,
    %swap3A_1107 = arith.constant 1664 : index
    %swap3A_1108 = tpu.vector_load %arg12[%swap3A_1107] {strides = array<i32>} : memref<2048xf32, #tpu.memory_space<vmem>>, vector<16xf32>,
    tpu.vector_store %arg12[%swap3A_1107], %gather3A_1104 {strides = array<i32>} : memref<2048xf32, #tpu.memory_space<vmem>>, vector<16xf32>,
    %add3A_1109 = arith.addf %add3A_1069, %gather3A_1103 : vector<16xf32>
    %add3A_1110 = arith.addf %add3A_1070, %gather3A_1104 : vector<16xf32>
    %get3A_1111 = arith.constant 1680 : index
    %get3A_1112 = tpu.vector_load %arg10[%get3A_1111] {strides = array<i32>} : memref<2048xi32, #tpu.memory_space<vmem>>, vector<16xi32>,
    %gather3A_1113 = tpu.vector_load_idx %arg8[%get3A_1112] : memref<8192xf32, #tpu.memory_space<vmem>>[vector<16xi32>], vector<16xf32>,
    %gather3A_1114 = tpu.vector_load_idx %arg9[%get3A_1112] : memref<8192xf32, #tpu.memory_space<vmem>>[vector<16xi32>], vector<16xf32>,
    %swap3A_1115 = arith.constant 1680 : index
    %swap3A_1116 = tpu.vector_load %arg11[%swap3A_1115] {strides = array<i32>} : memref<2048xf32, #tpu.memory_space<vmem>>, vector<16xf32>,
    tpu.vector_store %arg11[%swap3A_1115], %gather3A_1113 {strides = array<i32>} : memref<2048xf32, #tpu.memory_space<vmem>>, vector<16xf32>,
    %swap3A_1117 = arith.constant 1680 : index
    %swap3A_1118 = tpu.vector_load %arg12[%swap3A_1117] {strides = array<i32>} : memref<2048xf32, #tpu.memory_space<vmem>>, vector<16xf32>,
    tpu.vector_store %arg12[%swap3A_1117], %gather3A_1114 {strides = array<i32>} : memref<2048xf32, #tpu.memory_space<vmem>>, vector<16xf32>,
    %add3A_1119 = arith.addf %add3A_1079, %gather3A_1113 : vector<16xf32>
    %add3A_1120 = arith.addf %add3A_1080, %gather3A_1114 : vector<16xf32>
    %get3A_1121 = arith.constant 1696 : index
    %get3A_1122 = tpu.vector_load %arg10[%get3A_1121] {strides = array<i32>} : memref<2048xi32, #tpu.memory_space<vmem>>, vector<16xi32>,
    %gather3A_1123 = tpu.vector_load_idx %arg8[%get3A_1122] : memref<8192xf32, #tpu.memory_space<vmem>>[vector<16xi32>], vector<16xf32>,
    %gather3A_1124 = tpu.vector_load_idx %arg9[%get3A_1122] : memref<8192xf32, #tpu.memory_space<vmem>>[vector<16xi32>], vector<16xf32>,
    %swap3A_1125 = arith.constant 1696 : index
    %swap3A_1126 = tpu.vector_load %arg11[%swap3A_1125] {strides = array<i32>} : memref<2048xf32, #tpu.memory_space<vmem>>, vector<16xf32>,
    tpu.vector_store %arg11[%swap3A_1125], %gather3A_1123 {strides = array<i32>} : memref<2048xf32, #tpu.memory_space<vmem>>, vector<16xf32>,
    %swap3A_1127 = arith.constant 1696 : index
    %swap3A_1128 = tpu.vector_load %arg12[%swap3A_1127] {strides = array<i32>} : memref<2048xf32, #tpu.memory_space<vmem>>, vector<16xf32>,
    tpu.vector_store %arg12[%swap3A_1127], %gather3A_1124 {strides = array<i32>} : memref<2048xf32, #tpu.memory_space<vmem>>, vector<16xf32>,
    %add3A_1129 = arith.addf %add3A_1089, %gather3A_1123 : vector<16xf32>
    %add3A_1130 = arith.addf %add3A_1090, %gather3A_1124 : vector<16xf32>
    %get3A_1131 = arith.constant 1712 : index
    %get3A_1132 = tpu.vector_load %arg10[%get3A_1131] {strides = array<i32>} : memref<2048xi32, #tpu.memory_space<vmem>>, vector<16xi32>,
    %gather3A_1133 = tpu.vector_load_idx %arg8[%get3A_1132] : memref<8192xf32, #tpu.memory_space<vmem>>[vector<16xi32>], vector<16xf32>,
    %gather3A_1134 = tpu.vector_load_idx %arg9[%get3A_1132] : memref<8192xf32, #tpu.memory_space<vmem>>[vector<16xi32>], vector<16xf32>,
    %swap3A_1135 = arith.constant 1712 : index
    %swap3A_1136 = tpu.vector_load %arg11[%swap3A_1135] {strides = array<i32>} : memref<2048xf32, #tpu.memory_space<vmem>>, vector<16xf32>,
    tpu.vector_store %arg11[%swap3A_1135], %gather3A_1133 {strides = array<i32>} : memref<2048xf32, #tpu.memory_space<vmem>>, vector<16xf32>,
    %swap3A_1137 = arith.constant 1712 : index
    %swap3A_1138 = tpu.vector_load %arg12[%swap3A_1137] {strides = array<i32>} : memref<2048xf32, #tpu.memory_space<vmem>>, vector<16xf32>,
    tpu.vector_store %arg12[%swap3A_1137], %gather3A_1134 {strides = array<i32>} : memref<2048xf32, #tpu.memory_space<vmem>>, vector<16xf32>,
    %add3A_1139 = arith.addf %add3A_1099, %gather3A_1133 : vector<16xf32>
    %add3A_1140 = arith.addf %add3A_1100, %gather3A_1134 : vector<16xf32>
    %get3A_1141 = arith.constant 1728 : index
    %get3A_1142 = tpu.vector_load %arg10[%get3A_1141] {strides = array<i32>} : memref<2048xi32, #tpu.memory_space<vmem>>, vector<16xi32>,
    %gather3A_1143 = tpu.vector_load_idx %arg8[%get3A_1142] : memref<8192xf32, #tpu.memory_space<vmem>>[vector<16xi32>], vector<16xf32>,
    %gather3A_1144 = tpu.vector_load_idx %arg9[%get3A_1142] : memref<8192xf32, #tpu.memory_space<vmem>>[vector<16xi32>], vector<16xf32>,
    %swap3A_1145 = arith.constant 1728 : index
    %swap3A_1146 = tpu.vector_load %arg11[%swap3A_1145] {strides = array<i32>} : memref<2048xf32, #tpu.memory_space<vmem>>, vector<16xf32>,
    tpu.vector_store %arg11[%swap3A_1145], %gather3A_1143 {strides = array<i32>} : memref<2048xf32, #tpu.memory_space<vmem>>, vector<16xf32>,
    %swap3A_1147 = arith.constant 1728 : index
    %swap3A_1148 = tpu.vector_load %arg12[%swap3A_1147] {strides = array<i32>} : memref<2048xf32, #tpu.memory_space<vmem>>, vector<16xf32>,
    tpu.vector_store %arg12[%swap3A_1147], %gather3A_1144 {strides = array<i32>} : memref<2048xf32, #tpu.memory_space<vmem>>, vector<16xf32>,
    %add3A_1149 = arith.addf %add3A_1109, %gather3A_1143 : vector<16xf32>
    %add3A_1150 = arith.addf %add3A_1110, %gather3A_1144 : vector<16xf32>
    %get3A_1151 = arith.constant 1744 : index
    %get3A_1152 = tpu.vector_load %arg10[%get3A_1151] {strides = array<i32>} : memref<2048xi32, #tpu.memory_space<vmem>>, vector<16xi32>,
    %gather3A_1153 = tpu.vector_load_idx %arg8[%get3A_1152] : memref<8192xf32, #tpu.memory_space<vmem>>[vector<16xi32>], vector<16xf32>,
    %gather3A_1154 = tpu.vector_load_idx %arg9[%get3A_1152] : memref<8192xf32, #tpu.memory_space<vmem>>[vector<16xi32>], vector<16xf32>,
    %swap3A_1155 = arith.constant 1744 : index
    %swap3A_1156 = tpu.vector_load %arg11[%swap3A_1155] {strides = array<i32>} : memref<2048xf32, #tpu.memory_space<vmem>>, vector<16xf32>,
    tpu.vector_store %arg11[%swap3A_1155], %gather3A_1153 {strides = array<i32>} : memref<2048xf32, #tpu.memory_space<vmem>>, vector<16xf32>,
    %swap3A_1157 = arith.constant 1744 : index
    %swap3A_1158 = tpu.vector_load %arg12[%swap3A_1157] {strides = array<i32>} : memref<2048xf32, #tpu.memory_space<vmem>>, vector<16xf32>,
    tpu.vector_store %arg12[%swap3A_1157], %gather3A_1154 {strides = array<i32>} : memref<2048xf32, #tpu.memory_space<vmem>>, vector<16xf32>,
    %add3A_1159 = arith.addf %add3A_1119, %gather3A_1153 : vector<16xf32>
    %add3A_1160 = arith.addf %add3A_1120, %gather3A_1154 : vector<16xf32>
    %get3A_1161 = arith.constant 1760 : index
    %get3A_1162 = tpu.vector_load %arg10[%get3A_1161] {strides = array<i32>} : memref<2048xi32, #tpu.memory_space<vmem>>, vector<16xi32>,
    %gather3A_1163 = tpu.vector_load_idx %arg8[%get3A_1162] : memref<8192xf32, #tpu.memory_space<vmem>>[vector<16xi32>], vector<16xf32>,
    %gather3A_1164 = tpu.vector_load_idx %arg9[%get3A_1162] : memref<8192xf32, #tpu.memory_space<vmem>>[vector<16xi32>], vector<16xf32>,
    %swap3A_1165 = arith.constant 1760 : index
    %swap3A_1166 = tpu.vector_load %arg11[%swap3A_1165] {strides = array<i32>} : memref<2048xf32, #tpu.memory_space<vmem>>, vector<16xf32>,
    tpu.vector_store %arg11[%swap3A_1165], %gather3A_1163 {strides = array<i32>} : memref<2048xf32, #tpu.memory_space<vmem>>, vector<16xf32>,
    %swap3A_1167 = arith.constant 1760 : index
    %swap3A_1168 = tpu.vector_load %arg12[%swap3A_1167] {strides = array<i32>} : memref<2048xf32, #tpu.memory_space<vmem>>, vector<16xf32>,
    tpu.vector_store %arg12[%swap3A_1167], %gather3A_1164 {strides = array<i32>} : memref<2048xf32, #tpu.memory_space<vmem>>, vector<16xf32>,
    %add3A_1169 = arith.addf %add3A_1129, %gather3A_1163 : vector<16xf32>
    %add3A_1170 = arith.addf %add3A_1130, %gather3A_1164 : vector<16xf32>
    %get3A_1171 = arith.constant 1776 : index
    %get3A_1172 = tpu.vector_load %arg10[%get3A_1171] {strides = array<i32>} : memref<2048xi32, #tpu.memory_space<vmem>>, vector<16xi32>,
    %gather3A_1173 = tpu.vector_load_idx %arg8[%get3A_1172] : memref<8192xf32, #tpu.memory_space<vmem>>[vector<16xi32>], vector<16xf32>,
    %gather3A_1174 = tpu.vector_load_idx %arg9[%get3A_1172] : memref<8192xf32, #tpu.memory_space<vmem>>[vector<16xi32>], vector<16xf32>,
    %swap3A_1175 = arith.constant 1776 : index
    %swap3A_1176 = tpu.vector_load %arg11[%swap3A_1175] {strides = array<i32>} : memref<2048xf32, #tpu.memory_space<vmem>>, vector<16xf32>,
    tpu.vector_store %arg11[%swap3A_1175], %gather3A_1173 {strides = array<i32>} : memref<2048xf32, #tpu.memory_space<vmem>>, vector<16xf32>,
    %swap3A_1177 = arith.constant 1776 : index
    %swap3A_1178 = tpu.vector_load %arg12[%swap3A_1177] {strides = array<i32>} : memref<2048xf32, #tpu.memory_space<vmem>>, vector<16xf32>,
    tpu.vector_store %arg12[%swap3A_1177], %gather3A_1174 {strides = array<i32>} : memref<2048xf32, #tpu.memory_space<vmem>>, vector<16xf32>,
    %add3A_1179 = arith.addf %add3A_1139, %gather3A_1173 : vector<16xf32>
    %add3A_1180 = arith.addf %add3A_1140, %gather3A_1174 : vector<16xf32>
    %get3A_1181 = arith.constant 1792 : index
    %get3A_1182 = tpu.vector_load %arg10[%get3A_1181] {strides = array<i32>} : memref<2048xi32, #tpu.memory_space<vmem>>, vector<16xi32>,
    %gather3A_1183 = tpu.vector_load_idx %arg8[%get3A_1182] : memref<8192xf32, #tpu.memory_space<vmem>>[vector<16xi32>], vector<16xf32>,
    %gather3A_1184 = tpu.vector_load_idx %arg9[%get3A_1182] : memref<8192xf32, #tpu.memory_space<vmem>>[vector<16xi32>], vector<16xf32>,
    %swap3A_1185 = arith.constant 1792 : index
    %swap3A_1186 = tpu.vector_load %arg11[%swap3A_1185] {strides = array<i32>} : memref<2048xf32, #tpu.memory_space<vmem>>, vector<16xf32>,
    tpu.vector_store %arg11[%swap3A_1185], %gather3A_1183 {strides = array<i32>} : memref<2048xf32, #tpu.memory_space<vmem>>, vector<16xf32>,
    %swap3A_1187 = arith.constant 1792 : index
    %swap3A_1188 = tpu.vector_load %arg12[%swap3A_1187] {strides = array<i32>} : memref<2048xf32, #tpu.memory_space<vmem>>, vector<16xf32>,
    tpu.vector_store %arg12[%swap3A_1187], %gather3A_1184 {strides = array<i32>} : memref<2048xf32, #tpu.memory_space<vmem>>, vector<16xf32>,
    %add3A_1189 = arith.addf %add3A_1149, %gather3A_1183 : vector<16xf32>
    %add3A_1190 = arith.addf %add3A_1150, %gather3A_1184 : vector<16xf32>
    %get3A_1191 = arith.constant 1808 : index
    %get3A_1192 = tpu.vector_load %arg10[%get3A_1191] {strides = array<i32>} : memref<2048xi32, #tpu.memory_space<vmem>>, vector<16xi32>,
    %gather3A_1193 = tpu.vector_load_idx %arg8[%get3A_1192] : memref<8192xf32, #tpu.memory_space<vmem>>[vector<16xi32>], vector<16xf32>,
    %gather3A_1194 = tpu.vector_load_idx %arg9[%get3A_1192] : memref<8192xf32, #tpu.memory_space<vmem>>[vector<16xi32>], vector<16xf32>,
    %swap3A_1195 = arith.constant 1808 : index
    %swap3A_1196 = tpu.vector_load %arg11[%swap3A_1195] {strides = array<i32>} : memref<2048xf32, #tpu.memory_space<vmem>>, vector<16xf32>,
    tpu.vector_store %arg11[%swap3A_1195], %gather3A_1193 {strides = array<i32>} : memref<2048xf32, #tpu.memory_space<vmem>>, vector<16xf32>,
    %swap3A_1197 = arith.constant 1808 : index
    %swap3A_1198 = tpu.vector_load %arg12[%swap3A_1197] {strides = array<i32>} : memref<2048xf32, #tpu.memory_space<vmem>>, vector<16xf32>,
    tpu.vector_store %arg12[%swap3A_1197], %gather3A_1194 {strides = array<i32>} : memref<2048xf32, #tpu.memory_space<vmem>>, vector<16xf32>,
    %add3A_1199 = arith.addf %add3A_1159, %gather3A_1193 : vector<16xf32>
    %add3A_1200 = arith.addf %add3A_1160, %gather3A_1194 : vector<16xf32>
    %get3A_1201 = arith.constant 1824 : index
    %get3A_1202 = tpu.vector_load %arg10[%get3A_1201] {strides = array<i32>} : memref<2048xi32, #tpu.memory_space<vmem>>, vector<16xi32>,
    %gather3A_1203 = tpu.vector_load_idx %arg8[%get3A_1202] : memref<8192xf32, #tpu.memory_space<vmem>>[vector<16xi32>], vector<16xf32>,
    %gather3A_1204 = tpu.vector_load_idx %arg9[%get3A_1202] : memref<8192xf32, #tpu.memory_space<vmem>>[vector<16xi32>], vector<16xf32>,
    %swap3A_1205 = arith.constant 1824 : index
    %swap3A_1206 = tpu.vector_load %arg11[%swap3A_1205] {strides = array<i32>} : memref<2048xf32, #tpu.memory_space<vmem>>, vector<16xf32>,
    tpu.vector_store %arg11[%swap3A_1205], %gather3A_1203 {strides = array<i32>} : memref<2048xf32, #tpu.memory_space<vmem>>, vector<16xf32>,
    %swap3A_1207 = arith.constant 1824 : index
    %swap3A_1208 = tpu.vector_load %arg12[%swap3A_1207] {strides = array<i32>} : memref<2048xf32, #tpu.memory_space<vmem>>, vector<16xf32>,
    tpu.vector_store %arg12[%swap3A_1207], %gather3A_1204 {strides = array<i32>} : memref<2048xf32, #tpu.memory_space<vmem>>, vector<16xf32>,
    %add3A_1209 = arith.addf %add3A_1169, %gather3A_1203 : vector<16xf32>
    %add3A_1210 = arith.addf %add3A_1170, %gather3A_1204 : vector<16xf32>
    %get3A_1211 = arith.constant 1840 : index
    %get3A_1212 = tpu.vector_load %arg10[%get3A_1211] {strides = array<i32>} : memref<2048xi32, #tpu.memory_space<vmem>>, vector<16xi32>,
    %gather3A_1213 = tpu.vector_load_idx %arg8[%get3A_1212] : memref<8192xf32, #tpu.memory_space<vmem>>[vector<16xi32>], vector<16xf32>,
    %gather3A_1214 = tpu.vector_load_idx %arg9[%get3A_1212] : memref<8192xf32, #tpu.memory_space<vmem>>[vector<16xi32>], vector<16xf32>,
    %swap3A_1215 = arith.constant 1840 : index
    %swap3A_1216 = tpu.vector_load %arg11[%swap3A_1215] {strides = array<i32>} : memref<2048xf32, #tpu.memory_space<vmem>>, vector<16xf32>,
    tpu.vector_store %arg11[%swap3A_1215], %gather3A_1213 {strides = array<i32>} : memref<2048xf32, #tpu.memory_space<vmem>>, vector<16xf32>,
    %swap3A_1217 = arith.constant 1840 : index
    %swap3A_1218 = tpu.vector_load %arg12[%swap3A_1217] {strides = array<i32>} : memref<2048xf32, #tpu.memory_space<vmem>>, vector<16xf32>,
    tpu.vector_store %arg12[%swap3A_1217], %gather3A_1214 {strides = array<i32>} : memref<2048xf32, #tpu.memory_space<vmem>>, vector<16xf32>,
    %add3A_1219 = arith.addf %add3A_1179, %gather3A_1213 : vector<16xf32>
    %add3A_1220 = arith.addf %add3A_1180, %gather3A_1214 : vector<16xf32>
    %get3A_1221 = arith.constant 1856 : index
    %get3A_1222 = tpu.vector_load %arg10[%get3A_1221] {strides = array<i32>} : memref<2048xi32, #tpu.memory_space<vmem>>, vector<16xi32>,
    %gather3A_1223 = tpu.vector_load_idx %arg8[%get3A_1222] : memref<8192xf32, #tpu.memory_space<vmem>>[vector<16xi32>], vector<16xf32>,
    %gather3A_1224 = tpu.vector_load_idx %arg9[%get3A_1222] : memref<8192xf32, #tpu.memory_space<vmem>>[vector<16xi32>], vector<16xf32>,
    %swap3A_1225 = arith.constant 1856 : index
    %swap3A_1226 = tpu.vector_load %arg11[%swap3A_1225] {strides = array<i32>} : memref<2048xf32, #tpu.memory_space<vmem>>, vector<16xf32>,
    tpu.vector_store %arg11[%swap3A_1225], %gather3A_1223 {strides = array<i32>} : memref<2048xf32, #tpu.memory_space<vmem>>, vector<16xf32>,
    %swap3A_1227 = arith.constant 1856 : index
    %swap3A_1228 = tpu.vector_load %arg12[%swap3A_1227] {strides = array<i32>} : memref<2048xf32, #tpu.memory_space<vmem>>, vector<16xf32>,
    tpu.vector_store %arg12[%swap3A_1227], %gather3A_1224 {strides = array<i32>} : memref<2048xf32, #tpu.memory_space<vmem>>, vector<16xf32>,
    %add3A_1229 = arith.addf %add3A_1189, %gather3A_1223 : vector<16xf32>
    %add3A_1230 = arith.addf %add3A_1190, %gather3A_1224 : vector<16xf32>
    %get3A_1231 = arith.constant 1872 : index
    %get3A_1232 = tpu.vector_load %arg10[%get3A_1231] {strides = array<i32>} : memref<2048xi32, #tpu.memory_space<vmem>>, vector<16xi32>,
    %gather3A_1233 = tpu.vector_load_idx %arg8[%get3A_1232] : memref<8192xf32, #tpu.memory_space<vmem>>[vector<16xi32>], vector<16xf32>,
    %gather3A_1234 = tpu.vector_load_idx %arg9[%get3A_1232] : memref<8192xf32, #tpu.memory_space<vmem>>[vector<16xi32>], vector<16xf32>,
    %swap3A_1235 = arith.constant 1872 : index
    %swap3A_1236 = tpu.vector_load %arg11[%swap3A_1235] {strides = array<i32>} : memref<2048xf32, #tpu.memory_space<vmem>>, vector<16xf32>,
    tpu.vector_store %arg11[%swap3A_1235], %gather3A_1233 {strides = array<i32>} : memref<2048xf32, #tpu.memory_space<vmem>>, vector<16xf32>,
    %swap3A_1237 = arith.constant 1872 : index
    %swap3A_1238 = tpu.vector_load %arg12[%swap3A_1237] {strides = array<i32>} : memref<2048xf32, #tpu.memory_space<vmem>>, vector<16xf32>,
    tpu.vector_store %arg12[%swap3A_1237], %gather3A_1234 {strides = array<i32>} : memref<2048xf32, #tpu.memory_space<vmem>>, vector<16xf32>,
    %add3A_1239 = arith.addf %add3A_1199, %gather3A_1233 : vector<16xf32>
    %add3A_1240 = arith.addf %add3A_1200, %gather3A_1234 : vector<16xf32>
    %get3A_1241 = arith.constant 1888 : index
    %get3A_1242 = tpu.vector_load %arg10[%get3A_1241] {strides = array<i32>} : memref<2048xi32, #tpu.memory_space<vmem>>, vector<16xi32>,
    %gather3A_1243 = tpu.vector_load_idx %arg8[%get3A_1242] : memref<8192xf32, #tpu.memory_space<vmem>>[vector<16xi32>], vector<16xf32>,
    %gather3A_1244 = tpu.vector_load_idx %arg9[%get3A_1242] : memref<8192xf32, #tpu.memory_space<vmem>>[vector<16xi32>], vector<16xf32>,
    %swap3A_1245 = arith.constant 1888 : index
    %swap3A_1246 = tpu.vector_load %arg11[%swap3A_1245] {strides = array<i32>} : memref<2048xf32, #tpu.memory_space<vmem>>, vector<16xf32>,
    tpu.vector_store %arg11[%swap3A_1245], %gather3A_1243 {strides = array<i32>} : memref<2048xf32, #tpu.memory_space<vmem>>, vector<16xf32>,
    %swap3A_1247 = arith.constant 1888 : index
    %swap3A_1248 = tpu.vector_load %arg12[%swap3A_1247] {strides = array<i32>} : memref<2048xf32, #tpu.memory_space<vmem>>, vector<16xf32>,
    tpu.vector_store %arg12[%swap3A_1247], %gather3A_1244 {strides = array<i32>} : memref<2048xf32, #tpu.memory_space<vmem>>, vector<16xf32>,
    %add3A_1249 = arith.addf %add3A_1209, %gather3A_1243 : vector<16xf32>
    %add3A_1250 = arith.addf %add3A_1210, %gather3A_1244 : vector<16xf32>
    %get3A_1251 = arith.constant 1904 : index
    %get3A_1252 = tpu.vector_load %arg10[%get3A_1251] {strides = array<i32>} : memref<2048xi32, #tpu.memory_space<vmem>>, vector<16xi32>,
    %gather3A_1253 = tpu.vector_load_idx %arg8[%get3A_1252] : memref<8192xf32, #tpu.memory_space<vmem>>[vector<16xi32>], vector<16xf32>,
    %gather3A_1254 = tpu.vector_load_idx %arg9[%get3A_1252] : memref<8192xf32, #tpu.memory_space<vmem>>[vector<16xi32>], vector<16xf32>,
    %swap3A_1255 = arith.constant 1904 : index
    %swap3A_1256 = tpu.vector_load %arg11[%swap3A_1255] {strides = array<i32>} : memref<2048xf32, #tpu.memory_space<vmem>>, vector<16xf32>,
    tpu.vector_store %arg11[%swap3A_1255], %gather3A_1253 {strides = array<i32>} : memref<2048xf32, #tpu.memory_space<vmem>>, vector<16xf32>,
    %swap3A_1257 = arith.constant 1904 : index
    %swap3A_1258 = tpu.vector_load %arg12[%swap3A_1257] {strides = array<i32>} : memref<2048xf32, #tpu.memory_space<vmem>>, vector<16xf32>,
    tpu.vector_store %arg12[%swap3A_1257], %gather3A_1254 {strides = array<i32>} : memref<2048xf32, #tpu.memory_space<vmem>>, vector<16xf32>,
    %add3A_1259 = arith.addf %add3A_1219, %gather3A_1253 : vector<16xf32>
    %add3A_1260 = arith.addf %add3A_1220, %gather3A_1254 : vector<16xf32>
    %get3A_1261 = arith.constant 1920 : index
    %get3A_1262 = tpu.vector_load %arg10[%get3A_1261] {strides = array<i32>} : memref<2048xi32, #tpu.memory_space<vmem>>, vector<16xi32>,
    %gather3A_1263 = tpu.vector_load_idx %arg8[%get3A_1262] : memref<8192xf32, #tpu.memory_space<vmem>>[vector<16xi32>], vector<16xf32>,
    %gather3A_1264 = tpu.vector_load_idx %arg9[%get3A_1262] : memref<8192xf32, #tpu.memory_space<vmem>>[vector<16xi32>], vector<16xf32>,
    %swap3A_1265 = arith.constant 1920 : index
    %swap3A_1266 = tpu.vector_load %arg11[%swap3A_1265] {strides = array<i32>} : memref<2048xf32, #tpu.memory_space<vmem>>, vector<16xf32>,
    tpu.vector_store %arg11[%swap3A_1265], %gather3A_1263 {strides = array<i32>} : memref<2048xf32, #tpu.memory_space<vmem>>, vector<16xf32>,
    %swap3A_1267 = arith.constant 1920 : index
    %swap3A_1268 = tpu.vector_load %arg12[%swap3A_1267] {strides = array<i32>} : memref<2048xf32, #tpu.memory_space<vmem>>, vector<16xf32>,
    tpu.vector_store %arg12[%swap3A_1267], %gather3A_1264 {strides = array<i32>} : memref<2048xf32, #tpu.memory_space<vmem>>, vector<16xf32>,
    %add3A_1269 = arith.addf %add3A_1229, %gather3A_1263 : vector<16xf32>
    %add3A_1270 = arith.addf %add3A_1230, %gather3A_1264 : vector<16xf32>
    %get3A_1271 = arith.constant 1936 : index
    %get3A_1272 = tpu.vector_load %arg10[%get3A_1271] {strides = array<i32>} : memref<2048xi32, #tpu.memory_space<vmem>>, vector<16xi32>,
    %gather3A_1273 = tpu.vector_load_idx %arg8[%get3A_1272] : memref<8192xf32, #tpu.memory_space<vmem>>[vector<16xi32>], vector<16xf32>,
    %gather3A_1274 = tpu.vector_load_idx %arg9[%get3A_1272] : memref<8192xf32, #tpu.memory_space<vmem>>[vector<16xi32>], vector<16xf32>,
    %swap3A_1275 = arith.constant 1936 : index
    %swap3A_1276 = tpu.vector_load %arg11[%swap3A_1275] {strides = array<i32>} : memref<2048xf32, #tpu.memory_space<vmem>>, vector<16xf32>,
    tpu.vector_store %arg11[%swap3A_1275], %gather3A_1273 {strides = array<i32>} : memref<2048xf32, #tpu.memory_space<vmem>>, vector<16xf32>,
    %swap3A_1277 = arith.constant 1936 : index
    %swap3A_1278 = tpu.vector_load %arg12[%swap3A_1277] {strides = array<i32>} : memref<2048xf32, #tpu.memory_space<vmem>>, vector<16xf32>,
    tpu.vector_store %arg12[%swap3A_1277], %gather3A_1274 {strides = array<i32>} : memref<2048xf32, #tpu.memory_space<vmem>>, vector<16xf32>,
    %add3A_1279 = arith.addf %add3A_1239, %gather3A_1273 : vector<16xf32>
    %add3A_1280 = arith.addf %add3A_1240, %gather3A_1274 : vector<16xf32>
    %get3A_1281 = arith.constant 1952 : index
    %get3A_1282 = tpu.vector_load %arg10[%get3A_1281] {strides = array<i32>} : memref<2048xi32, #tpu.memory_space<vmem>>, vector<16xi32>,
    %gather3A_1283 = tpu.vector_load_idx %arg8[%get3A_1282] : memref<8192xf32, #tpu.memory_space<vmem>>[vector<16xi32>], vector<16xf32>,
    %gather3A_1284 = tpu.vector_load_idx %arg9[%get3A_1282] : memref<8192xf32, #tpu.memory_space<vmem>>[vector<16xi32>], vector<16xf32>,
    %swap3A_1285 = arith.constant 1952 : index
    %swap3A_1286 = tpu.vector_load %arg11[%swap3A_1285] {strides = array<i32>} : memref<2048xf32, #tpu.memory_space<vmem>>, vector<16xf32>,
    tpu.vector_store %arg11[%swap3A_1285], %gather3A_1283 {strides = array<i32>} : memref<2048xf32, #tpu.memory_space<vmem>>, vector<16xf32>,
    %swap3A_1287 = arith.constant 1952 : index
    %swap3A_1288 = tpu.vector_load %arg12[%swap3A_1287] {strides = array<i32>} : memref<2048xf32, #tpu.memory_space<vmem>>, vector<16xf32>,
    tpu.vector_store %arg12[%swap3A_1287], %gather3A_1284 {strides = array<i32>} : memref<2048xf32, #tpu.memory_space<vmem>>, vector<16xf32>,
    %add3A_1289 = arith.addf %add3A_1249, %gather3A_1283 : vector<16xf32>
    %add3A_1290 = arith.addf %add3A_1250, %gather3A_1284 : vector<16xf32>
    %get3A_1291 = arith.constant 1968 : index
    %get3A_1292 = tpu.vector_load %arg10[%get3A_1291] {strides = array<i32>} : memref<2048xi32, #tpu.memory_space<vmem>>, vector<16xi32>,
    %gather3A_1293 = tpu.vector_load_idx %arg8[%get3A_1292] : memref<8192xf32, #tpu.memory_space<vmem>>[vector<16xi32>], vector<16xf32>,
    %gather3A_1294 = tpu.vector_load_idx %arg9[%get3A_1292] : memref<8192xf32, #tpu.memory_space<vmem>>[vector<16xi32>], vector<16xf32>,
    %swap3A_1295 = arith.constant 1968 : index
    %swap3A_1296 = tpu.vector_load %arg11[%swap3A_1295] {strides = array<i32>} : memref<2048xf32, #tpu.memory_space<vmem>>, vector<16xf32>,
    tpu.vector_store %arg11[%swap3A_1295], %gather3A_1293 {strides = array<i32>} : memref<2048xf32, #tpu.memory_space<vmem>>, vector<16xf32>,
    %swap3A_1297 = arith.constant 1968 : index
    %swap3A_1298 = tpu.vector_load %arg12[%swap3A_1297] {strides = array<i32>} : memref<2048xf32, #tpu.memory_space<vmem>>, vector<16xf32>,
    tpu.vector_store %arg12[%swap3A_1297], %gather3A_1294 {strides = array<i32>} : memref<2048xf32, #tpu.memory_space<vmem>>, vector<16xf32>,
    %add3A_1299 = arith.addf %add3A_1259, %gather3A_1293 : vector<16xf32>
    %add3A_1300 = arith.addf %add3A_1260, %gather3A_1294 : vector<16xf32>
    %get3A_1301 = arith.constant 1984 : index
    %get3A_1302 = tpu.vector_load %arg10[%get3A_1301] {strides = array<i32>} : memref<2048xi32, #tpu.memory_space<vmem>>, vector<16xi32>,
    %gather3A_1303 = tpu.vector_load_idx %arg8[%get3A_1302] : memref<8192xf32, #tpu.memory_space<vmem>>[vector<16xi32>], vector<16xf32>,
    %gather3A_1304 = tpu.vector_load_idx %arg9[%get3A_1302] : memref<8192xf32, #tpu.memory_space<vmem>>[vector<16xi32>], vector<16xf32>,
    %swap3A_1305 = arith.constant 1984 : index
    %swap3A_1306 = tpu.vector_load %arg11[%swap3A_1305] {strides = array<i32>} : memref<2048xf32, #tpu.memory_space<vmem>>, vector<16xf32>,
    tpu.vector_store %arg11[%swap3A_1305], %gather3A_1303 {strides = array<i32>} : memref<2048xf32, #tpu.memory_space<vmem>>, vector<16xf32>,
    %swap3A_1307 = arith.constant 1984 : index
    %swap3A_1308 = tpu.vector_load %arg12[%swap3A_1307] {strides = array<i32>} : memref<2048xf32, #tpu.memory_space<vmem>>, vector<16xf32>,
    tpu.vector_store %arg12[%swap3A_1307], %gather3A_1304 {strides = array<i32>} : memref<2048xf32, #tpu.memory_space<vmem>>, vector<16xf32>,
    %add3A_1309 = arith.addf %add3A_1269, %gather3A_1303 : vector<16xf32>
    %add3A_1310 = arith.addf %add3A_1270, %gather3A_1304 : vector<16xf32>
    %get3A_1311 = arith.constant 2000 : index
    %get3A_1312 = tpu.vector_load %arg10[%get3A_1311] {strides = array<i32>} : memref<2048xi32, #tpu.memory_space<vmem>>, vector<16xi32>,
    %gather3A_1313 = tpu.vector_load_idx %arg8[%get3A_1312] : memref<8192xf32, #tpu.memory_space<vmem>>[vector<16xi32>], vector<16xf32>,
    %gather3A_1314 = tpu.vector_load_idx %arg9[%get3A_1312] : memref<8192xf32, #tpu.memory_space<vmem>>[vector<16xi32>], vector<16xf32>,
    %swap3A_1315 = arith.constant 2000 : index
    %swap3A_1316 = tpu.vector_load %arg11[%swap3A_1315] {strides = array<i32>} : memref<2048xf32, #tpu.memory_space<vmem>>, vector<16xf32>,
    tpu.vector_store %arg11[%swap3A_1315], %gather3A_1313 {strides = array<i32>} : memref<2048xf32, #tpu.memory_space<vmem>>, vector<16xf32>,
    %swap3A_1317 = arith.constant 2000 : index
    %swap3A_1318 = tpu.vector_load %arg12[%swap3A_1317] {strides = array<i32>} : memref<2048xf32, #tpu.memory_space<vmem>>, vector<16xf32>,
    tpu.vector_store %arg12[%swap3A_1317], %gather3A_1314 {strides = array<i32>} : memref<2048xf32, #tpu.memory_space<vmem>>, vector<16xf32>,
    %add3A_1319 = arith.addf %add3A_1279, %gather3A_1313 : vector<16xf32>
    %add3A_1320 = arith.addf %add3A_1280, %gather3A_1314 : vector<16xf32>
    %get3A_1321 = arith.constant 2016 : index
    %get3A_1322 = tpu.vector_load %arg10[%get3A_1321] {strides = array<i32>} : memref<2048xi32, #tpu.memory_space<vmem>>, vector<16xi32>,
    %gather3A_1323 = tpu.vector_load_idx %arg8[%get3A_1322] : memref<8192xf32, #tpu.memory_space<vmem>>[vector<16xi32>], vector<16xf32>,
    %gather3A_1324 = tpu.vector_load_idx %arg9[%get3A_1322] : memref<8192xf32, #tpu.memory_space<vmem>>[vector<16xi32>], vector<16xf32>,
    %swap3A_1325 = arith.constant 2016 : index
    %swap3A_1326 = tpu.vector_load %arg11[%swap3A_1325] {strides = array<i32>} : memref<2048xf32, #tpu.memory_space<vmem>>, vector<16xf32>,
    tpu.vector_store %arg11[%swap3A_1325], %gather3A_1323 {strides = array<i32>} : memref<2048xf32, #tpu.memory_space<vmem>>, vector<16xf32>,
    %swap3A_1327 = arith.constant 2016 : index
    %swap3A_1328 = tpu.vector_load %arg12[%swap3A_1327] {strides = array<i32>} : memref<2048xf32, #tpu.memory_space<vmem>>, vector<16xf32>,
    tpu.vector_store %arg12[%swap3A_1327], %gather3A_1324 {strides = array<i32>} : memref<2048xf32, #tpu.memory_space<vmem>>, vector<16xf32>,
    %add3A_1329 = arith.addf %add3A_1289, %gather3A_1323 : vector<16xf32>
    %add3A_1330 = arith.addf %add3A_1290, %gather3A_1324 : vector<16xf32>
    %get3A_1331 = arith.constant 2032 : index
    %get3A_1332 = tpu.vector_load %arg10[%get3A_1331] {strides = array<i32>} : memref<2048xi32, #tpu.memory_space<vmem>>, vector<16xi32>,
    %gather3A_1333 = tpu.vector_load_idx %arg8[%get3A_1332] : memref<8192xf32, #tpu.memory_space<vmem>>[vector<16xi32>], vector<16xf32>,
    %gather3A_1334 = tpu.vector_load_idx %arg9[%get3A_1332] : memref<8192xf32, #tpu.memory_space<vmem>>[vector<16xi32>], vector<16xf32>,
    %swap3A_1335 = arith.constant 2032 : index
    %swap3A_1336 = tpu.vector_load %arg11[%swap3A_1335] {strides = array<i32>} : memref<2048xf32, #tpu.memory_space<vmem>>, vector<16xf32>,
    tpu.vector_store %arg11[%swap3A_1335], %gather3A_1333 {strides = array<i32>} : memref<2048xf32, #tpu.memory_space<vmem>>, vector<16xf32>,
    %swap3A_1337 = arith.constant 2032 : index
    %swap3A_1338 = tpu.vector_load %arg12[%swap3A_1337] {strides = array<i32>} : memref<2048xf32, #tpu.memory_space<vmem>>, vector<16xf32>,
    tpu.vector_store %arg12[%swap3A_1337], %gather3A_1334 {strides = array<i32>} : memref<2048xf32, #tpu.memory_space<vmem>>, vector<16xf32>,
    %add3A_1339 = arith.addf %add3A_1299, %gather3A_1333 : vector<16xf32>
    %add3A_1340 = arith.addf %add3A_1300, %gather3A_1334 : vector<16xf32>
    %add3A_1341 = arith.addf %add3A_1309, %add3A_1319 : vector<16xf32>
    %add3A_1342 = arith.addf %add3A_1341, %add3A_1329 : vector<16xf32>
    %add3A_1343 = arith.addf %add3A_1342, %add3A_1339 : vector<16xf32>
    %reduce_sum3A_1344 = arith.constant true
    %reduce_sum3A_1345 = vector.broadcast %reduce_sum3A_1344 : i1 to vector<16xi1>
    %reduce_sum3A_1346 = tpu.scan <sum>, %add3A_1343 masked %reduce_sum3A_1345 : vector<16xf32>, vector<16xi1> -> vector<16xf32>
    %reduce_sum3A_1347 = vector.extract %reduce_sum3A_1346[15] : f32 from vector<16xf32>
    %mul3A_1348 = arith.constant 9.765625E-4 : f32
    %mul3A_1349 = arith.mulf %reduce_sum3A_1347, %mul3A_1348 : f32
    %add3A_1350 = arith.addf %add3A_1310, %add3A_1320 : vector<16xf32>
    %add3A_1351 = arith.addf %add3A_1350, %add3A_1330 : vector<16xf32>
    %add3A_1352 = arith.addf %add3A_1351, %add3A_1340 : vector<16xf32>
    %reduce_sum3A_1353 = arith.constant true
    %reduce_sum3A_1354 = vector.broadcast %reduce_sum3A_1353 : i1 to vector<16xi1>
    %reduce_sum3A_1355 = tpu.scan <sum>, %add3A_1352 masked %reduce_sum3A_1354 : vector<16xf32>, vector<16xi1> -> vector<16xf32>
    %reduce_sum3A_1356 = vector.extract %reduce_sum3A_1355[15] : f32 from vector<16xf32>
    %mul3A_1357 = arith.constant 9.765625E-4 : f32
    %mul3A_1358 = arith.mulf %reduce_sum3A_1356, %mul3A_1357 : f32
    %eq3A_1359 = arith.constant 1 : i32
    %eq3A_1360 = vector.broadcast %eq3A_1359 : i32 to vector<16xi32>
    %eq3A_1361 = arith.cmpi eq, %iota3A, %eq3A_1360 : vector<16xi32>
    %jit3A_1362 = arith.constant 0.000000e+00 : f32
    %broadcast_in_dim3A_1363 = vector.broadcast %mul3A_1349 : f32 to vector<16xf32>
    %broadcast_in_dim3A_1364 = vector.broadcast %jit3A_1362 : f32 to vector<16xf32>
    %select_n3A_1365 = arith.select %eq3A_1361, %broadcast_in_dim3A_1363, %broadcast_in_dim3A_1364 : vector<16xi1>, vector<16xf32>
    %add3A_1366 = arith.addf %add3A_700, %select_n3A_1365 : vector<16xf32>
    %eq3A_1367 = arith.constant 3 : i32
    %eq3A_1368 = vector.broadcast %eq3A_1367 : i32 to vector<16xi32>
    %eq3A_1369 = arith.cmpi eq, %iota3A, %eq3A_1368 : vector<16xi32>
    %jit3A_1370 = arith.constant 0.000000e+00 : f32
    %broadcast_in_dim3A_1371 = vector.broadcast %mul3A_1358 : f32 to vector<16xf32>
    %broadcast_in_dim3A_1372 = vector.broadcast %jit3A_1370 : f32 to vector<16xf32>
    %select_n3A_1373 = arith.select %eq3A_1369, %broadcast_in_dim3A_1371, %broadcast_in_dim3A_1372 : vector<16xi1>, vector<16xf32>
    %add3A_1374 = arith.addf %add3A_1366, %select_n3A_1373 : vector<16xf32>
    %swap3A_1375 = arith.constant 0 : index
    %swap3A_1376 = tpu.vector_load %arg13[%swap3A_1375] {strides = array<i32>} : memref<16xf32, #tpu.memory_space<vmem>>, vector<16xf32>,
    tpu.vector_store %arg13[%swap3A_1375], %add3A_1374 {strides = array<i32>} : memref<16xf32, #tpu.memory_space<vmem>>, vector<16xf32>,
    %dma_start3A_1377 = tpu.memref_slice %arg4[%mul3A_2] : memref<65536xf32, #tpu.memory_space<hbm>> -> memref<2048xf32, #tpu.memory_space<hbm>>
    %dma_start3A_1378 = tpu.memref_slice %arg4[%mul3A_2] : memref<65536xf32, #tpu.memory_space<hbm>> -> memref<2048xf32, #tpu.memory_space<hbm>>
    tpu.enqueue_dma source(%arg11 : memref<2048xf32, #tpu.memory_space<vmem>>) target(%dma_start3A_1378 : memref<2048xf32, #tpu.memory_space<hbm>>) target_semaphore(%arg18 : memref<!tpu.dma_semaphore, #tpu.memory_space<semaphore_mem>>)
    %dma_start3A_1379 = tpu.memref_slice %arg5[%mul3A_2] : memref<65536xf32, #tpu.memory_space<hbm>> -> memref<2048xf32, #tpu.memory_space<hbm>>
    %dma_start3A_1380 = tpu.memref_slice %arg5[%mul3A_2] : memref<65536xf32, #tpu.memory_space<hbm>> -> memref<2048xf32, #tpu.memory_space<hbm>>
    tpu.enqueue_dma source(%arg12 : memref<2048xf32, #tpu.memory_space<vmem>>) target(%dma_start3A_1380 : memref<2048xf32, #tpu.memory_space<hbm>>) target_semaphore(%arg19 : memref<!tpu.dma_semaphore, #tpu.memory_space<semaphore_mem>>)
    "tpu.region"() ({
      %run_scoped3A = tpu.sem_alloc : memref<!tpu.dma_semaphore, #tpu.memory_space<semaphore_mem>>
      %dma_start3A_1388 = arith.constant 0 : i32
      %dma_start3A_1389 = tpu.memref_slice %arg17[%arg1, %dma_start3A_1388] : memref<16x16xf32, #tpu.memory_space<vmem_shared>> -> memref<1x16xf32, #tpu.memory_space<vmem_shared>>
      %dma_start3A_1390 = tpu.memref_squeeze %dma_start3A_1389 : memref<1x16xf32, #tpu.memory_space<vmem_shared>> -> memref<16xf32, #tpu.memory_space<vmem_shared>>
      %dma_start3A_1391 = arith.constant 0 : i32
      %dma_start3A_1392 = tpu.memref_slice %arg17[%arg1, %dma_start3A_1391] : memref<16x16xf32, #tpu.memory_space<vmem_shared>> -> memref<1x16xf32, #tpu.memory_space<vmem_shared>>
      %dma_start3A_1393 = tpu.memref_squeeze %dma_start3A_1392 : memref<1x16xf32, #tpu.memory_space<vmem_shared>> -> memref<16xf32, #tpu.memory_space<vmem_shared>>
      tpu.enqueue_dma source(%arg13 : memref<16xf32, #tpu.memory_space<vmem>>) target(%dma_start3A_1393 : memref<16xf32, #tpu.memory_space<vmem_shared>>) target_semaphore(%run_scoped3A : memref<!tpu.dma_semaphore, #tpu.memory_space<semaphore_mem>>)
      %dma_wait3A_1394 = arith.constant 0 : i32
      %dma_wait3A_1395 = tpu.memref_slice %arg17[%arg1, %dma_wait3A_1394] : memref<16x16xf32, #tpu.memory_space<vmem_shared>> -> memref<1x16xf32, #tpu.memory_space<vmem_shared>>
      %dma_wait3A_1396 = tpu.memref_squeeze %dma_wait3A_1395 : memref<1x16xf32, #tpu.memory_space<vmem_shared>> -> memref<16xf32, #tpu.memory_space<vmem_shared>>
      %dma_wait3A_1397 = arith.constant 0 : i32
      %dma_wait3A_1398 = tpu.memref_slice %arg17[%arg1, %dma_wait3A_1397] : memref<16x16xf32, #tpu.memory_space<vmem_shared>> -> memref<1x16xf32, #tpu.memory_space<vmem_shared>>
      %dma_wait3A_1399 = tpu.memref_squeeze %dma_wait3A_1398 : memref<1x16xf32, #tpu.memory_space<vmem_shared>> -> memref<16xf32, #tpu.memory_space<vmem_shared>>
      tpu.wait_dma2 semaphore(%run_scoped3A : memref<!tpu.dma_semaphore, #tpu.memory_space<semaphore_mem>>) src(%arg13 : memref<16xf32, #tpu.memory_space<vmem>>) dst(%dma_wait3A_1399 : memref<16xf32, #tpu.memory_space<vmem_shared>>)
      tpu.yield
    }) : () -> ()
    %barrier3A = arith.constant 0 : index
    tpu.barrier barrier_id(%barrier3A)
    %eq3A_1381 = arith.constant 0 : i32
    %eq3A_1382 = arith.cmpi eq, %arg1, %eq3A_1381 : i32
    %convert_element_type3A = arith.extui %eq3A_1382 : i1 to i32
    %cond3A = arith.constant 0 : i32
    %cond3A_1383 = arith.cmpi ne, %convert_element_type3A, %cond3A : i32
    scf.if %cond3A_1383 {
      "tpu.region"() ({
        %run_scoped3A = tpu.sem_alloc : memref<!tpu.dma_semaphore, #tpu.memory_space<semaphore_mem>>
        tpu.enqueue_dma source(%arg17 : memref<16x16xf32, #tpu.memory_space<vmem_shared>>) target(%arg14 : memref<16x16xf32, #tpu.memory_space<vmem>>) target_semaphore(%run_scoped3A : memref<!tpu.dma_semaphore, #tpu.memory_space<semaphore_mem>>)
        tpu.wait_dma2 semaphore(%run_scoped3A : memref<!tpu.dma_semaphore, #tpu.memory_space<semaphore_mem>>) src(%arg17 : memref<16x16xf32, #tpu.memory_space<vmem_shared>>) dst(%arg14 : memref<16x16xf32, #tpu.memory_space<vmem>>)
        tpu.yield
      }) : () -> ()
      %add3A_1388 = arith.constant 0 : i32
      %add3A_1389 = vector.broadcast %add3A_1388 : i32 to vector<16xi32>
      %add3A_1390 = arith.addi %iota3A, %add3A_1389 : vector<16xi32>
      %jit3A_1391 = arith.constant 2 : i32
      %div3A = vector.broadcast %jit3A_1391 : i32 to vector<16xi32>
      %div3A_1392 = arith.divsi %add3A_1390, %div3A : vector<16xi32>
      %sign3A = arith.constant 0 : i32
      %sign3A_1393 = vector.broadcast %sign3A : i32 to vector<16xi32>
      %sign3A_1394 = arith.cmpi sgt, %add3A_1390, %sign3A_1393 : vector<16xi32>
      %sign3A_1395 = arith.extui %sign3A_1394 : vector<16xi1> to vector<16xi32>
      %sign3A_1396 = arith.constant 0 : i32
      %sign3A_1397 = vector.broadcast %sign3A_1396 : i32 to vector<16xi32>
      %sign3A_1398 = arith.cmpi slt, %add3A_1390, %sign3A_1397 : vector<16xi32>
      %sign3A_1399 = arith.extui %sign3A_1398 : vector<16xi1> to vector<16xi32>
      %sign3A_1400 = arith.subi %sign3A_1395, %sign3A_1399 : vector<16xi32>
      %sign3A_1401 = arith.constant 0 : i32
      %sign3A_1402 = arith.cmpi sgt, %jit3A_1391, %sign3A_1401 : i32
      %sign3A_1403 = arith.extui %sign3A_1402 : i1 to i32
      %sign3A_1404 = arith.constant 0 : i32
      %sign3A_1405 = arith.cmpi slt, %jit3A_1391, %sign3A_1404 : i32
      %sign3A_1406 = arith.extui %sign3A_1405 : i1 to i32
      %sign3A_1407 = arith.subi %sign3A_1403, %sign3A_1406 : i32
      %ne3A = vector.broadcast %sign3A_1407 : i32 to vector<16xi32>
      %ne3A_1408 = arith.cmpi ne, %sign3A_1400, %ne3A : vector<16xi32>
      %rem3A = vector.broadcast %jit3A_1391 : i32 to vector<16xi32>
      %rem3A_1409 = arith.remsi %add3A_1390, %rem3A : vector<16xi32>
      %ne3A_1410 = arith.constant 0 : i32
      %ne3A_1411 = vector.broadcast %ne3A_1410 : i32 to vector<16xi32>
      %ne3A_1412 = arith.cmpi ne, %rem3A_1409, %ne3A_1411 : vector<16xi32>
      %and3A = arith.andi %ne3A_1408, %ne3A_1412 : vector<16xi1>
      %sub3A = arith.constant 1 : i32
      %sub3A_1413 = vector.broadcast %sub3A : i32 to vector<16xi32>
      %sub3A_1414 = arith.subi %div3A_1392, %sub3A_1413 : vector<16xi32>
      %select_n3A_1415 = arith.select %and3A, %sub3A_1414, %div3A_1392 : vector<16xi1>, vector<16xi32>
      %jit3A_1416 = arith.constant 2 : i32
      %eq3A_1417 = arith.constant 0 : i32
      %eq3A_1418 = arith.cmpi eq, %jit3A_1416, %eq3A_1417 : i32
      %jit3A_1419 = arith.constant 1 : i32
      %select_n3A_1420 = arith.select %eq3A_1418, %jit3A_1419, %jit3A_1416 : i32
      %rem3A_1421 = vector.broadcast %select_n3A_1420 : i32 to vector<16xi32>
      %rem3A_1422 = arith.remsi %add3A_1390, %rem3A_1421 : vector<16xi32>
      %ne3A_1423 = arith.constant 0 : i32
      %ne3A_1424 = vector.broadcast %ne3A_1423 : i32 to vector<16xi32>
      %ne3A_1425 = arith.cmpi ne, %rem3A_1422, %ne3A_1424 : vector<16xi32>
      %lt3A = arith.constant 0 : i32
      %lt3A_1426 = vector.broadcast %lt3A : i32 to vector<16xi32>
      %lt3A_1427 = arith.cmpi slt, %rem3A_1422, %lt3A_1426 : vector<16xi32>
      %lt3A_1428 = arith.constant 0 : i32
      %lt3A_1429 = arith.cmpi slt, %select_n3A_1420, %lt3A_1428 : i32
      %ne3A_1430 = vector.broadcast %lt3A_1429 : i1 to vector<16xi1>
      %ne3A_1431 = vector.broadcast %ne3A_1430 : vector<16xi1> to vector<16xi1>
      %ne3A_1432 = arith.xori %lt3A_1427, %ne3A_1431 : vector<16xi1>
      %and3A_1433 = arith.andi %ne3A_1432, %ne3A_1425 : vector<16xi1>
      %add3A_1434 = vector.broadcast %select_n3A_1420 : i32 to vector<16xi32>
      %add3A_1435 = arith.addi %rem3A_1422, %add3A_1434 : vector<16xi32>
      %select_n3A_1436 = arith.select %and3A_1433, %add3A_1435, %rem3A_1422 : vector<16xi1>, vector<16xi32>
      %gather3A_1437 = tpu.vector_load_idx %arg14[%select_n3A_1415, %select_n3A_1436] : memref<16x16xf32, #tpu.memory_space<vmem>>[vector<16xi32>, vector<16xi32>], vector<16xf32>,
      %add3A_1438 = arith.constant 2 : i32
      %add3A_1439 = vector.broadcast %add3A_1438 : i32 to vector<16xi32>
      %add3A_1440 = arith.addi %select_n3A_1436, %add3A_1439 : vector<16xi32>
      %gather3A_1441 = tpu.vector_load_idx %arg14[%select_n3A_1415, %add3A_1440] : memref<16x16xf32, #tpu.memory_space<vmem>>[vector<16xi32>, vector<16xi32>], vector<16xf32>,
      %swap3A_1442 = arith.constant 0 : index
      %swap3A_1443 = tpu.vector_load %arg15[%swap3A_1442] {strides = array<i32>} : memref<32xf32, #tpu.memory_space<vmem>>, vector<16xf32>,
      tpu.vector_store %arg15[%swap3A_1442], %gather3A_1437 {strides = array<i32>} : memref<32xf32, #tpu.memory_space<vmem>>, vector<16xf32>,
      %swap3A_1444 = arith.constant 0 : index
      %swap3A_1445 = tpu.vector_load %arg16[%swap3A_1444] {strides = array<i32>} : memref<32xf32, #tpu.memory_space<vmem>>, vector<16xf32>,
      tpu.vector_store %arg16[%swap3A_1444], %gather3A_1441 {strides = array<i32>} : memref<32xf32, #tpu.memory_space<vmem>>, vector<16xf32>,
      %add3A_1446 = arith.constant 16 : i32
      %add3A_1447 = vector.broadcast %add3A_1446 : i32 to vector<16xi32>
      %add3A_1448 = arith.addi %iota3A, %add3A_1447 : vector<16xi32>
      %jit3A_1449 = arith.constant 2 : i32
      %div3A_1450 = vector.broadcast %jit3A_1449 : i32 to vector<16xi32>
      %div3A_1451 = arith.divsi %add3A_1448, %div3A_1450 : vector<16xi32>
      %sign3A_1452 = arith.constant 0 : i32
      %sign3A_1453 = vector.broadcast %sign3A_1452 : i32 to vector<16xi32>
      %sign3A_1454 = arith.cmpi sgt, %add3A_1448, %sign3A_1453 : vector<16xi32>
      %sign3A_1455 = arith.extui %sign3A_1454 : vector<16xi1> to vector<16xi32>
      %sign3A_1456 = arith.constant 0 : i32
      %sign3A_1457 = vector.broadcast %sign3A_1456 : i32 to vector<16xi32>
      %sign3A_1458 = arith.cmpi slt, %add3A_1448, %sign3A_1457 : vector<16xi32>
      %sign3A_1459 = arith.extui %sign3A_1458 : vector<16xi1> to vector<16xi32>
      %sign3A_1460 = arith.subi %sign3A_1455, %sign3A_1459 : vector<16xi32>
      %sign3A_1461 = arith.constant 0 : i32
      %sign3A_1462 = arith.cmpi sgt, %jit3A_1449, %sign3A_1461 : i32
      %sign3A_1463 = arith.extui %sign3A_1462 : i1 to i32
      %sign3A_1464 = arith.constant 0 : i32
      %sign3A_1465 = arith.cmpi slt, %jit3A_1449, %sign3A_1464 : i32
      %sign3A_1466 = arith.extui %sign3A_1465 : i1 to i32
      %sign3A_1467 = arith.subi %sign3A_1463, %sign3A_1466 : i32
      %ne3A_1468 = vector.broadcast %sign3A_1467 : i32 to vector<16xi32>
      %ne3A_1469 = arith.cmpi ne, %sign3A_1460, %ne3A_1468 : vector<16xi32>
      %rem3A_1470 = vector.broadcast %jit3A_1449 : i32 to vector<16xi32>
      %rem3A_1471 = arith.remsi %add3A_1448, %rem3A_1470 : vector<16xi32>
      %ne3A_1472 = arith.constant 0 : i32
      %ne3A_1473 = vector.broadcast %ne3A_1472 : i32 to vector<16xi32>
      %ne3A_1474 = arith.cmpi ne, %rem3A_1471, %ne3A_1473 : vector<16xi32>
      %and3A_1475 = arith.andi %ne3A_1469, %ne3A_1474 : vector<16xi1>
      %sub3A_1476 = arith.constant 1 : i32
      %sub3A_1477 = vector.broadcast %sub3A_1476 : i32 to vector<16xi32>
      %sub3A_1478 = arith.subi %div3A_1451, %sub3A_1477 : vector<16xi32>
      %select_n3A_1479 = arith.select %and3A_1475, %sub3A_1478, %div3A_1451 : vector<16xi1>, vector<16xi32>
      %jit3A_1480 = arith.constant 2 : i32
      %eq3A_1481 = arith.constant 0 : i32
      %eq3A_1482 = arith.cmpi eq, %jit3A_1480, %eq3A_1481 : i32
      %jit3A_1483 = arith.constant 1 : i32
      %select_n3A_1484 = arith.select %eq3A_1482, %jit3A_1483, %jit3A_1480 : i32
      %rem3A_1485 = vector.broadcast %select_n3A_1484 : i32 to vector<16xi32>
      %rem3A_1486 = arith.remsi %add3A_1448, %rem3A_1485 : vector<16xi32>
      %ne3A_1487 = arith.constant 0 : i32
      %ne3A_1488 = vector.broadcast %ne3A_1487 : i32 to vector<16xi32>
      %ne3A_1489 = arith.cmpi ne, %rem3A_1486, %ne3A_1488 : vector<16xi32>
      %lt3A_1490 = arith.constant 0 : i32
      %lt3A_1491 = vector.broadcast %lt3A_1490 : i32 to vector<16xi32>
      %lt3A_1492 = arith.cmpi slt, %rem3A_1486, %lt3A_1491 : vector<16xi32>
      %lt3A_1493 = arith.constant 0 : i32
      %lt3A_1494 = arith.cmpi slt, %select_n3A_1484, %lt3A_1493 : i32
      %ne3A_1495 = vector.broadcast %lt3A_1494 : i1 to vector<16xi1>
      %ne3A_1496 = vector.broadcast %ne3A_1495 : vector<16xi1> to vector<16xi1>
      %ne3A_1497 = arith.xori %lt3A_1492, %ne3A_1496 : vector<16xi1>
      %and3A_1498 = arith.andi %ne3A_1497, %ne3A_1489 : vector<16xi1>
      %add3A_1499 = vector.broadcast %select_n3A_1484 : i32 to vector<16xi32>
      %add3A_1500 = arith.addi %rem3A_1486, %add3A_1499 : vector<16xi32>
      %select_n3A_1501 = arith.select %and3A_1498, %add3A_1500, %rem3A_1486 : vector<16xi1>, vector<16xi32>
      %gather3A_1502 = tpu.vector_load_idx %arg14[%select_n3A_1479, %select_n3A_1501] : memref<16x16xf32, #tpu.memory_space<vmem>>[vector<16xi32>, vector<16xi32>], vector<16xf32>,
      %add3A_1503 = arith.constant 2 : i32
      %add3A_1504 = vector.broadcast %add3A_1503 : i32 to vector<16xi32>
      %add3A_1505 = arith.addi %select_n3A_1501, %add3A_1504 : vector<16xi32>
      %gather3A_1506 = tpu.vector_load_idx %arg14[%select_n3A_1479, %add3A_1505] : memref<16x16xf32, #tpu.memory_space<vmem>>[vector<16xi32>, vector<16xi32>], vector<16xf32>,
      %swap3A_1507 = arith.constant 16 : index
      %swap3A_1508 = tpu.vector_load %arg15[%swap3A_1507] {strides = array<i32>} : memref<32xf32, #tpu.memory_space<vmem>>, vector<16xf32>,
      tpu.vector_store %arg15[%swap3A_1507], %gather3A_1502 {strides = array<i32>} : memref<32xf32, #tpu.memory_space<vmem>>, vector<16xf32>,
      %swap3A_1509 = arith.constant 16 : index
      %swap3A_1510 = tpu.vector_load %arg16[%swap3A_1509] {strides = array<i32>} : memref<32xf32, #tpu.memory_space<vmem>>, vector<16xf32>,
      tpu.vector_store %arg16[%swap3A_1509], %gather3A_1506 {strides = array<i32>} : memref<32xf32, #tpu.memory_space<vmem>>, vector<16xf32>,
      %mul3A_1511 = arith.constant 32 : i32
      %mul3A_1512 = arith.muli %mul3A_1511, %arg0 : i32
      "tpu.region"() ({
        %run_scoped3A = tpu.sem_alloc : memref<!tpu.dma_semaphore, #tpu.memory_space<semaphore_mem>>
        %dma_start3A_1515 = tpu.memref_slice %arg6[%mul3A_1512] : memref<64xf32, #tpu.memory_space<hbm>> -> memref<32xf32, #tpu.memory_space<hbm>>
        %dma_start3A_1516 = tpu.memref_slice %arg6[%mul3A_1512] : memref<64xf32, #tpu.memory_space<hbm>> -> memref<32xf32, #tpu.memory_space<hbm>>
        tpu.enqueue_dma source(%arg15 : memref<32xf32, #tpu.memory_space<vmem>>) target(%dma_start3A_1516 : memref<32xf32, #tpu.memory_space<hbm>>) target_semaphore(%run_scoped3A : memref<!tpu.dma_semaphore, #tpu.memory_space<semaphore_mem>>)
        %dma_wait3A_1517 = tpu.memref_slice %arg6[%mul3A_1512] : memref<64xf32, #tpu.memory_space<hbm>> -> memref<32xf32, #tpu.memory_space<hbm>>
        %dma_wait3A_1518 = tpu.memref_slice %arg6[%mul3A_1512] : memref<64xf32, #tpu.memory_space<hbm>> -> memref<32xf32, #tpu.memory_space<hbm>>
        tpu.wait_dma2 semaphore(%run_scoped3A : memref<!tpu.dma_semaphore, #tpu.memory_space<semaphore_mem>>) src(%arg15 : memref<32xf32, #tpu.memory_space<vmem>>) dst(%dma_wait3A_1518 : memref<32xf32, #tpu.memory_space<hbm>>)
        tpu.yield
      }) : () -> ()
      %mul3A_1513 = arith.constant 32 : i32
      %mul3A_1514 = arith.muli %mul3A_1513, %arg0 : i32
      "tpu.region"() ({
        %run_scoped3A = tpu.sem_alloc : memref<!tpu.dma_semaphore, #tpu.memory_space<semaphore_mem>>
        %dma_start3A_1515 = tpu.memref_slice %arg7[%mul3A_1514] : memref<64xf32, #tpu.memory_space<hbm>> -> memref<32xf32, #tpu.memory_space<hbm>>
        %dma_start3A_1516 = tpu.memref_slice %arg7[%mul3A_1514] : memref<64xf32, #tpu.memory_space<hbm>> -> memref<32xf32, #tpu.memory_space<hbm>>
        tpu.enqueue_dma source(%arg16 : memref<32xf32, #tpu.memory_space<vmem>>) target(%dma_start3A_1516 : memref<32xf32, #tpu.memory_space<hbm>>) target_semaphore(%run_scoped3A : memref<!tpu.dma_semaphore, #tpu.memory_space<semaphore_mem>>)
        %dma_wait3A_1517 = tpu.memref_slice %arg7[%mul3A_1514] : memref<64xf32, #tpu.memory_space<hbm>> -> memref<32xf32, #tpu.memory_space<hbm>>
        %dma_wait3A_1518 = tpu.memref_slice %arg7[%mul3A_1514] : memref<64xf32, #tpu.memory_space<hbm>> -> memref<32xf32, #tpu.memory_space<hbm>>
        tpu.wait_dma2 semaphore(%run_scoped3A : memref<!tpu.dma_semaphore, #tpu.memory_space<semaphore_mem>>) src(%arg16 : memref<32xf32, #tpu.memory_space<vmem>>) dst(%dma_wait3A_1518 : memref<32xf32, #tpu.memory_space<hbm>>)
        tpu.yield
      }) : () -> ()
    } else {
    }
    %dma_wait3A_1384 = tpu.memref_slice %arg4[%mul3A_2] : memref<65536xf32, #tpu.memory_space<hbm>> -> memref<2048xf32, #tpu.memory_space<hbm>>
    %dma_wait3A_1385 = tpu.memref_slice %arg4[%mul3A_2] : memref<65536xf32, #tpu.memory_space<hbm>> -> memref<2048xf32, #tpu.memory_space<hbm>>
    tpu.wait_dma2 semaphore(%arg18 : memref<!tpu.dma_semaphore, #tpu.memory_space<semaphore_mem>>) src(%arg11 : memref<2048xf32, #tpu.memory_space<vmem>>) dst(%dma_wait3A_1385 : memref<2048xf32, #tpu.memory_space<hbm>>)
    %dma_wait3A_1386 = tpu.memref_slice %arg5[%mul3A_2] : memref<65536xf32, #tpu.memory_space<hbm>> -> memref<2048xf32, #tpu.memory_space<hbm>>
    %dma_wait3A_1387 = tpu.memref_slice %arg5[%mul3A_2] : memref<65536xf32, #tpu.memory_space<hbm>> -> memref<2048xf32, #tpu.memory_space<hbm>>
    tpu.wait_dma2 semaphore(%arg19 : memref<!tpu.dma_semaphore, #tpu.memory_space<semaphore_mem>>) src(%arg12 : memref<2048xf32, #tpu.memory_space<vmem>>) dst(%dma_wait3A_1387 : memref<2048xf32, #tpu.memory_space<hbm>>)
    return
  }
}

module attributes {stable_mosaic.version = 14 : i64} {
  func.func @_table_body(%arg0: memref<8192x64xf32, #tpu.memory_space<vmem>>, %arg1: memref<64x2xf32, #tpu.memory_space<vmem>>, %arg2: memref<2xf32, #tpu.memory_space<smem>>, %arg3: memref<2x8192xf32, #tpu.memory_space<vmem>>) attributes {dimension_semantics = [], scalar_prefetch = 0 : i64, scratch_operands = 0 : i64, tpu.core_type = #tpu.core_type<tc>} {
    %get3A = arith.constant 0 : index
    %get3A_0 = arith.constant 0 : index
    %get3A_1 = vector.load %arg1[%get3A, %get3A_0] : memref<64x2xf32, #tpu.memory_space<vmem>>, vector<64x2xf32>
    %get3A_2 = arith.constant 0 : index
    %get3A_3 = arith.constant 0 : index
    %get3A_4 = vector.load %arg0[%get3A_2, %get3A_3] : memref<8192x64xf32, #tpu.memory_space<vmem>>, vector<8192x64xf32>
    %dot_general3A = arith.constant dense<0.000000e+00> : vector<2x8192xf32>
    %dot_general3A_5 = tpu.matmul %get3A_1, %get3A_4, %dot_general3A {dimension_numbers = #tpu.dot_dimension_numbers<[0], [1], [1], [0], [0, 1, 1, 0], [], []>, transpose_lhs_hint = false} : vector<64x2xf32>, vector<8192x64xf32>, vector<2x8192xf32> -> vector<2x8192xf32>
    %iota3A = tpu.iota {dimensions = array<i32: 0>} : vector<2x8192xi32>
    %eq3A = arith.constant 0 : i32
    %eq3A_6 = vector.broadcast %eq3A : i32 to vector<2x8192xi32>
    %eq3A_7 = arith.cmpi eq, %iota3A, %eq3A_6 : vector<2x8192xi32>
    %get3A_8 = arith.constant 0 : index
    %get3A_9 = memref.load %arg2[%get3A_8] : memref<2xf32, #tpu.memory_space<smem>>
    %get3A_10 = arith.constant 1 : index
    %get3A_11 = memref.load %arg2[%get3A_10] : memref<2xf32, #tpu.memory_space<smem>>
    %broadcast_in_dim3A = vector.broadcast %get3A_9 : f32 to vector<2x8192xf32>
    %broadcast_in_dim3A_12 = vector.broadcast %get3A_11 : f32 to vector<2x8192xf32>
    %select_n3A = arith.select %eq3A_7, %broadcast_in_dim3A, %broadcast_in_dim3A_12 : vector<2x8192xi1>, vector<2x8192xf32>
    %add3A = arith.addf %dot_general3A_5, %select_n3A : vector<2x8192xf32>
    %logistic3A = arith.negf %add3A : vector<2x8192xf32>
    %logistic3A_13 = math.exp %logistic3A : vector<2x8192xf32>
    %logistic3A_14 = arith.constant 1.000000e+00 : f32
    %logistic3A_15 = vector.broadcast %logistic3A_14 : f32 to vector<2x8192xf32>
    %logistic3A_16 = arith.addf %logistic3A_15, %logistic3A_13 : vector<2x8192xf32>
    %logistic3A_17 = arith.divf %logistic3A_15, %logistic3A_16 : vector<2x8192xf32>
    %swap3A = arith.constant 0 : index
    %swap3A_18 = arith.constant 0 : index
    %swap3A_19 = vector.load %arg3[%swap3A, %swap3A_18] : memref<2x8192xf32, #tpu.memory_space<vmem>>, vector<2x8192xf32>
    tpu.vector_store %arg3[%swap3A, %swap3A_18], %logistic3A_17 {strides = array<i32>} : memref<2x8192xf32, #tpu.memory_space<vmem>>, vector<2x8192xf32>,
    return
  }
}

</mosaic_0001>

<sc_bundles>
// kernel: kernel.4.cloned.1.call-start
scs
__scs_entry_jumppad:
0x0: {  	(pc) =	sbr.rel $0x88, $3  }
0x1: {  	(tag) =	ssettag $0x0;
	lr =	simm.s32 $0x1  }
0x2: {  	[smem:$0x3F9D] =	sst lr;
	_ =	strace $0xD0000000  }
0x3: {  	_ = 	snop  }
0x4: {  	_ = 	snop  }
0x5: {  	_ = 	snop  }
0x6: {  	_ = 	snop  }
0x7: {  	_ = 	snop  }
__scs_overlays_trampoline_lowered:
0x8: {  	[smem:$0x3FAC] =	sst s0  }
0x9: {  	[smem:$0x3FAD] =	sst s1  }
0xa: {  	[smem:$0x3FAE] =	sst s2  }
0xb: {  	[smem:$0x3FAF] =	sst s3  }
0xc: {  	[smem:$0x3FB0] =	sst s4  }
0xd: {  	[smem:$0x3FB1] =	sst s5  }
0xe: {  	[smem:$0x3FB2] =	sst s6  }
0xf: {  	[smem:$0x3FB3] =	sst s7  }
0x10: {  	[smem:$0x3FB4] =	sst s8  }
0x11: {  	[smem:$0x3FB5] =	sst s9;
	s0 =	simm.s32 @!p0 $0x0  }
0x12: {  	s1 =	sld [smem:$0x3F9B];
	s0 =	simm.s32 @p0 $0x1  }
0x13: {  	[smem:$0x3FB6] =	sst s0;
	s0 =	simm.s32 @!p1 $0x0  }
0x14: {  	s2 =	sld [smem:$0x3F9A];
	s0 =	simm.s32 @p1 $0x1  }
0x15: {  	[smem:$0x3FB7] =	sst s0;
	s0 =	simm.s32 @!p2 $0x0  }
0x16: {  	s3 =	sld [smem:$0x3FDB];
	s0 =	simm.s32 @p2 $0x1  }
0x17: {  	s4 =	simm.s32 $0x1BF5;
	[smem:$0x3FB9] =	sst s0  }
0x18: {  	s0 =	sld [smem:$0x3F9C];
	_ =	swait.ge [sflag:s4], $0x0  }
0x19: {  	s7 =	sld [smem:$0x3F9D]  }
0x1a: {  	s8 =	sadd.s32 $0xFFFFE003, lr  }
0x1b: {  	s9 =	sadd.s32 $0xFFFFFEF7, lr;
	s5 =	simm.s32 $0xFFFFFFFF;
	p2 =	slt.u32 s8, $0xFFFFF086  }
0x1c: {  	p1 =	slt.u32 s9, $0xF7A;
	s5 =	simm.s32 @!p2 $0x0  }
0x1d: {  	s5 =	simm.s32 @p1 $0x1;
	p0 =	seq.s32 s7, s2  }
0x1e: {  	s7 =	smul.u32 @!p0 $0xF7A, s2;
	p2 =	seq.s32 @!p0 s5, $0x0  }
0x1f: {  	s9 =	smul.u32 $0xF7A, s1;
	s8 =	simm.s32 @!p0 $0x1BF5;
	p2 =	por !p2, p0  }
0x20: {  	[sflag:s8] =	ssyncset.s32 @!p0 $0xFFFFF086;
	s6 =	sadd.s32 @!p0 s3, s7;
	s7 =	simm.s32 @!p0 $0x108  }
0x21: {  	s3 =	sadd.s32 s3, s9;
	s6 =	sadd.s32 @!p0 $0x88, s6;
	s7 =	simm.s32 @p2 $0x1082  }
0x22: {  	[simem:s7], [sflag:s8] =	dma.local @!p0 [hbm:s6], $0xF7A  }
0x23: {  	s9 =	sor.u32 $0xD0000000, s2;
	s6 =	simm.s32 $0x108;
	_ =	swait.ge @!p0 [sflag:s8], $0x0  }
0x24: {  	s3 =	sadd.s32 $0x88, s3;
	s6 =	simm.s32 @!p1 $0x1082;
	[sflag:s4] =	ssyncset.s32 $0xFFFFF086  }
0x25: {  	[simem:s6], [sflag:s4] =	dma.local [hbm:s3], $0xF7A  }
0x26: {  	[smem:$0x3F9D] =	sst s1;
	(tag) =	ssettag s2;
	_ =	strace s9  }
0x27: {  	s1 =	sld [smem:$0x3FAD]  }
0x28: {  	s2 =	sld [smem:$0x3FAE]  }
0x29: {  	s4 =	sld [smem:$0x3FB0]  }
0x2a: {  	p0 =	seq.s32 s5, $0x0;
	s5 =	sld [smem:$0x3FB1]  }
0x2b: {  	s6 =	sld [smem:$0x3FB2]  }
0x2c: {  	s7 =	sld [smem:$0x3FB3]  }
0x2d: {  	s3 =	simm.s32 $0x108;
	s8 =	sld [smem:$0x3FB4]  }
0x2e: {  	s3 =	simm.s32 @!p0 $0x1082;
	s9 =	sld [smem:$0x3FB5]  }
0x2f: {  	lr =	sadd.s32 s0, s3;
	s0 =	sld [smem:$0x3FAC]  }
0x30: {  	s3 =	sld [smem:$0x3FAF]  }
0x31: {  	[smem:$0x3FB8] =	sst s10  }
0x32: {  	s10 =	sld [smem:$0x3FB6];
	_ =	sdelay $0x3  }
0x33: {  	p0 =	seq.s32 s10, $0x1;
	s10 =	sld [smem:$0x3FB8];
	_ =	sdelay $0x3  }
0x34: {  	[smem:$0x3FB8] =	sst s10  }
0x35: {  	s10 =	sld [smem:$0x3FB7];
	_ =	sdelay $0x3  }
0x36: {  	p1 =	seq.s32 s10, $0x1;
	s10 =	sld [smem:$0x3FB8];
	_ =	sdelay $0x3  }
0x37: {  	[smem:$0x3FB8] =	sst s10  }
0x38: {  	s10 =	sld [smem:$0x3FB9]  }
0x39: {  	_ = 	snop;
	(pc) =	sbr.ind lr, $3  }
0x3a: {  	_ = 	snop  }
0x3b: {  	_ = 	snop  }
0x3c: {  	p2 =	seq.s32 s10, $0x1;
	s10 =	sld [smem:$0x3FB8]  }
0x3d: {  	_ =	shalt  }
0x3e: {  	_ =	shalt  }
0x3f: {  	_ =	shalt  }
0x40: {  	_ =	shalt  }
0x41: {  	_ =	shalt  }
0x42: {  	_ =	shalt  }
0x43: {  	_ =	shalt  }
0x44: {  	_ =	shalt  }
0x45: {  	_ =	shalt  }
0x46: {  	_ =	shalt  }
0x47: {  	_ =	shalt  }
0x48: {  	_ =	shalt  }
0x49: {  	_ =	shalt  }
0x4a: {  	_ =	shalt  }
0x4b: {  	_ =	shalt  }
0x4c: {  	_ =	shalt  }
0x4d: {  	_ =	shalt  }
0x4e: {  	_ =	shalt  }
0x4f: {  	_ =	shalt  }
0x50: {  	_ =	shalt  }
0x51: {  	_ =	shalt  }
0x52: {  	_ =	shalt  }
0x53: {  	_ =	shalt  }
0x54: {  	_ =	shalt  }
0x55: {  	_ =	shalt  }
0x56: {  	_ =	shalt  }
0x57: {  	_ =	shalt  }
0x58: {  	_ =	shalt  }
0x59: {  	_ =	shalt  }
0x5a: {  	_ =	shalt  }
0x5b: {  	_ =	shalt  }
0x5c: {  	_ =	shalt  }
0x5d: {  	_ =	shalt  }
0x5e: {  	_ =	shalt  }
0x5f: {  	_ =	shalt  }
0x60: {  	_ =	shalt  }
0x61: {  	_ =	shalt  }
0x62: {  	_ =	shalt  }
0x63: {  	_ =	shalt  }
0x64: {  	_ =	shalt  }
0x65: {  	_ =	shalt  }
0x66: {  	_ =	shalt  }
0x67: {  	_ =	shalt  }
0x68: {  	_ =	shalt  }
0x69: {  	_ =	shalt  }
0x6a: {  	_ =	shalt  }
0x6b: {  	_ =	shalt  }
0x6c: {  	_ =	shalt  }
0x6d: {  	_ =	shalt  }
0x6e: {  	_ =	shalt  }
0x6f: {  	_ =	shalt  }
0x70: {  	_ =	shalt  }
0x71: {  	_ =	shalt  }
0x72: {  	_ =	shalt  }
0x73: {  	_ =	shalt  }
0x74: {  	_ =	shalt  }
0x75: {  	_ =	shalt  }
0x76: {  	_ =	shalt  }
0x77: {  	_ =	shalt  }
0x78: {  	_ =	shalt  }
0x79: {  	_ =	shalt  }
0x7a: {  	_ =	shalt  }
0x7b: {  	_ =	shalt  }
0x7c: {  	_ =	shalt  }
0x7d: {  	_ =	shalt  }
0x7e: {  	_ =	shalt  }
0x7f: {  	_ =	shalt  }
0x80: {  	_ =	shalt  }
0x81: {  	_ =	shalt  }
0x82: {  	_ =	shalt  }
0x83: {  	_ =	shalt  }
0x84: {  	_ =	shalt  }
0x85: {  	_ =	shalt  }
0x86: {  	_ =	shalt  }
0x87: {  	_ =	shalt  }
.Lfunc_end0:
.L_simem_size_0:
called_computation_lowered:
.L_overlay_start_0:
0x88: {  	s2 =	sld [smem:$0x3FD9]  }
0x89: {  	s3 =	sld [smem:$0x3FFE];
	_ =	sdelay $0x1  }
0x8a: {  	s1 =	srdreg.scid  }
0x8b: {  	s0 =	sand.u32 $0x1, s1  }
0x8c: {  	s14 =	sshll.u32 s0, $0xA;
	s2 =	sadd.s32 s3, s2  }
0x8d: {  	s2 =	sadd.s32 s2, s14  }
0x8e: {  	[smem:$0x3FC4] =	sst s2  }
0x8f: {  	_ = 	snop  }
0x90: {  	s2 =	sld [smem:$0x3FD0];
	_ =	sdelay $0x2  }
0x91: {  	s15 =	simm.s32 $0xA;
	s4 =	simm.s32 $0x10  }
0x92: {  	[smem:s4], [sflag:s15] =	dma.local [hbm:s2], $0x1  }
0x93: {  	_ =	swait.eq [sflag:s15], $0x1  }
0x94: {  	s16 =	sld [smem:$0x10]  }
0x95: {  	s17 =	sld [smem:$0x11];
	[sflag:s15] =	ssyncset.done $0x0  }
0x96: {  	s5 =	sld [smem:$0x12];
	[sflag:s15] =	ssyncadd.s32 $0xFFFFFFFF  }
0x97: {  	s18 =	sld [smem:$0x13];
	(tm) =	ssettm $0x1  }
0x98: {  	s6 =	sld [smem:$0x3FFB];
	_ =	sdelay $0x3  }
0x99: {  	_ =	strace s6  }
0x9a: {  	s6 =	sld [smem:$0x3FFC];
	_ =	sdelay $0x3  }
0x9b: {  	_ =	strace s6  }
0x9c: {  	s6 =	sld [smem:$0x3FFD];
	_ =	sdelay $0x3  }
0x9d: {  	_ =	strace s6  }
0x9e: {  	_ =	strace $0x8FFFFFFF  }
0x9f: {  	s19 =	sld [smem:$0x3FDB];
	_ =	sdelay $0x1  }
0xa0: {  	s7 =	simm.s32 $_scs_section_size  }
0xa1: {  	s8 =	simm.s32 $_size__tile_overlayer_lowered;
	s9 =	simm.s32 $_tile_overlayer_lowered  }
0xa2: {  	s22 =	simm.s32 $0x1BFF;
	s21 =	sshll.u32 s9, $0x1;
	s6 =	sadd.s32 s7, s19  }
0xa3: {  	s10 =	simm.s32 $0x0;
	s20 =	sshll.u32 s8, $0x1;
	s8 =	sadd.s32 s21, s6  }
0xa4: {  	[timem:s10], [sflag:s22] =	dma.local [hbm:s8], s20  }
0xa5: {  	_ =	swait.ge [sflag:s22], s20  }
0xa6: {  	s7 =	ssub.s32 $0x0, s20;
	[sflag:s22] =	ssyncset.done $0x0  }
0xa7: {  	[sflag:s22] =	ssyncadd.s32 s7;
	_ =	sdelay $0x1  }
0xa8: {  	s23 =	simm.s32 $0x1B8B  }
0xa9: {  	_ =	swait.ge [sflag:s23], $0x1  }
0xaa: {  	[sflag:s23] =	ssyncset.done $0x0  }
0xab: {  	s25 =	simm.s32 $0x1B8E;
	s24 =	sld [smem:$0x3FFE];
	[sflag:s23] =	ssyncadd.s32 $0xFFFFFFFF  }
0xac: {  	s26 =	simm.s32 $execute0_lowered;
	[smem:$0x3FD2] =	sst s25  }
0xad: {  	s8 =	sshll.u32 s26, $0x1;
	_ =	strace $0x80000046;
	[dreg:$0x1] =	wrdreg $0xFFFFFFFF  }
0xae: {  	s28 =	simm.s32 $_size_execute0_lowered;
	s6 =	sadd.s32 s6, s8;
	[dreg:$0x0] =	wrdreg $0x0  }
0xaf: {  	s8 =	sshll.u32 s28, $0x1;
	[dreg:$0x2] =	wrdreg s6  }
0xb0: {  	[dreg:$0x3] =	wrdreg s8  }
0xb1: {  	[dreg:$0x4] =	wrdreg $0xC0  }
0xb2: {  	_ =	task [dreg:s10], $0x5FFFF  }
0xb3: {  	[dreg:$0x1] =	wrdreg $0xFFFFFFFF  }
0xb4: {  	[dreg:$0x0] =	wrdreg $0x60  }
0xb5: {  	[dreg:$0x2] =	wrdreg s24  }
0xb6: {  	[dreg:$0x3] =	wrdreg s17  }
0xb7: {  	[dreg:$0x4] =	wrdreg s16  }
0xb8: {  	[dreg:$0x5] =	wrdreg s5  }
0xb9: {  	[dreg:$0x6] =	wrdreg s18  }
0xba: {  	[dreg:$0x7] =	wrdreg $0x59500  }
0xbb: {  	[dreg:$0x8] =	wrdreg $0x9  }
0xbc: {  	_ =	task.clear_ibuf [dreg:s10], $0x9FFFF;
	_ =	strace $0x90000046  }
0xbd: {  	s29 =	simm.s32 $0x9;
	_ =	strace $0x80000048  }
0xbe: {  	_ =	swait.ge [sflag:s29], $0x1  }
0xbf: {  	[sflag:s29] =	ssyncadd.s32 $0xFFFFFFFF  }
0xc0: {  	_ =	strace $0x90000048  }
0xc1: {  	_ =	sfence  }
0xc2: {  	s30 =	sld [smem:$0x0];
	_ =	sdelay $0x2  }
0xc3: {  	s31 =	sshll.u32 s1, $0xD;
	s1 =	sshrl.u32 s1, $0x2  }
0xc4: {  	s3 =	sand.u32 $0x4000, s31;
	s1 =	sadd.s32 s1, s30  }
0xc5: {  	s0 =	sor.u32 s3, s0;
	s1 =	sshll.u32 s1, $0x11  }
0xc6: {  	s0 =	sor.u32 s1, s0  }
0xc7: {  	s0 =	sadd.s32 $0x8F2B, s0  }
0xc8: {  	[sflag:s0] =	ssyncadd.remote.s32 $0x1  }
0xc9: {  	_ =	sfence.sel $0xFFFF  }
0xca: {  	[dreg:$0x0] =	wrdreg $0xFFFFFFFF;
	(pc) =	sbr.abs _section_cstart, $3  }
0xcb: {  	[dreg:$0x1] =	wrdreg $0xFFFFFFFF  }
0xcc: {  	_ =	task.clear_ibuf [dreg:s10], $0x2FFFF;
	_ =	strace $0x9FFFFFFF  }
0xcd: {  	(tm) =	ssettm $0x7FFFFFFF  }
tec
execute0_lowered:
.L_overlay_start_1:
0x0: {  	(tag) =	ssettag $0x1  }
0x1: {  	v0 =	vimm.s32 $0x51504140  }
0x2: {  	s5 =	rddreg [dreg:$0x0];
	v1 =	vimm.s32 $0x71706160;
	v2 =	vimm.s32 $0x11100100;
	v3 =	vimm.s32 $0x31302120  }
0x3: {  	s4 =	rddreg [dreg:$0x1];
	vm4 =	vcmask $0x1F10;
	v47 =	vimm.s32 $0x53524342;
	v48 =	vimm.s32 $0x73726362  }
0x4: {  	s6 =	rddreg [dreg:$0x2];
	v4 =	vimm.s32 $0xD1D0C1C0;
	v5 =	vimm.s32 $0xF1F0E1E0;
	v6 =	vimm.s32 $0x91908180  }
0x5: {  	s9 =	rddreg [dreg:$0x3];
	v7 =	vimm.s32 $0xB1B0A1A0;
	v52 =	vimm.s32 $0xD3D2C3C2;
	v54 =	vimm.s32 $0xF3F2E3E2  }
0x6: {  	s10 =	rddreg [dreg:$0x4];
	v55 =	vimm.s32 $0x93928382;
	v56 =	vimm.s32 $0xB3B2A3A2;
	v59 =	vimm.s32 $0x13120302  }
0x7: {  	s1 =	rddreg [dreg:$0x5];
	v60 =	vimm.s32 $0x33322322;
	v0 =	vunpack.c.0.s8.s32 v0;
	v1 =	vunpack.c.0.s8.s32 v1  }
0x8: {  	s0 =	rddreg [dreg:$0x6];
	s3 =	srdreg.scid;
	v2 =	vunpack.c.0.s8.s32 v2;
	v3 =	vunpack.c.0.s8.s32 v3;
	v4 =	vunpack.c.0.s8.s32 v4  }
0x9: {  	s2 =	simm.s32 $0x0;
	s12 =	stileid.u32;
	s15 =	simm.s32 $0x2;
	v5 =	vunpack.c.0.s8.s32 v5;
	v49 =	vunpack.c.0.s8.s32 v6;
	v50 =	vunpack.c.0.s8.s32 v7  }
0xa: {  	s16 =	simm.s32 $0x3;
	s17 =	simm.s32 $0x4800;
	s18 =	simm.s32 $0x5000;
	v53 =	vunpack.c.0.s8.s32 v52;
	v57 =	vunpack.c.0.s8.s32 v55;
	v58 =	vunpack.c.0.s8.s32 v56  }
0xb: {  	s19 =	simm.s32 $0x5800;
	s20 =	simm.s32 $0x4;
	s21 =	simm.s32 $0x5810;
	v46 =	vsel vm4, v3, v2;
	v2 =	vunpack.c.0.s8.s32 v47;
	v3 =	vunpack.c.0.s8.s32 v48  }
0xc: {  	s22 =	simm.s32 $0x5910;
	s23 =	simm.s32 $0x5930;
	s7 =	sand.u32 $0x1, s3;
	v0 =	vsel vm4, v1, v0;
	v51 =	vsel vm4, v5, v4;
	v4 =	vunpack.c.0.s8.s32 v54  }
0xd: {  	[smem:$0x7FF] =	sst s2;
	s8 =	sshll.u32 s12, $0x8;
	s30 =	sshll.u32 s12, $0x4;
	v61 =	vunpack.c.0.s8.s32 v59;
	v0 =	vcombine.low v46, v0;
	v2 =	vsel vm4, v3, v2  }
0xe: {  	p0 =	sne.s32 s12, $0x0;
	s12 =	simm.s32 $0x4000;
	s3 =	sshll.u32 s7, $0xC;
	v1 =	vsel vm4, v4, v53;
	v3 =	vsel vm4, v58, v57;
	v4 =	vunpack.c.0.s8.s32 v60  }
0xf: {  	_ =	strace $0x80000047;
	s11 =	ssub.s32 $0x2, s7;
	s31 =	sshll.u32 s7, $0x2;
	v1 =	vcombine.low v3, v1  }
0x10: {  	s8 =	sor.u32 s8, s3;
	s3 =	sadd.s32 $0xE00, s5;
	s14 =	sshrl.u32 s11, $0x1;
	[tilespmem:$0x1FFC0] =	vst v0;
	v0 =	vsel vm4, v50, v49;
	v62 =	vsel vm4, v4, v61  }
0x11: {  	s9 =	sadd.s32 s9, s31;
	s10 =	sadd.s32 s10, s31;
	s13 =	sadd.s32 s8, s5;
	v0 =	vcombine.low v0, v51;
	v2 =	vcombine.low v62, v2;
	v63 =	vand.u32 $0xFF, v1  }
0x12: {  	s11 =	ssub.s32 s11, s14;
	s4 =	sadd.s32 s4, s8;
	s5 =	sadd.s32 $0x1200, s5;
	[tilespmem:$0x1FFF0] =	vst v63  }
0x13: {  	vm0 =	vcmask $0x300;
	s6 =	sadd.s32 s6, s8;
	s8 =	sadd.s32 s30, s1;
	s14 =	simm.s32 $0x1;
	v0 =	vand.u32 $0xFF, v0;
	[tilespmem:$0x1FFD0] =	vst v2  }
0x14: {  	vm1 =	vcmask $0xB08;
	vm2 =	vcmask $0x704;
	vm3 =	vcmask $0xF0C;
	s7 =	sadd.s32 $0x1600, s13;
	s11 =	smax.u32 s11, $0x1;
	s13 =	simm.s32 $0x2000;
	[tilespmem:$0x1FFE0] =	vst v0  }
.LBB2_1:
0x15: {  	[tilespmem:s12], [sflag:$0x1] =	stream.linear.gather [hbm4b:s4+s2], $0x800, $0x38;
	[tilespmem:$0x5960] =	vst v63  }
0x16: {  	_ = 	snop  }
0x17: {  	[tilespmem:s2], [sflag:$0x2] =	stream.linear.gather [hbm4b:s3+s2], $0x2000, $0x38;
	[tilespmem:$0x5960] =	vst v63  }
0x18: {  	_ = 	snop  }
0x19: {  	[tilespmem:s13], [sflag:$0x3] =	stream.linear.gather [hbm4b:s5+s2], $0x2000, $0x38;
	[tilespmem:$0x5960] =	vst v63  }
0x1a: {  	_ =	swait.ge [sflag:s14], $0x800  }
0x1b: {  	[sflag:s14] =	ssyncset.done $0x0  }
0x1c: {  	[sflag:s14] =	ssyncadd.s32 $0xFFFFF800  }
0x1d: {  	_ =	swait.ge [sflag:s15], $0x2000  }
0x1e: {  	[sflag:s15] =	ssyncset.done $0x0  }
0x1f: {  	[sflag:s15] =	ssyncadd.s32 $0xFFFFE000  }
0x20: {  	_ =	swait.ge [sflag:s16], $0x2000  }
0x21: {  	[sflag:s16] =	ssyncset.done $0x0  }
0x22: {  	[sflag:s16] =	ssyncadd.s32 $0xFFFFE000  }
0x23: {  	v0 =	vld [tilespmem:$0x4000];
	_ =	sdelay $0x6  }
0x24: {  	v1 =	vld [tilespmem:$0x4010]  }
0x25: {  	v2 =	vld.idx.msk [tilespmem:v0+s2+$0x0], $0xffff  }
0x26: {  	v3 =	vld.idx.msk [tilespmem:v0+s13+$0x0], $0xffff;
	_ =	sdelay $0x3  }
0x27: {  	[tilespmem:$0x4800] =	vst v2  }
0x28: {  	v31 =	vld [tilespmem:$0x4020];
	[tilespmem:$0x5000] =	vst v3  }
0x29: {  	v4 =	vld.idx.msk [tilespmem:v1+s2+$0x0], $0xffff  }
0x2a: {  	v5 =	vld.idx.msk [tilespmem:v1+s13+$0x0], $0xffff;
	_ =	sdelay $0x3  }
0x2b: {  	[tilespmem:$0x4810] =	vst v4  }
0x2c: {  	[tilespmem:$0x5010] =	vst v5  }
0x2d: {  	v1 =	vld [tilespmem:$0x4030]  }
0x2e: {  	v6 =	vld.idx.msk [tilespmem:v31+s2+$0x0], $0xffff  }
0x2f: {  	v7 =	vld.idx.msk [tilespmem:v31+s13+$0x0], $0xffff;
	_ =	sdelay $0x3  }
0x30: {  	[tilespmem:$0x4820] =	vst v6  }
0x31: {  	v32 =	vld [tilespmem:$0x4040];
	[tilespmem:$0x5020] =	vst v7  }
0x32: {  	v8 =	vld.idx.msk [tilespmem:v1+s2+$0x0], $0xffff  }
0x33: {  	v9 =	vld.idx.msk [tilespmem:v1+s13+$0x0], $0xffff;
	_ =	sdelay $0x3  }
0x34: {  	[tilespmem:$0x4830] =	vst v8  }
0x35: {  	v33 =	vld [tilespmem:$0x4050];
	[tilespmem:$0x5030] =	vst v9  }
0x36: {  	v10 =	vld.idx.msk [tilespmem:v32+s2+$0x0], $0xffff  }
0x37: {  	v11 =	vld.idx.msk [tilespmem:v32+s13+$0x0], $0xffff;
	_ =	sdelay $0x3  }
0x38: {  	[tilespmem:$0x4840] =	vst v10  }
0x39: {  	v34 =	vld [tilespmem:$0x4060];
	[tilespmem:$0x5040] =	vst v11  }
0x3a: {  	v16 =	vld.idx.msk [tilespmem:v33+s2+$0x0], $0xffff  }
0x3b: {  	v17 =	vld.idx.msk [tilespmem:v33+s13+$0x0], $0xffff;
	_ =	sdelay $0x3  }
0x3c: {  	[tilespmem:$0x4850] =	vst v16  }
0x3d: {  	v35 =	vld [tilespmem:$0x4070];
	[tilespmem:$0x5050] =	vst v17  }
0x3e: {  	v12 =	vld.idx.msk [tilespmem:v34+s2+$0x0], $0xffff  }
0x3f: {  	v13 =	vld.idx.msk [tilespmem:v34+s13+$0x0], $0xffff;
	_ =	sdelay $0x3  }
0x40: {  	[tilespmem:$0x4860] =	vst v12  }
0x41: {  	v36 =	vld [tilespmem:$0x4080];
	[tilespmem:$0x5060] =	vst v13  }
0x42: {  	v14 =	vld.idx.msk [tilespmem:v35+s2+$0x0], $0xffff  }
0x43: {  	v15 =	vld.idx.msk [tilespmem:v35+s13+$0x0], $0xffff;
	_ =	sdelay $0x3  }
0x44: {  	[tilespmem:$0x4870] =	vst v14  }
0x45: {  	v37 =	vld [tilespmem:$0x4090];
	[tilespmem:$0x5070] =	vst v15  }
0x46: {  	v18 =	vld.idx.msk [tilespmem:v36+s2+$0x0], $0xffff  }
0x47: {  	v19 =	vld.idx.msk [tilespmem:v36+s13+$0x0], $0xffff;
	_ =	sdelay $0x3  }
0x48: {  	[tilespmem:$0x4880] =	vst v18  }
0x49: {  	v38 =	vld [tilespmem:$0x40A0];
	[tilespmem:$0x5080] =	vst v19  }
0x4a: {  	v20 =	vld.idx.msk [tilespmem:v37+s2+$0x0], $0xffff  }
0x4b: {  	v21 =	vld.idx.msk [tilespmem:v37+s13+$0x0], $0xffff;
	_ =	sdelay $0x3  }
0x4c: {  	[tilespmem:$0x4890] =	vst v20  }
0x4d: {  	v39 =	vld [tilespmem:$0x40B0];
	[tilespmem:$0x5090] =	vst v21  }
0x4e: {  	v22 =	vld.idx.msk [tilespmem:v38+s2+$0x0], $0xffff  }
0x4f: {  	v23 =	vld.idx.msk [tilespmem:v38+s13+$0x0], $0xffff;
	_ =	sdelay $0x3  }
0x50: {  	[tilespmem:$0x48A0] =	vst v22  }
0x51: {  	v40 =	vld [tilespmem:$0x40C0];
	[tilespmem:$0x50A0] =	vst v23  }
0x52: {  	v24 =	vld.idx.msk [tilespmem:v39+s2+$0x0], $0xffff  }
0x53: {  	v25 =	vld.idx.msk [tilespmem:v39+s13+$0x0], $0xffff;
	_ =	sdelay $0x3  }
0x54: {  	[tilespmem:$0x48B0] =	vst v24  }
0x55: {  	v41 =	vld [tilespmem:$0x40D0];
	[tilespmem:$0x50B0] =	vst v25  }
0x56: {  	v26 =	vld.idx.msk [tilespmem:v40+s2+$0x0], $0xffff  }
0x57: {  	v27 =	vld.idx.msk [tilespmem:v40+s13+$0x0], $0xffff;
	_ =	sdelay $0x3  }
0x58: {  	[tilespmem:$0x48C0] =	vst v26  }
0x59: {  	v42 =	vld [tilespmem:$0x40E0];
	[tilespmem:$0x50C0] =	vst v27  }
0x5a: {  	v28 =	vld.idx.msk [tilespmem:v41+s2+$0x0], $0xffff  }
0x5b: {  	v29 =	vld.idx.msk [tilespmem:v41+s13+$0x0], $0xffff;
	_ =	sdelay $0x3  }
0x5c: {  	[tilespmem:$0x48D0] =	vst v28  }
0x5d: {  	v43 =	vld [tilespmem:$0x40F0];
	[tilespmem:$0x50D0] =	vst v29  }
0x5e: {  	v30 =	vld.idx.msk [tilespmem:v42+s2+$0x0], $0xffff  }
0x5f: {  	v31 =	vld.idx.msk [tilespmem:v42+s13+$0x0], $0xffff;
	_ =	sdelay $0x3  }
0x60: {  	[tilespmem:$0x48E0] =	vst v30  }
0x61: {  	v44 =	vld [tilespmem:$0x4100];
	[tilespmem:$0x50E0] =	vst v31  }
0x62: {  	v32 =	vld.idx.msk [tilespmem:v43+s2+$0x0], $0xffff  }
0x63: {  	v33 =	vld.idx.msk [tilespmem:v43+s13+$0x0], $0xffff;
	_ =	sdelay $0x3  }
0x64: {  	[tilespmem:$0x48F0] =	vst v32  }
0x65: {  	v45 =	vld [tilespmem:$0x4110];
	[tilespmem:$0x50F0] =	vst v33  }
0x66: {  	v35 =	vld.idx.msk [tilespmem:v44+s2+$0x0], $0xffff  }
0x67: {  	v36 =	vld.idx.msk [tilespmem:v44+s13+$0x0], $0xffff;
	_ =	sdelay $0x3  }
0x68: {  	[tilespmem:$0x4900] =	vst v35  }
0x69: {  	v46 =	vld [tilespmem:$0x4120];
	[tilespmem:$0x5100] =	vst v36  }
0x6a: {  	v34 =	vld.idx.msk [tilespmem:v45+s2+$0x0], $0xffff  }
0x6b: {  	v1 =	vld.idx.msk [tilespmem:v45+s13+$0x0], $0xffff;
	_ =	sdelay $0x3  }
0x6c: {  	[tilespmem:$0x4910] =	vst v34  }
0x6d: {  	v47 =	vld [tilespmem:$0x4130];
	[tilespmem:$0x5110] =	vst v1  }
0x6e: {  	[tilespmem:$0x1F5A0] =	vst v34;
	v34 =	vld.idx.msk [tilespmem:v46+s2+$0x0], $0xffff  }
0x6f: {  	v0 =	vld.idx.msk [tilespmem:v46+s13+$0x0], $0xffff;
	_ =	sdelay $0x3  }
0x70: {  	[tilespmem:$0x4920] =	vst v34  }
0x71: {  	v48 =	vld [tilespmem:$0x4140];
	[tilespmem:$0x5120] =	vst v0  }
0x72: {  	[tilespmem:$0x1F5C0] =	vst v34;
	v34 =	vld.idx.msk [tilespmem:v47+s2+$0x0], $0xffff  }
0x73: {  	[tilespmem:$0x1F5B0] =	vst v1;
	v1 =	vld.idx.msk [tilespmem:v47+s13+$0x0], $0xffff;
	_ =	sdelay $0x3  }
0x74: {  	[tilespmem:$0x4930] =	vst v34  }
0x75: {  	v49 =	vld [tilespmem:$0x4150];
	[tilespmem:$0x5130] =	vst v1  }
0x76: {  	[tilespmem:$0x1F5E0] =	vst v34;
	v34 =	vld.idx.msk [tilespmem:v48+s2+$0x0], $0xffff  }
0x77: {  	[tilespmem:$0x1F5D0] =	vst v0;
	v0 =	vld.idx.msk [tilespmem:v48+s13+$0x0], $0xffff;
	_ =	sdelay $0x3  }
0x78: {  	[tilespmem:$0x4940] =	vst v34  }
0x79: {  	v50 =	vld [tilespmem:$0x4160];
	[tilespmem:$0x5140] =	vst v0  }
0x7a: {  	[tilespmem:$0x1F600] =	vst v34;
	v34 =	vld.idx.msk [tilespmem:v49+s2+$0x0], $0xffff  }
0x7b: {  	[tilespmem:$0x1F5F0] =	vst v1;
	v1 =	vld.idx.msk [tilespmem:v49+s13+$0x0], $0xffff;
	_ =	sdelay $0x3  }
0x7c: {  	[tilespmem:$0x4950] =	vst v34  }
0x7d: {  	v51 =	vld [tilespmem:$0x4170];
	[tilespmem:$0x5150] =	vst v1  }
0x7e: {  	[tilespmem:$0x1F620] =	vst v34;
	v34 =	vld.idx.msk [tilespmem:v50+s2+$0x0], $0xffff  }
0x7f: {  	[tilespmem:$0x1F610] =	vst v0;
	v0 =	vld.idx.msk [tilespmem:v50+s13+$0x0], $0xffff;
	_ =	sdelay $0x3  }
0x80: {  	[tilespmem:$0x4960] =	vst v34  }
0x81: {  	v52 =	vld [tilespmem:$0x4180];
	[tilespmem:$0x5160] =	vst v0  }
0x82: {  	[tilespmem:$0x1F640] =	vst v34;
	v34 =	vld.idx.msk [tilespmem:v51+s2+$0x0], $0xffff  }
0x83: {  	[tilespmem:$0x1F630] =	vst v1;
	v1 =	vld.idx.msk [tilespmem:v51+s13+$0x0], $0xffff;
	_ =	sdelay $0x3  }
0x84: {  	[tilespmem:$0x4970] =	vst v34  }
0x85: {  	v53 =	vld [tilespmem:$0x4190];
	[tilespmem:$0x5170] =	vst v1  }
0x86: {  	[tilespmem:$0x1F660] =	vst v34;
	v34 =	vld.idx.msk [tilespmem:v52+s2+$0x0], $0xffff  }
0x87: {  	[tilespmem:$0x1F650] =	vst v0;
	v0 =	vld.idx.msk [tilespmem:v52+s13+$0x0], $0xffff;
	_ =	sdelay $0x3  }
0x88: {  	[tilespmem:$0x4980] =	vst v34  }
0x89: {  	v54 =	vld [tilespmem:$0x41A0];
	[tilespmem:$0x5180] =	vst v0  }
0x8a: {  	[tilespmem:$0x1F680] =	vst v34;
	v34 =	vld.idx.msk [tilespmem:v53+s2+$0x0], $0xffff  }
0x8b: {  	[tilespmem:$0x1F670] =	vst v1;
	v1 =	vld.idx.msk [tilespmem:v53+s13+$0x0], $0xffff;
	_ =	sdelay $0x3  }
0x8c: {  	[tilespmem:$0x4990] =	vst v34  }
0x8d: {  	v55 =	vld [tilespmem:$0x41B0];
	[tilespmem:$0x5190] =	vst v1  }
0x8e: {  	[tilespmem:$0x1F6A0] =	vst v34;
	v34 =	vld.idx.msk [tilespmem:v54+s2+$0x0], $0xffff  }
0x8f: {  	[tilespmem:$0x1F690] =	vst v0;
	v0 =	vld.idx.msk [tilespmem:v54+s13+$0x0], $0xffff;
	_ =	sdelay $0x3  }
0x90: {  	[tilespmem:$0x49A0] =	vst v34  }
0x91: {  	v56 =	vld [tilespmem:$0x41C0];
	[tilespmem:$0x51A0] =	vst v0  }
0x92: {  	[tilespmem:$0x1F6C0] =	vst v34;
	v34 =	vld.idx.msk [tilespmem:v55+s2+$0x0], $0xffff  }
0x93: {  	[tilespmem:$0x1F6B0] =	vst v1;
	v1 =	vld.idx.msk [tilespmem:v55+s13+$0x0], $0xffff;
	_ =	sdelay $0x3  }
0x94: {  	[tilespmem:$0x49B0] =	vst v34  }
0x95: {  	v57 =	vld [tilespmem:$0x41D0];
	[tilespmem:$0x51B0] =	vst v1  }
0x96: {  	[tilespmem:$0x1F6E0] =	vst v34;
	v34 =	vld.idx.msk [tilespmem:v56+s2+$0x0], $0xffff  }
0x97: {  	[tilespmem:$0x1F6D0] =	vst v0;
	v0 =	vld.idx.msk [tilespmem:v56+s13+$0x0], $0xffff;
	_ =	sdelay $0x3  }
0x98: {  	[tilespmem:$0x49C0] =	vst v34  }
0x99: {  	v58 =	vld [tilespmem:$0x41E0];
	[tilespmem:$0x51C0] =	vst v0  }
0x9a: {  	[tilespmem:$0x1F700] =	vst v34;
	v34 =	vld.idx.msk [tilespmem:v57+s2+$0x0], $0xffff  }
0x9b: {  	[tilespmem:$0x1F6F0] =	vst v1;
	v1 =	vld.idx.msk [tilespmem:v57+s13+$0x0], $0xffff;
	_ =	sdelay $0x3  }
0x9c: {  	[tilespmem:$0x49D0] =	vst v34  }
0x9d: {  	v59 =	vld [tilespmem:$0x41F0];
	[tilespmem:$0x51D0] =	vst v1  }
0x9e: {  	[tilespmem:$0x1F720] =	vst v34;
	v34 =	vld.idx.msk [tilespmem:v58+s2+$0x0], $0xffff  }
0x9f: {  	[tilespmem:$0x1F710] =	vst v0;
	v0 =	vld.idx.msk [tilespmem:v58+s13+$0x0], $0xffff;
	_ =	sdelay $0x3  }
0xa0: {  	[tilespmem:$0x49E0] =	vst v34  }
0xa1: {  	v60 =	vld [tilespmem:$0x4200];
	[tilespmem:$0x51E0] =	vst v0  }
0xa2: {  	[tilespmem:$0x1F740] =	vst v34;
	v34 =	vld.idx.msk [tilespmem:v59+s2+$0x0], $0xffff  }
0xa3: {  	[tilespmem:$0x1F730] =	vst v1;
	v1 =	vld.idx.msk [tilespmem:v59+s13+$0x0], $0xffff;
	_ =	sdelay $0x3  }
0xa4: {  	[tilespmem:$0x49F0] =	vst v34  }
0xa5: {  	v61 =	vld [tilespmem:$0x4210];
	[tilespmem:$0x51F0] =	vst v1  }
0xa6: {  	[tilespmem:$0x1F770] =	vst v1;
	v1 =	vld.idx.msk [tilespmem:v60+s2+$0x0], $0xffff  }
0xa7: {  	[tilespmem:$0x1F760] =	vst v34;
	v34 =	vld.idx.msk [tilespmem:v60+s13+$0x0], $0xffff;
	_ =	sdelay $0x3  }
0xa8: {  	[tilespmem:$0x4A00] =	vst v1  }
0xa9: {  	v62 =	vld [tilespmem:$0x4220];
	[tilespmem:$0x5200] =	vst v34  }
0xaa: {  	[tilespmem:$0x1F790] =	vst v34;
	v34 =	vld.idx.msk [tilespmem:v61+s2+$0x0], $0xffff  }
0xab: {  	[tilespmem:$0x1F750] =	vst v0;
	v0 =	vld.idx.msk [tilespmem:v61+s13+$0x0], $0xffff;
	_ =	sdelay $0x3  }
0xac: {  	[tilespmem:$0x4A10] =	vst v34  }
0xad: {  	v63 =	vld [tilespmem:$0x4230];
	[tilespmem:$0x5210] =	vst v0  }
0xae: {  	[tilespmem:$0x1F7A0] =	vst v34;
	v34 =	vld.idx.msk [tilespmem:v62+s2+$0x0], $0xffff  }
0xaf: {  	[tilespmem:$0x1F780] =	vst v1;
	v1 =	vld.idx.msk [tilespmem:v62+s13+$0x0], $0xffff;
	_ =	sdelay $0x3  }
0xb0: {  	[tilespmem:$0x4A20] =	vst v34  }
0xb1: {  	v37 =	vld [tilespmem:$0x4240];
	[tilespmem:$0x5220] =	vst v1  }
0xb2: {  	[tilespmem:$0x1F7C0] =	vst v34;
	v34 =	vld.idx.msk [tilespmem:v63+s2+$0x0], $0xffff  }
0xb3: {  	[tilespmem:$0x1F7B0] =	vst v0;
	v0 =	vld.idx.msk [tilespmem:v63+s13+$0x0], $0xffff;
	_ =	sdelay $0x3  }
0xb4: {  	[tilespmem:$0x4A30] =	vst v34  }
0xb5: {  	v38 =	vld [tilespmem:$0x4250];
	[tilespmem:$0x5230] =	vst v0  }
0xb6: {  	[tilespmem:$0x1F7E0] =	vst v34;
	v34 =	vld.idx.msk [tilespmem:v37+s2+$0x0], $0xffff  }
0xb7: {  	[tilespmem:$0x1F7D0] =	vst v1;
	v1 =	vld.idx.msk [tilespmem:v37+s13+$0x0], $0xffff;
	_ =	sdelay $0x3  }
0xb8: {  	[tilespmem:$0x4A40] =	vst v34  }
0xb9: {  	v39 =	vld [tilespmem:$0x4260];
	[tilespmem:$0x5240] =	vst v1  }
0xba: {  	[tilespmem:$0x1F800] =	vst v34;
	v34 =	vld.idx.msk [tilespmem:v38+s2+$0x0], $0xffff  }
0xbb: {  	[tilespmem:$0x1F7F0] =	vst v0;
	v0 =	vld.idx.msk [tilespmem:v38+s13+$0x0], $0xffff;
	_ =	sdelay $0x3  }
0xbc: {  	[tilespmem:$0x4A50] =	vst v34  }
0xbd: {  	v40 =	vld [tilespmem:$0x4270];
	[tilespmem:$0x5250] =	vst v0  }
0xbe: {  	[tilespmem:$0x1F820] =	vst v34;
	v34 =	vld.idx.msk [tilespmem:v39+s2+$0x0], $0xffff  }
0xbf: {  	[tilespmem:$0x1F810] =	vst v1;
	v1 =	vld.idx.msk [tilespmem:v39+s13+$0x0], $0xffff;
	_ =	sdelay $0x3  }
0xc0: {  	[tilespmem:$0x4A60] =	vst v34  }
0xc1: {  	v41 =	vld [tilespmem:$0x4280];
	[tilespmem:$0x5260] =	vst v1  }
0xc2: {  	[tilespmem:$0x1F840] =	vst v34;
	v34 =	vld.idx.msk [tilespmem:v40+s2+$0x0], $0xffff  }
0xc3: {  	[tilespmem:$0x1F830] =	vst v0;
	v0 =	vld.idx.msk [tilespmem:v40+s13+$0x0], $0xffff;
	_ =	sdelay $0x3  }
0xc4: {  	[tilespmem:$0x4A70] =	vst v34  }
0xc5: {  	v42 =	vld [tilespmem:$0x4290];
	[tilespmem:$0x5270] =	vst v0  }
0xc6: {  	[tilespmem:$0x1F860] =	vst v34;
	v34 =	vld.idx.msk [tilespmem:v41+s2+$0x0], $0xffff  }
0xc7: {  	[tilespmem:$0x1F850] =	vst v1;
	v1 =	vld.idx.msk [tilespmem:v41+s13+$0x0], $0xffff;
	_ =	sdelay $0x3  }
0xc8: {  	[tilespmem:$0x4A80] =	vst v34  }
0xc9: {  	v43 =	vld [tilespmem:$0x42A0];
	[tilespmem:$0x5280] =	vst v1  }
0xca: {  	[tilespmem:$0x1F880] =	vst v34;
	v34 =	vld.idx.msk [tilespmem:v42+s2+$0x0], $0xffff  }
0xcb: {  	[tilespmem:$0x1F870] =	vst v0;
	v0 =	vld.idx.msk [tilespmem:v42+s13+$0x0], $0xffff;
	_ =	sdelay $0x3  }
0xcc: {  	[tilespmem:$0x4A90] =	vst v34  }
0xcd: {  	v44 =	vld [tilespmem:$0x42B0];
	[tilespmem:$0x5290] =	vst v0  }
0xce: {  	[tilespmem:$0x1F8A0] =	vst v34;
	v34 =	vld.idx.msk [tilespmem:v43+s2+$0x0], $0xffff  }
0xcf: {  	[tilespmem:$0x1F890] =	vst v1;
	v1 =	vld.idx.msk [tilespmem:v43+s13+$0x0], $0xffff;
	_ =	sdelay $0x3  }
0xd0: {  	[tilespmem:$0x4AA0] =	vst v34  }
0xd1: {  	v45 =	vld [tilespmem:$0x42C0];
	[tilespmem:$0x52A0] =	vst v1  }
0xd2: {  	[tilespmem:$0x1F8C0] =	vst v34;
	v34 =	vld.idx.msk [tilespmem:v44+s2+$0x0], $0xffff  }
0xd3: {  	[tilespmem:$0x1F8B0] =	vst v0;
	v0 =	vld.idx.msk [tilespmem:v44+s13+$0x0], $0xffff;
	_ =	sdelay $0x3  }
0xd4: {  	[tilespmem:$0x4AB0] =	vst v34  }
0xd5: {  	v46 =	vld [tilespmem:$0x42D0];
	[tilespmem:$0x52B0] =	vst v0  }
0xd6: {  	[tilespmem:$0x1F8E0] =	vst v34;
	v34 =	vld.idx.msk [tilespmem:v45+s2+$0x0], $0xffff  }
0xd7: {  	[tilespmem:$0x1F8D0] =	vst v1;
	v1 =	vld.idx.msk [tilespmem:v45+s13+$0x0], $0xffff;
	_ =	sdelay $0x3  }
0xd8: {  	[tilespmem:$0x4AC0] =	vst v34  }
0xd9: {  	v47 =	vld [tilespmem:$0x42E0];
	[tilespmem:$0x52C0] =	vst v1  }
0xda: {  	[tilespmem:$0x1F900] =	vst v34;
	v34 =	vld.idx.msk [tilespmem:v46+s2+$0x0], $0xffff  }
0xdb: {  	[tilespmem:$0x1F8F0] =	vst v0;
	v0 =	vld.idx.msk [tilespmem:v46+s13+$0x0], $0xffff;
	_ =	sdelay $0x3  }
0xdc: {  	[tilespmem:$0x4AD0] =	vst v34  }
0xdd: {  	v48 =	vld [tilespmem:$0x42F0];
	[tilespmem:$0x52D0] =	vst v0  }
0xde: {  	[tilespmem:$0x1F920] =	vst v34;
	v34 =	vld.idx.msk [tilespmem:v47+s2+$0x0], $0xffff  }
0xdf: {  	[tilespmem:$0x1F910] =	vst v1;
	v1 =	vld.idx.msk [tilespmem:v47+s13+$0x0], $0xffff;
	_ =	sdelay $0x3  }
0xe0: {  	[tilespmem:$0x4AE0] =	vst v34  }
0xe1: {  	v49 =	vld [tilespmem:$0x4300];
	[tilespmem:$0x52E0] =	vst v1  }
0xe2: {  	[tilespmem:$0x1F940] =	vst v34;
	v34 =	vld.idx.msk [tilespmem:v48+s2+$0x0], $0xffff  }
0xe3: {  	[tilespmem:$0x1F930] =	vst v0;
	v0 =	vld.idx.msk [tilespmem:v48+s13+$0x0], $0xffff;
	_ =	sdelay $0x3  }
0xe4: {  	[tilespmem:$0x4AF0] =	vst v34  }
0xe5: {  	v50 =	vld [tilespmem:$0x4310];
	[tilespmem:$0x52F0] =	vst v0  }
0xe6: {  	[tilespmem:$0x1F960] =	vst v34;
	v34 =	vld.idx.msk [tilespmem:v49+s2+$0x0], $0xffff  }
0xe7: {  	[tilespmem:$0x1F950] =	vst v1;
	v1 =	vld.idx.msk [tilespmem:v49+s13+$0x0], $0xffff;
	_ =	sdelay $0x3  }
0xe8: {  	[tilespmem:$0x4B00] =	vst v34  }
0xe9: {  	v51 =	vld [tilespmem:$0x4320];
	[tilespmem:$0x5300] =	vst v1  }
0xea: {  	[tilespmem:$0x1F980] =	vst v34;
	v34 =	vld.idx.msk [tilespmem:v50+s2+$0x0], $0xffff  }
0xeb: {  	[tilespmem:$0x1F970] =	vst v0;
	v0 =	vld.idx.msk [tilespmem:v50+s13+$0x0], $0xffff;
	_ =	sdelay $0x3  }
0xec: {  	[tilespmem:$0x4B10] =	vst v34  }
0xed: {  	v52 =	vld [tilespmem:$0x4330];
	[tilespmem:$0x5310] =	vst v0  }
0xee: {  	[tilespmem:$0x1F9A0] =	vst v34;
	v34 =	vld.idx.msk [tilespmem:v51+s2+$0x0], $0xffff  }
0xef: {  	[tilespmem:$0x1F990] =	vst v1;
	v1 =	vld.idx.msk [tilespmem:v51+s13+$0x0], $0xffff;
	_ =	sdelay $0x3  }
0xf0: {  	[tilespmem:$0x4B20] =	vst v34  }
0xf1: {  	v53 =	vld [tilespmem:$0x4340];
	[tilespmem:$0x5320] =	vst v1  }
0xf2: {  	[tilespmem:$0x1F9C0] =	vst v34;
	v34 =	vld.idx.msk [tilespmem:v52+s2+$0x0], $0xffff  }
0xf3: {  	[tilespmem:$0x1F9B0] =	vst v0;
	v0 =	vld.idx.msk [tilespmem:v52+s13+$0x0], $0xffff;
	_ =	sdelay $0x3  }
0xf4: {  	[tilespmem:$0x4B30] =	vst v34  }
0xf5: {  	v54 =	vld [tilespmem:$0x4350];
	[tilespmem:$0x5330] =	vst v0  }
0xf6: {  	[tilespmem:$0x1F9E0] =	vst v34;
	v34 =	vld.idx.msk [tilespmem:v53+s2+$0x0], $0xffff  }
0xf7: {  	[tilespmem:$0x1F9D0] =	vst v1;
	v1 =	vld.idx.msk [tilespmem:v53+s13+$0x0], $0xffff;
	_ =	sdelay $0x3  }
0xf8: {  	[tilespmem:$0x4B40] =	vst v34  }
0xf9: {  	v55 =	vld [tilespmem:$0x4360];
	[tilespmem:$0x5340] =	vst v1  }
0xfa: {  	[tilespmem:$0x1FA00] =	vst v34;
	v34 =	vld.idx.msk [tilespmem:v54+s2+$0x0], $0xffff  }
0xfb: {  	[tilespmem:$0x1F9F0] =	vst v0;
	v0 =	vld.idx.msk [tilespmem:v54+s13+$0x0], $0xffff;
	_ =	sdelay $0x3  }
0xfc: {  	[tilespmem:$0x4B50] =	vst v34  }
0xfd: {  	v56 =	vld [tilespmem:$0x4370];
	[tilespmem:$0x5350] =	vst v0  }
0xfe: {  	[tilespmem:$0x1FA20] =	vst v34;
	v34 =	vld.idx.msk [tilespmem:v55+s2+$0x0], $0xffff  }
0xff: {  	[tilespmem:$0x1FA10] =	vst v1;
	v1 =	vld.idx.msk [tilespmem:v55+s13+$0x0], $0xffff;
	_ =	sdelay $0x3  }
0x100: {  	[tilespmem:$0x4B60] =	vst v34  }
0x101: {  	v57 =	vld [tilespmem:$0x4380];
	[tilespmem:$0x5360] =	vst v1  }
0x102: {  	[tilespmem:$0x1FA40] =	vst v34;
	v34 =	vld.idx.msk [tilespmem:v56+s2+$0x0], $0xffff  }
0x103: {  	[tilespmem:$0x1FA30] =	vst v0;
	v0 =	vld.idx.msk [tilespmem:v56+s13+$0x0], $0xffff;
	_ =	sdelay $0x3  }
0x104: {  	[tilespmem:$0x4B70] =	vst v34  }
0x105: {  	v58 =	vld [tilespmem:$0x4390];
	[tilespmem:$0x5370] =	vst v0  }
0x106: {  	[tilespmem:$0x1FA60] =	vst v34;
	v34 =	vld.idx.msk [tilespmem:v57+s2+$0x0], $0xffff  }
0x107: {  	[tilespmem:$0x1FA50] =	vst v1;
	v1 =	vld.idx.msk [tilespmem:v57+s13+$0x0], $0xffff;
	_ =	sdelay $0x3  }
0x108: {  	[tilespmem:$0x4B80] =	vst v34  }
0x109: {  	v59 =	vld [tilespmem:$0x43A0];
	[tilespmem:$0x5380] =	vst v1  }
0x10a: {  	[tilespmem:$0x1FA80] =	vst v34;
	v34 =	vld.idx.msk [tilespmem:v58+s2+$0x0], $0xffff  }
0x10b: {  	[tilespmem:$0x1FA70] =	vst v0;
	v0 =	vld.idx.msk [tilespmem:v58+s13+$0x0], $0xffff;
	_ =	sdelay $0x3  }
0x10c: {  	[tilespmem:$0x4B90] =	vst v34  }
0x10d: {  	v60 =	vld [tilespmem:$0x43B0];
	[tilespmem:$0x5390] =	vst v0  }
0x10e: {  	[tilespmem:$0x1FAA0] =	vst v34;
	v34 =	vld.idx.msk [tilespmem:v59+s2+$0x0], $0xffff  }
0x10f: {  	[tilespmem:$0x1FA90] =	vst v1;
	v1 =	vld.idx.msk [tilespmem:v59+s13+$0x0], $0xffff;
	_ =	sdelay $0x3  }
0x110: {  	[tilespmem:$0x4BA0] =	vst v34  }
0x111: {  	v61 =	vld [tilespmem:$0x43C0];
	[tilespmem:$0x53A0] =	vst v1  }
0x112: {  	[tilespmem:$0x1FAC0] =	vst v34;
	v34 =	vld.idx.msk [tilespmem:v60+s2+$0x0], $0xffff  }
0x113: {  	[tilespmem:$0x1FAB0] =	vst v0;
	v0 =	vld.idx.msk [tilespmem:v60+s13+$0x0], $0xffff;
	_ =	sdelay $0x3  }
0x114: {  	[tilespmem:$0x4BB0] =	vst v34  }
0x115: {  	v62 =	vld [tilespmem:$0x43D0];
	[tilespmem:$0x53B0] =	vst v0  }
0x116: {  	[tilespmem:$0x1FAE0] =	vst v34;
	v34 =	vld.idx.msk [tilespmem:v61+s2+$0x0], $0xffff  }
0x117: {  	[tilespmem:$0x1FAD0] =	vst v1;
	v1 =	vld.idx.msk [tilespmem:v61+s13+$0x0], $0xffff;
	_ =	sdelay $0x3  }
0x118: {  	[tilespmem:$0x4BC0] =	vst v34  }
0x119: {  	v63 =	vld [tilespmem:$0x43E0];
	[tilespmem:$0x53C0] =	vst v1  }
0x11a: {  	[tilespmem:$0x1FB00] =	vst v34;
	v34 =	vld.idx.msk [tilespmem:v62+s2+$0x0], $0xffff  }
0x11b: {  	[tilespmem:$0x1FAF0] =	vst v0;
	v0 =	vld.idx.msk [tilespmem:v62+s13+$0x0], $0xffff;
	_ =	sdelay $0x3  }
0x11c: {  	[tilespmem:$0x4BD0] =	vst v34  }
0x11d: {  	v37 =	vld [tilespmem:$0x43F0];
	[tilespmem:$0x53D0] =	vst v0  }
0x11e: {  	[tilespmem:$0x1FB20] =	vst v34;
	v34 =	vld.idx.msk [tilespmem:v63+s2+$0x0], $0xffff  }
0x11f: {  	[tilespmem:$0x1FB10] =	vst v1;
	v1 =	vld.idx.msk [tilespmem:v63+s13+$0x0], $0xffff;
	_ =	sdelay $0x3  }
0x120: {  	[tilespmem:$0x4BE0] =	vst v34  }
0x121: {  	v38 =	vld [tilespmem:$0x4400];
	[tilespmem:$0x53E0] =	vst v1  }
0x122: {  	[tilespmem:$0x1FB40] =	vst v34;
	v34 =	vld.idx.msk [tilespmem:v37+s2+$0x0], $0xffff  }
0x123: {  	[tilespmem:$0x1FB30] =	vst v0;
	v0 =	vld.idx.msk [tilespmem:v37+s13+$0x0], $0xffff;
	_ =	sdelay $0x3  }
0x124: {  	[tilespmem:$0x4BF0] =	vst v34  }
0x125: {  	v39 =	vld [tilespmem:$0x4410];
	[tilespmem:$0x53F0] =	vst v0  }
0x126: {  	[tilespmem:$0x1FB60] =	vst v34;
	v34 =	vld.idx.msk [tilespmem:v38+s2+$0x0], $0xffff  }
0x127: {  	[tilespmem:$0x1FB50] =	vst v1;
	v1 =	vld.idx.msk [tilespmem:v38+s13+$0x0], $0xffff;
	_ =	sdelay $0x3  }
0x128: {  	[tilespmem:$0x4C00] =	vst v34  }
0x129: {  	v40 =	vld [tilespmem:$0x4420];
	[tilespmem:$0x5400] =	vst v1  }
0x12a: {  	[tilespmem:$0x1FB80] =	vst v34;
	v34 =	vld.idx.msk [tilespmem:v39+s2+$0x0], $0xffff  }
0x12b: {  	[tilespmem:$0x1FB70] =	vst v0;
	v0 =	vld.idx.msk [tilespmem:v39+s13+$0x0], $0xffff;
	_ =	sdelay $0x3  }
0x12c: {  	[tilespmem:$0x4C10] =	vst v34  }
0x12d: {  	v41 =	vld [tilespmem:$0x4430];
	[tilespmem:$0x5410] =	vst v0  }
0x12e: {  	[tilespmem:$0x1FBA0] =	vst v34;
	v34 =	vld.idx.msk [tilespmem:v40+s2+$0x0], $0xffff  }
0x12f: {  	[tilespmem:$0x1FB90] =	vst v1;
	v1 =	vld.idx.msk [tilespmem:v40+s13+$0x0], $0xffff;
	_ =	sdelay $0x3  }
0x130: {  	[tilespmem:$0x4C20] =	vst v34  }
0x131: {  	v42 =	vld [tilespmem:$0x4440];
	[tilespmem:$0x5420] =	vst v1  }
0x132: {  	[tilespmem:$0x1FC00] =	vst v34;
	v34 =	vld.idx.msk [tilespmem:v41+s2+$0x0], $0xffff  }
0x133: {  	[tilespmem:$0x1FBB0] =	vst v0;
	v0 =	vld.idx.msk [tilespmem:v41+s13+$0x0], $0xffff;
	_ =	sdelay $0x3  }
0x134: {  	[tilespmem:$0x4C30] =	vst v34  }
0x135: {  	v43 =	vld [tilespmem:$0x4450];
	[tilespmem:$0x5430] =	vst v0  }
0x136: {  	[tilespmem:$0x1FC20] =	vst v34;
	v34 =	vld.idx.msk [tilespmem:v42+s2+$0x0], $0xffff  }
0x137: {  	[tilespmem:$0x1FC10] =	vst v1;
	v1 =	vld.idx.msk [tilespmem:v42+s13+$0x0], $0xffff;
	_ =	sdelay $0x3  }
0x138: {  	[tilespmem:$0x4C40] =	vst v34  }
0x139: {  	v44 =	vld [tilespmem:$0x4460];
	[tilespmem:$0x5440] =	vst v1  }
0x13a: {  	[tilespmem:$0x1FBC0] =	vst v34;
	v34 =	vld.idx.msk [tilespmem:v43+s2+$0x0], $0xffff  }
0x13b: {  	[tilespmem:$0x1FC30] =	vst v0;
	v0 =	vld.idx.msk [tilespmem:v43+s13+$0x0], $0xffff;
	_ =	sdelay $0x3  }
0x13c: {  	[tilespmem:$0x4C50] =	vst v34  }
0x13d: {  	v45 =	vld [tilespmem:$0x4470];
	[tilespmem:$0x5450] =	vst v0  }
0x13e: {  	[tilespmem:$0x1FBE0] =	vst v34;
	v34 =	vld.idx.msk [tilespmem:v44+s2+$0x0], $0xffff  }
0x13f: {  	[tilespmem:$0x1FBD0] =	vst v1;
	v1 =	vld.idx.msk [tilespmem:v44+s13+$0x0], $0xffff;
	_ =	sdelay $0x3  }
0x140: {  	[tilespmem:$0x4C60] =	vst v34  }
0x141: {  	v46 =	vld [tilespmem:$0x4480];
	[tilespmem:$0x5460] =	vst v1  }
0x142: {  	[tilespmem:$0x1FC40] =	vst v34;
	v34 =	vld.idx.msk [tilespmem:v45+s2+$0x0], $0xffff  }
0x143: {  	[tilespmem:$0x1FBF0] =	vst v0;
	v0 =	vld.idx.msk [tilespmem:v45+s13+$0x0], $0xffff;
	_ =	sdelay $0x3  }
0x144: {  	[tilespmem:$0x4C70] =	vst v34  }
0x145: {  	v47 =	vld [tilespmem:$0x4490];
	[tilespmem:$0x5470] =	vst v0  }
0x146: {  	[tilespmem:$0x1FC60] =	vst v34;
	v34 =	vld.idx.msk [tilespmem:v46+s2+$0x0], $0xffff  }
0x147: {  	[tilespmem:$0x1FC50] =	vst v1;
	v1 =	vld.idx.msk [tilespmem:v46+s13+$0x0], $0xffff;
	_ =	sdelay $0x3  }
0x148: {  	[tilespmem:$0x4C80] =	vst v34  }
0x149: {  	v48 =	vld [tilespmem:$0x44A0];
	[tilespmem:$0x5480] =	vst v1  }
0x14a: {  	[tilespmem:$0x1FC80] =	vst v34;
	v34 =	vld.idx.msk [tilespmem:v47+s2+$0x0], $0xffff  }
0x14b: {  	[tilespmem:$0x1FC70] =	vst v0;
	v0 =	vld.idx.msk [tilespmem:v47+s13+$0x0], $0xffff;
	_ =	sdelay $0x3  }
0x14c: {  	[tilespmem:$0x4C90] =	vst v34  }
0x14d: {  	v49 =	vld [tilespmem:$0x44B0];
	[tilespmem:$0x5490] =	vst v0  }
0x14e: {  	[tilespmem:$0x1FCA0] =	vst v34;
	v34 =	vld.idx.msk [tilespmem:v48+s2+$0x0], $0xffff  }
0x14f: {  	[tilespmem:$0x1FC90] =	vst v1;
	v1 =	vld.idx.msk [tilespmem:v48+s13+$0x0], $0xffff;
	_ =	sdelay $0x3  }
0x150: {  	[tilespmem:$0x4CA0] =	vst v34  }
0x151: {  	v50 =	vld [tilespmem:$0x44C0];
	[tilespmem:$0x54A0] =	vst v1  }
0x152: {  	[tilespmem:$0x1FCC0] =	vst v34;
	v34 =	vld.idx.msk [tilespmem:v49+s2+$0x0], $0xffff  }
0x153: {  	[tilespmem:$0x1FCB0] =	vst v0;
	v0 =	vld.idx.msk [tilespmem:v49+s13+$0x0], $0xffff;
	_ =	sdelay $0x3  }
0x154: {  	[tilespmem:$0x4CB0] =	vst v34  }
0x155: {  	v51 =	vld [tilespmem:$0x44D0];
	[tilespmem:$0x54B0] =	vst v0  }
0x156: {  	[tilespmem:$0x1FCE0] =	vst v34;
	v34 =	vld.idx.msk [tilespmem:v50+s2+$0x0], $0xffff  }
0x157: {  	[tilespmem:$0x1FCD0] =	vst v1;
	v1 =	vld.idx.msk [tilespmem:v50+s13+$0x0], $0xffff;
	_ =	sdelay $0x3  }
0x158: {  	[tilespmem:$0x4CC0] =	vst v34  }
0x159: {  	v52 =	vld [tilespmem:$0x44E0];
	[tilespmem:$0x54C0] =	vst v1  }
0x15a: {  	[tilespmem:$0x1FD00] =	vst v34;
	v34 =	vld.idx.msk [tilespmem:v51+s2+$0x0], $0xffff  }
0x15b: {  	[tilespmem:$0x1FCF0] =	vst v0;
	v0 =	vld.idx.msk [tilespmem:v51+s13+$0x0], $0xffff;
	_ =	sdelay $0x2  }
0x15c: {  	[tilespmem:$0x1FD10] =	vst v1  }
0x15d: {  	[tilespmem:$0x1FD20] =	vst v34  }
0x15e: {  	[tilespmem:$0x1FD30] =	vst v0  }
0x15f: {  	[tilespmem:$0x4CD0] =	vst v34  }
0x160: {  	[tilespmem:$0x54D0] =	vst v0;
	v53 =	vld [tilespmem:$0x44F0]  }
0x161: {  	v34 =	vld.idx.msk [tilespmem:v52+s2+$0x0], $0xffff  }
0x162: {  	v1 =	vld.idx.msk [tilespmem:v52+s13+$0x0], $0xffff;
	_ =	sdelay $0x3  }
0x163: {  	[tilespmem:$0x4CE0] =	vst v34  }
0x164: {  	v54 =	vld [tilespmem:$0x4500];
	[tilespmem:$0x54E0] =	vst v1  }
0x165: {  	[tilespmem:$0x1FD40] =	vst v34;
	v34 =	vld.idx.msk [tilespmem:v53+s2+$0x0], $0xffff  }
0x166: {  	v0 =	vld.idx.msk [tilespmem:v53+s13+$0x0], $0xffff;
	_ =	sdelay $0x3  }
0x167: {  	[tilespmem:$0x4CF0] =	vst v34  }
0x168: {  	v55 =	vld [tilespmem:$0x4510];
	[tilespmem:$0x54F0] =	vst v0  }
0x169: {  	[tilespmem:$0x1FD60] =	vst v34;
	v34 =	vld.idx.msk [tilespmem:v54+s2+$0x0], $0xffff  }
0x16a: {  	[tilespmem:$0x1FD50] =	vst v1;
	v1 =	vld.idx.msk [tilespmem:v54+s13+$0x0], $0xffff;
	_ =	sdelay $0x3  }
0x16b: {  	[tilespmem:$0x4D00] =	vst v34  }
0x16c: {  	v56 =	vld [tilespmem:$0x4520];
	[tilespmem:$0x5500] =	vst v1  }
0x16d: {  	[tilespmem:$0x1FD80] =	vst v34;
	v34 =	vld.idx.msk [tilespmem:v55+s2+$0x0], $0xffff  }
0x16e: {  	[tilespmem:$0x1FD70] =	vst v0;
	v0 =	vld.idx.msk [tilespmem:v55+s13+$0x0], $0xffff;
	_ =	sdelay $0x3  }
0x16f: {  	[tilespmem:$0x4D10] =	vst v34  }
0x170: {  	v57 =	vld [tilespmem:$0x4530];
	[tilespmem:$0x5510] =	vst v0  }
0x171: {  	[tilespmem:$0x1FDA0] =	vst v34;
	v34 =	vld.idx.msk [tilespmem:v56+s2+$0x0], $0xffff  }
0x172: {  	[tilespmem:$0x1FD90] =	vst v1;
	v1 =	vld.idx.msk [tilespmem:v56+s13+$0x0], $0xffff;
	_ =	sdelay $0x3  }
0x173: {  	[tilespmem:$0x4D20] =	vst v34  }
0x174: {  	v58 =	vld [tilespmem:$0x4540];
	[tilespmem:$0x5520] =	vst v1  }
0x175: {  	[tilespmem:$0x1FDC0] =	vst v34;
	v34 =	vld.idx.msk [tilespmem:v57+s2+$0x0], $0xffff  }
0x176: {  	[tilespmem:$0x1FDB0] =	vst v0;
	v0 =	vld.idx.msk [tilespmem:v57+s13+$0x0], $0xffff;
	_ =	sdelay $0x3  }
0x177: {  	[tilespmem:$0x4D30] =	vst v34  }
0x178: {  	v59 =	vld [tilespmem:$0x4550];
	[tilespmem:$0x5530] =	vst v0  }
0x179: {  	[tilespmem:$0x1FDE0] =	vst v34;
	v34 =	vld.idx.msk [tilespmem:v58+s2+$0x0], $0xffff  }
0x17a: {  	[tilespmem:$0x1FDD0] =	vst v1;
	v1 =	vld.idx.msk [tilespmem:v58+s13+$0x0], $0xffff;
	_ =	sdelay $0x3  }
0x17b: {  	[tilespmem:$0x4D40] =	vst v34  }
0x17c: {  	v60 =	vld [tilespmem:$0x4560];
	[tilespmem:$0x5540] =	vst v1  }
0x17d: {  	[tilespmem:$0x1FE00] =	vst v34;
	v34 =	vld.idx.msk [tilespmem:v59+s2+$0x0], $0xffff  }
0x17e: {  	[tilespmem:$0x1FDF0] =	vst v0;
	v0 =	vld.idx.msk [tilespmem:v59+s13+$0x0], $0xffff;
	_ =	sdelay $0x3  }
0x17f: {  	[tilespmem:$0x4D50] =	vst v34  }
0x180: {  	v61 =	vld [tilespmem:$0x4570];
	[tilespmem:$0x5550] =	vst v0  }
0x181: {  	[tilespmem:$0x1FE20] =	vst v34;
	v34 =	vld.idx.msk [tilespmem:v60+s2+$0x0], $0xffff  }
0x182: {  	[tilespmem:$0x1FE10] =	vst v1;
	v1 =	vld.idx.msk [tilespmem:v60+s13+$0x0], $0xffff;
	_ =	sdelay $0x3  }
0x183: {  	[tilespmem:$0x4D60] =	vst v34  }
0x184: {  	v62 =	vld [tilespmem:$0x4580];
	[tilespmem:$0x5560] =	vst v1  }
0x185: {  	[tilespmem:$0x1FE40] =	vst v34;
	v34 =	vld.idx.msk [tilespmem:v61+s2+$0x0], $0xffff  }
0x186: {  	[tilespmem:$0x1FE30] =	vst v0;
	v0 =	vld.idx.msk [tilespmem:v61+s13+$0x0], $0xffff;
	_ =	sdelay $0x3  }
0x187: {  	[tilespmem:$0x4D70] =	vst v34  }
0x188: {  	v63 =	vld [tilespmem:$0x4590];
	[tilespmem:$0x5570] =	vst v0  }
0x189: {  	[tilespmem:$0x1FE60] =	vst v34;
	v34 =	vld.idx.msk [tilespmem:v62+s2+$0x0], $0xffff  }
0x18a: {  	[tilespmem:$0x1FE50] =	vst v1;
	v1 =	vld.idx.msk [tilespmem:v62+s13+$0x0], $0xffff;
	_ =	sdelay $0x3  }
0x18b: {  	[tilespmem:$0x4D80] =	vst v34  }
0x18c: {  	v37 =	vld [tilespmem:$0x45A0];
	[tilespmem:$0x5580] =	vst v1  }
0x18d: {  	[tilespmem:$0x1FE80] =	vst v34;
	v34 =	vld.idx.msk [tilespmem:v63+s2+$0x0], $0xffff  }
0x18e: {  	[tilespmem:$0x1FE70] =	vst v0;
	v0 =	vld.idx.msk [tilespmem:v63+s13+$0x0], $0xffff;
	_ =	sdelay $0x3  }
0x18f: {  	[tilespmem:$0x4D90] =	vst v34  }
0x190: {  	v38 =	vld [tilespmem:$0x45B0];
	[tilespmem:$0x5590] =	vst v0  }
0x191: {  	[tilespmem:$0x1FEA0] =	vst v34;
	v34 =	vld.idx.msk [tilespmem:v37+s2+$0x0], $0xffff  }
0x192: {  	[tilespmem:$0x1FE90] =	vst v1;
	v1 =	vld.idx.msk [tilespmem:v37+s13+$0x0], $0xffff;
	_ =	sdelay $0x3  }
0x193: {  	[tilespmem:$0x4DA0] =	vst v34  }
0x194: {  	v39 =	vld [tilespmem:$0x45C0];
	[tilespmem:$0x55A0] =	vst v1  }
0x195: {  	[tilespmem:$0x1FEC0] =	vst v34;
	v34 =	vld.idx.msk [tilespmem:v38+s2+$0x0], $0xffff  }
0x196: {  	[tilespmem:$0x1FEB0] =	vst v0;
	v0 =	vld.idx.msk [tilespmem:v38+s13+$0x0], $0xffff;
	_ =	sdelay $0x3  }
0x197: {  	[tilespmem:$0x4DB0] =	vst v34  }
0x198: {  	v40 =	vld [tilespmem:$0x45D0];
	[tilespmem:$0x55B0] =	vst v0  }
0x199: {  	[tilespmem:$0x1FEE0] =	vst v34;
	v34 =	vld.idx.msk [tilespmem:v39+s2+$0x0], $0xffff  }
0x19a: {  	[tilespmem:$0x1FED0] =	vst v1;
	v1 =	vld.idx.msk [tilespmem:v39+s13+$0x0], $0xffff;
	_ =	sdelay $0x3  }
0x19b: {  	[tilespmem:$0x4DC0] =	vst v34  }
0x19c: {  	v41 =	vld [tilespmem:$0x45E0];
	[tilespmem:$0x55C0] =	vst v1  }
0x19d: {  	[tilespmem:$0x1FF00] =	vst v34;
	v34 =	vld.idx.msk [tilespmem:v40+s2+$0x0], $0xffff  }
0x19e: {  	[tilespmem:$0x1FEF0] =	vst v0;
	v0 =	vld.idx.msk [tilespmem:v40+s13+$0x0], $0xffff;
	_ =	sdelay $0x3  }
0x19f: {  	[tilespmem:$0x4DD0] =	vst v34  }
0x1a0: {  	v42 =	vld [tilespmem:$0x45F0];
	[tilespmem:$0x55D0] =	vst v0  }
0x1a1: {  	[tilespmem:$0x1FF20] =	vst v34;
	v34 =	vld.idx.msk [tilespmem:v41+s2+$0x0], $0xffff  }
0x1a2: {  	[tilespmem:$0x1FF10] =	vst v1;
	v1 =	vld.idx.msk [tilespmem:v41+s13+$0x0], $0xffff;
	_ =	sdelay $0x3  }
0x1a3: {  	[tilespmem:$0x4DE0] =	vst v34  }
0x1a4: {  	v43 =	vld [tilespmem:$0x4600];
	[tilespmem:$0x55E0] =	vst v1  }
0x1a5: {  	[tilespmem:$0x1FF40] =	vst v34;
	v34 =	vld.idx.msk [tilespmem:v42+s2+$0x0], $0xffff  }
0x1a6: {  	[tilespmem:$0x1FF30] =	vst v0;
	v0 =	vld.idx.msk [tilespmem:v42+s13+$0x0], $0xffff;
	_ =	sdelay $0x3  }
0x1a7: {  	[tilespmem:$0x4DF0] =	vst v34  }
0x1a8: {  	v44 =	vld [tilespmem:$0x4610];
	[tilespmem:$0x55F0] =	vst v0  }
0x1a9: {  	[tilespmem:$0x1FF60] =	vst v34;
	v34 =	vld.idx.msk [tilespmem:v43+s2+$0x0], $0xffff  }
0x1aa: {  	[tilespmem:$0x1FF50] =	vst v1;
	v1 =	vld.idx.msk [tilespmem:v43+s13+$0x0], $0xffff;
	_ =	sdelay $0x3  }
0x1ab: {  	[tilespmem:$0x4E00] =	vst v34  }
0x1ac: {  	v45 =	vld [tilespmem:$0x4620];
	[tilespmem:$0x5600] =	vst v1  }
0x1ad: {  	[tilespmem:$0x1FF80] =	vst v34;
	v34 =	vld.idx.msk [tilespmem:v44+s2+$0x0], $0xffff  }
0x1ae: {  	[tilespmem:$0x1FF70] =	vst v0;
	v0 =	vld.idx.msk [tilespmem:v44+s13+$0x0], $0xffff;
	_ =	sdelay $0x3  }
0x1af: {  	[tilespmem:$0x4E10] =	vst v34  }
0x1b0: {  	v46 =	vld [tilespmem:$0x4630];
	[tilespmem:$0x5610] =	vst v0  }
0x1b1: {  	v62 =	vld.idx.msk [tilespmem:v45+s2+$0x0], $0xffff  }
0x1b2: {  	v61 =	vld.idx.msk [tilespmem:v45+s13+$0x0], $0xffff;
	_ =	sdelay $0x3  }
0x1b3: {  	[tilespmem:$0x4E20] =	vst v62  }
0x1b4: {  	v47 =	vld [tilespmem:$0x4640];
	[tilespmem:$0x5620] =	vst v61  }
0x1b5: {  	v60 =	vld.idx.msk [tilespmem:v46+s2+$0x0], $0xffff  }
0x1b6: {  	v59 =	vld.idx.msk [tilespmem:v46+s13+$0x0], $0xffff;
	_ =	sdelay $0x3  }
0x1b7: {  	[tilespmem:$0x4E30] =	vst v60  }
0x1b8: {  	v48 =	vld [tilespmem:$0x4650];
	[tilespmem:$0x5630] =	vst v59  }
0x1b9: {  	v58 =	vld.idx.msk [tilespmem:v47+s2+$0x0], $0xffff  }
0x1ba: {  	v57 =	vld.idx.msk [tilespmem:v47+s13+$0x0], $0xffff;
	_ =	sdelay $0x3  }
0x1bb: {  	[tilespmem:$0x4E40] =	vst v58  }
0x1bc: {  	v49 =	vld [tilespmem:$0x4660];
	[tilespmem:$0x5640] =	vst v57  }
0x1bd: {  	v56 =	vld.idx.msk [tilespmem:v48+s2+$0x0], $0xffff  }
0x1be: {  	v55 =	vld.idx.msk [tilespmem:v48+s13+$0x0], $0xffff;
	_ =	sdelay $0x3  }
0x1bf: {  	[tilespmem:$0x4E50] =	vst v56  }
0x1c0: {  	v50 =	vld [tilespmem:$0x4670];
	[tilespmem:$0x5650] =	vst v55  }
0x1c1: {  	v54 =	vld.idx.msk [tilespmem:v49+s2+$0x0], $0xffff  }
0x1c2: {  	v53 =	vld.idx.msk [tilespmem:v49+s13+$0x0], $0xffff;
	_ =	sdelay $0x2  }
0x1c3: {  	v63 =	vld [tilespmem:$0x4680]  }
0x1c4: {  	v37 =	vld [tilespmem:$0x46A0];
	[tilespmem:$0x4E60] =	vst v54  }
0x1c5: {  	v38 =	vld [tilespmem:$0x46B0];
	[tilespmem:$0x5660] =	vst v53  }
0x1c6: {  	v52 =	vld.idx.msk [tilespmem:v50+s2+$0x0], $0xffff  }
0x1c7: {  	v51 =	vld.idx.msk [tilespmem:v50+s13+$0x0], $0xffff  }
0x1c8: {  	v2 =	vadd.f32 $0.0e+00, v2;
	v39 =	vld [tilespmem:$0x46C0];
	[tilespmem:$0x1FF90] =	vst v1  }
0x1c9: {  	v3 =	vadd.f32 $0.0e+00, v3;
	v1 =	vld [tilespmem:$0x46E0];
	[tilespmem:$0x1FFA0] =	vst v34  }
0x1ca: {  	[tilespmem:$0x1FFB0] =	vst v0;
	v34 =	vld [tilespmem:$0x4690];
	v0 =	vadd.f32 v10, v2  }
0x1cb: {  	v4 =	vadd.f32 $0.0e+00, v4;
	v2 =	vadd.f32 v11, v3;
	v11 =	vld [tilespmem:$0x1FA30];
	[tilespmem:$0x4E70] =	vst v52  }
0x1cc: {  	v5 =	vadd.f32 $0.0e+00, v5;
	v0 =	vadd.f32 v18, v0;
	v18 =	vld [tilespmem:$0x4700];
	[tilespmem:$0x5670] =	vst v51  }
0x1cd: {  	v3 =	vadd.f32 v16, v4;
	v50 =	vld.idx.msk [tilespmem:v63+s2+$0x0], $0xffff  }
0x1ce: {  	v16 =	vadd.f32 v17, v5;
	v17 =	vadd.f32 $0.0e+00, v6;
	v49 =	vld.idx.msk [tilespmem:v63+s13+$0x0], $0xffff  }
0x1cf: {  	v2 =	vadd.f32 v19, v2;
	v19 =	vld [tilespmem:$0x1F5A0]  }
0x1d0: {  	v5 =	vadd.f32 v12, v17;
	v12 =	vadd.f32 v20, v3;
	v20 =	vld [tilespmem:$0x1F5B0]  }
0x1d1: {  	v0 =	vadd.f32 v26, v0;
	v26 =	vld [tilespmem:$0x1F610]  }
0x1d2: {  	v2 =	vadd.f32 v27, v2;
	v27 =	vld [tilespmem:$0x4710];
	[tilespmem:$0x4E80] =	vst v50  }
0x1d3: {  	v0 =	vadd.f32 v35, v0;
	v35 =	vld [tilespmem:$0x1F630];
	[tilespmem:$0x5680] =	vst v49  }
0x1d4: {  	v48 =	vld.idx.msk [tilespmem:v34+s2+$0x0], $0xffff  }
0x1d5: {  	v2 =	vadd.f32 v36, v2;
	v47 =	vld.idx.msk [tilespmem:v34+s13+$0x0], $0xffff  }
0x1d6: {  	v36 =	vld [tilespmem:$0x1F640];
	v34 =	vadd.f32 $0.0e+00, v7  }
0x1d7: {  	v2 =	vadd.f32 v26, v2;
	v26 =	vld [tilespmem:$0x1F730]  }
0x1d8: {  	v63 =	vld [tilespmem:$0x46D0];
	v6 =	vadd.f32 v13, v34;
	v13 =	vadd.f32 v21, v16  }
0x1d9: {  	v21 =	vld [tilespmem:$0x1F5C0];
	[tilespmem:$0x4E90] =	vst v48  }
0x1da: {  	v3 =	vadd.f32 v29, v13;
	v13 =	vld [tilespmem:$0x1F670];
	[tilespmem:$0x5690] =	vst v47  }
0x1db: {  	v46 =	vld.idx.msk [tilespmem:v37+s2+$0x0], $0xffff  }
0x1dc: {  	v45 =	vld.idx.msk [tilespmem:v37+s13+$0x0], $0xffff;
	v37 =	vadd.f32 $0.0e+00, v8  }
0x1dd: {  	v3 =	vadd.f32 v20, v3;
	v20 =	vld [tilespmem:$0x1F6E0]  }
0x1de: {  	v7 =	vadd.f32 v14, v37;
	v14 =	vadd.f32 v22, v5;
	v22 =	vld [tilespmem:$0x1F5D0]  }
0x1df: {  	v3 =	vadd.f32 v35, v3;
	v35 =	vld [tilespmem:$0x1F760]  }
0x1e0: {  	v16 =	vadd.f32 v24, v7;
	v24 =	vld [tilespmem:$0x1F5F0];
	[tilespmem:$0x4EA0] =	vst v46  }
0x1e1: {  	v4 =	vadd.f32 v30, v14;
	v14 =	vld [tilespmem:$0x1F680];
	[tilespmem:$0x56A0] =	vst v45  }
0x1e2: {  	v44 =	vld.idx.msk [tilespmem:v38+s2+$0x0], $0xffff  }
0x1e3: {  	v43 =	vld.idx.msk [tilespmem:v38+s13+$0x0], $0xffff;
	v38 =	vadd.f32 $0.0e+00, v9  }
0x1e4: {  	v4 =	vadd.f32 v21, v4;
	v21 =	vld [tilespmem:$0x1F6F0]  }
0x1e5: {  	v8 =	vadd.f32 v15, v38;
	v15 =	vadd.f32 v23, v6;
	v23 =	vld [tilespmem:$0x1F5E0]  }
0x1e6: {  	v6 =	vadd.f32 v32, v16;
	v32 =	vld [tilespmem:$0x1F620]  }
0x1e7: {  	v16 =	vld [tilespmem:$0x1F6A0]  }
0x1e8: {  	v4 =	vadd.f32 v36, v4;
	v36 =	vld [tilespmem:$0x1F770]  }
0x1e9: {  	v17 =	vadd.f32 v25, v8;
	v25 =	vld [tilespmem:$0x1F600];
	[tilespmem:$0x4EB0] =	vst v44  }
0x1ea: {  	v5 =	vadd.f32 v31, v15;
	v15 =	vld [tilespmem:$0x1F690];
	[tilespmem:$0x56B0] =	vst v43  }
0x1eb: {  	v42 =	vld.idx.msk [tilespmem:v39+s2+$0x0], $0xffff  }
0x1ec: {  	v41 =	vld.idx.msk [tilespmem:v39+s13+$0x0], $0xffff  }
0x1ed: {  	v7 =	vadd.f32 v33, v17;
	v17 =	vld [tilespmem:$0x1F6B0]  }
0x1ee: {  	v5 =	vadd.f32 v22, v5;
	v22 =	vld [tilespmem:$0x4720]  }
0x1ef: {  	v6 =	vadd.f32 v23, v6;
	v23 =	vld [tilespmem:$0x1F700]  }
0x1f0: {  	v7 =	vadd.f32 v24, v7;
	v24 =	vld [tilespmem:$0x1F710]  }
0x1f1: {  	v0 =	vadd.f32 v25, v0;
	v25 =	vld [tilespmem:$0x1F720]  }
0x1f2: {  	v2 =	vadd.f32 v15, v2;
	v15 =	vld [tilespmem:$0x1F7C0]  }
0x1f3: {  	v7 =	vadd.f32 v13, v7;
	v13 =	vld [tilespmem:$0x1F7A0]  }
0x1f4: {  	[tilespmem:$0x4EC0] =	vst v42;
	v0 =	vadd.f32 v14, v0;
	v14 =	vld [tilespmem:$0x1F7B0]  }
0x1f5: {  	[tilespmem:$0x56C0] =	vst v41;
	v3 =	vadd.f32 v17, v3;
	v17 =	vld [tilespmem:$0x1F7E0]  }
0x1f6: {  	v40 =	vld.idx.msk [tilespmem:v63+s2+$0x0], $0xffff  }
0x1f7: {  	v39 =	vld.idx.msk [tilespmem:v63+s13+$0x0], $0xffff  }
0x1f8: {  	v63 =	vld [tilespmem:$0x46F0]  }
0x1f9: {  	v7 =	vadd.f32 v21, v7;
	v21 =	vld [tilespmem:$0x1F810]  }
0x1fa: {  	v0 =	vadd.f32 v23, v0;
	v23 =	vld [tilespmem:$0x1F830]  }
0x1fb: {  	v2 =	vadd.f32 v24, v2;
	v24 =	vld [tilespmem:$0x1F840]  }
0x1fc: {  	v3 =	vadd.f32 v26, v3;
	v26 =	vld [tilespmem:$0x1F860];
	[tilespmem:$0x4ED0] =	vst v40  }
0x1fd: {  	v7 =	vadd.f32 v36, v7;
	v36 =	vld [tilespmem:$0x1F880];
	[tilespmem:$0x56D0] =	vst v39  }
0x1fe: {  	v38 =	vld.idx.msk [tilespmem:v1+s2+$0x0], $0xffff  }
0x1ff: {  	v37 =	vld.idx.msk [tilespmem:v1+s13+$0x0], $0xffff  }
0x200: {  	v1 =	vadd.f32 v28, v12;
	v12 =	vld [tilespmem:$0x1F660]  }
0x201: {  	v3 =	vadd.f32 v14, v3;
	v14 =	vld [tilespmem:$0x1F8C0]  }
0x202: {  	v28 =	vld [tilespmem:$0x1F750]  }
0x203: {  	v3 =	vadd.f32 v23, v3;
	v23 =	vld [tilespmem:$0x1F930]  }
0x204: {  	v1 =	vadd.f32 v19, v1;
	v19 =	vld [tilespmem:$0x1F6D0];
	[tilespmem:$0x4EE0] =	vst v38  }
0x205: {  	[tilespmem:$0x56E0] =	vst v37;
	v6 =	vadd.f32 v12, v6;
	v12 =	vld [tilespmem:$0x1F790]  }
0x206: {  	v34 =	vld.idx.msk [tilespmem:v63+s2+$0x0], $0xffff  }
0x207: {  	v1 =	vadd.f32 v32, v1;
	v33 =	vld.idx.msk [tilespmem:v63+s13+$0x0], $0xffff  }
0x208: {  	v63 =	vld [tilespmem:$0x1F650]  }
0x209: {  	v1 =	vadd.f32 v16, v1;
	v16 =	vld [tilespmem:$0x1F7D0]  }
0x20a: {  	v6 =	vadd.f32 v20, v6;
	v20 =	vld [tilespmem:$0x1F800]  }
0x20b: {  	v1 =	vadd.f32 v25, v1;
	v25 =	vld [tilespmem:$0x1F850]  }
0x20c: {  	v6 =	vadd.f32 v35, v6;
	v35 =	vld [tilespmem:$0x1F870]  }
0x20d: {  	v2 =	vadd.f32 v12, v2;
	v12 =	vld [tilespmem:$0x1F8A0]  }
0x20e: {  	v1 =	vadd.f32 v13, v1;
	v13 =	vld [tilespmem:$0x1F8B0]  }
0x20f: {  	[tilespmem:$0x4EF0] =	vst v34;
	v5 =	vadd.f32 v63, v5;
	v63 =	vld [tilespmem:$0x1F780]  }
0x210: {  	[tilespmem:$0x56F0] =	vst v33;
	v6 =	vadd.f32 v17, v6;
	v17 =	vld [tilespmem:$0x1F8F0]  }
0x211: {  	v32 =	vld.idx.msk [tilespmem:v18+s2+$0x0], $0xffff  }
0x212: {  	v31 =	vld.idx.msk [tilespmem:v18+s13+$0x0], $0xffff  }
0x213: {  	v18 =	vld [tilespmem:$0x1F6C0]  }
0x214: {  	v2 =	vadd.f32 v21, v2;
	v21 =	vld [tilespmem:$0x1F910]  }
0x215: {  	v5 =	vadd.f32 v19, v5;
	v19 =	vld [tilespmem:$0x1F7F0]  }
0x216: {  	v3 =	vadd.f32 v13, v3;
	v13 =	vld [tilespmem:$0x1F980]  }
0x217: {  	v5 =	vadd.f32 v28, v5;
	v0 =	vadd.f32 v63, v0;
	v63 =	vld [tilespmem:$0x1F890]  }
0x218: {  	v4 =	vadd.f32 v18, v4;
	[tilespmem:$0x4F00] =	vst v32;
	v18 =	vld [tilespmem:$0x4730]  }
0x219: {  	[tilespmem:$0x5700] =	vst v31;
	v5 =	vadd.f32 v16, v5;
	v16 =	vld [tilespmem:$0x1F8E0]  }
0x21a: {  	v30 =	vld.idx.msk [tilespmem:v27+s2+$0x0], $0xffff  }
0x21b: {  	v29 =	vld.idx.msk [tilespmem:v27+s13+$0x0], $0xffff  }
0x21c: {  	v27 =	vld [tilespmem:$0x1F740]  }
0x21d: {  	v7 =	vadd.f32 v19, v7;
	v19 =	vld [tilespmem:$0x4740]  }
0x21e: {  	v0 =	vadd.f32 v20, v0;
	v20 =	vld [tilespmem:$0x1F900]  }
0x21f: {  	v6 =	vadd.f32 v26, v6;
	v7 =	vadd.f32 v35, v7;
	v35 =	vld [tilespmem:$0x1F950]  }
0x220: {  	v0 =	vadd.f32 v36, v0;
	v36 =	vld [tilespmem:$0x1F960]  }
0x221: {  	v6 =	vadd.f32 v16, v6;
	v16 =	vld [tilespmem:$0x1F9B0]  }
0x222: {  	v2 =	vadd.f32 v63, v2;
	v7 =	vadd.f32 v17, v7;
	v17 =	vld [tilespmem:$0x1F9C0]  }
0x223: {  	[tilespmem:$0x4F10] =	vst v30;
	v0 =	vadd.f32 v20, v0;
	v20 =	vld [tilespmem:$0x1F9D0]  }
0x224: {  	[tilespmem:$0x5710] =	vst v29;
	v2 =	vadd.f32 v21, v2;
	v21 =	vld [tilespmem:$0x1F9E0]  }
0x225: {  	v28 =	vld.idx.msk [tilespmem:v22+s2+$0x0], $0xffff  }
0x226: {  	v4 =	vadd.f32 v27, v4;
	v27 =	vld.idx.msk [tilespmem:v22+s13+$0x0], $0xffff  }
0x227: {  	v22 =	vld [tilespmem:$0x1F820]  }
0x228: {  	v4 =	vadd.f32 v15, v4;
	v15 =	vld [tilespmem:$0x1F8D0]  }
0x229: {  	v63 =	vadd.f32 v36, v6;
	v6 =	vadd.f32 v13, v0;
	v0 =	vld [tilespmem:$0x4750]  }
0x22a: {  	v36 =	vld [tilespmem:$0x1FA10]  }
0x22b: {  	v3 =	vadd.f32 v23, v3;
	v13 =	vld [tilespmem:$0x1FA40]  }
0x22c: {  	v4 =	vadd.f32 v24, v4;
	v24 =	vld [tilespmem:$0x1F940]  }
0x22d: {  	v3 =	vadd.f32 v16, v3;
	v16 =	vld [tilespmem:$0x1FA60]  }
0x22e: {  	v1 =	vadd.f32 v22, v1;
	[tilespmem:$0x4F20] =	vst v28;
	v22 =	vld [tilespmem:$0x1F920]  }
0x22f: {  	[tilespmem:$0x5720] =	vst v27;
	v4 =	vadd.f32 v14, v4;
	v14 =	vld [tilespmem:$0x1F990]  }
0x230: {  	v5 =	vadd.f32 v25, v5;
	v26 =	vld.idx.msk [tilespmem:v18+s2+$0x0], $0xffff  }
0x231: {  	v25 =	vld.idx.msk [tilespmem:v18+s13+$0x0], $0xffff  }
0x232: {  	v5 =	vadd.f32 v15, v5;
	v15 =	vld [tilespmem:$0x1F9A0]  }
0x233: {  	v18 =	vadd.f32 v21, v63;
	v63 =	vld [tilespmem:$0x1FA20]  }
0x234: {  	v1 =	vadd.f32 v12, v1;
	v12 =	vld [tilespmem:$0x1F970]  }
0x235: {  	v4 =	vadd.f32 v24, v4;
	v5 =	vadd.f32 v35, v5;
	v35 =	vld [tilespmem:$0x1FA00]  }
0x236: {  	v1 =	vadd.f32 v22, v1;
	v22 =	vld [tilespmem:$0x1F9F0]  }
0x237: {  	v4 =	vadd.f32 v17, v4;
	v17 =	vld [tilespmem:$0x1FA70];
	[tilespmem:$0x4F30] =	vst v26  }
0x238: {  	v5 =	vadd.f32 v20, v5;
	v20 =	vld [tilespmem:$0x1FB20];
	[tilespmem:$0x5730] =	vst v25  }
0x239: {  	v24 =	vld.idx.msk [tilespmem:v19+s2+$0x0], $0xffff  }
0x23a: {  	v23 =	vld.idx.msk [tilespmem:v19+s13+$0x0], $0xffff  }
0x23b: {  	v1 =	vadd.f32 v15, v1;
	v15 =	vld [tilespmem:$0x1FA50]  }
0x23c: {  	v7 =	vadd.f32 v12, v7;
	v12 =	vadd.f32 v11, v3;
	v11 =	vld [tilespmem:$0x1FAB0]  }
0x23d: {  	v2 =	vadd.f32 v14, v2;
	v14 =	vadd.f32 v13, v4;
	v13 =	vld [tilespmem:$0x1FAD0]  }
0x23e: {  	v6 =	vadd.f32 v35, v6;
	v35 =	vld [tilespmem:$0x1FA80]  }
0x23f: {  	v8 =	vadd.f32 v63, v1;
	v1 =	vld [tilespmem:$0x4760]  }
0x240: {  	v63 =	vld [tilespmem:$0x1FA90];
	v7 =	vadd.f32 v22, v7  }
0x241: {  	v9 =	vadd.f32 v11, v12;
	v12 =	vld [tilespmem:$0x1FAC0]  }
0x242: {  	[tilespmem:$0x4F40] =	vst v24;
	v19 =	vadd.f32 v17, v7;
	v17 =	vld [tilespmem:$0x1FAF0]  }
0x243: {  	[tilespmem:$0x5740] =	vst v23;
	v11 =	vld [tilespmem:$0x1FB80]  }
0x244: {  	v22 =	vld.idx.msk [tilespmem:v0+s2+$0x0], $0xffff  }
0x245: {  	v2 =	vadd.f32 v36, v2;
	v36 =	vadd.f32 v35, v6;
	v6 =	vld [tilespmem:$0x1FAA0]  }
0x246: {  	v21 =	vld.idx.msk [tilespmem:v0+s13+$0x0], $0xffff  }
0x247: {  	v0 =	vadd.f32 v12, v14;
	v14 =	vld [tilespmem:$0x1FAE0]  }
0x248: {  	v5 =	vadd.f32 v15, v5;
	v35 =	vld [tilespmem:$0x1FB30]  }
0x249: {  	v3 =	vadd.f32 v63, v2;
	v63 =	vld [tilespmem:$0x1FB50]  }
0x24a: {  	v18 =	vadd.f32 v16, v18;
	v5 =	vadd.f32 v13, v5;
	v13 =	vld [tilespmem:$0x1FBA0]  }
0x24b: {  	v4 =	vadd.f32 v17, v19;
	v19 =	vld [tilespmem:$0x1FB10]  }
0x24c: {  	v15 =	vadd.f32 v14, v18;
	v18 =	vld [tilespmem:$0x1FB00]  }
0x24d: {  	v12 =	vld [tilespmem:$0x1FB90]  }
0x24e: {  	v17 =	vld [tilespmem:$0x1FBB0]  }
0x24f: {  	v2 =	vadd.f32 v6, v8;
	v6 =	vld [tilespmem:$0x1FB60]  }
0x250: {  	[tilespmem:$0x4F50] =	vst v22;
	v8 =	vld [tilespmem:$0x1FB70]  }
0x251: {  	[tilespmem:$0x5750] =	vst v21;
	v7 =	vadd.f32 v18, v36;
	v36 =	vld [tilespmem:$0x1FB40]  }
0x252: {  	v2 =	vadd.f32 v20, v2;
	v20 =	vld.idx.msk [tilespmem:v1+s2+$0x0], $0xffff  }
0x253: {  	v3 =	vadd.f32 v19, v3;
	v19 =	vld.idx.msk [tilespmem:v1+s13+$0x0], $0xffff  }
0x254: {  	v9 =	vadd.f32 v35, v9;
	v14 =	vadd.f32 $0.0e+00, v13;
	v13 =	vld [tilespmem:$0x1FC10]  }
0x255: {  	v4 =	vadd.f32 v8, v4;
	v8 =	vld [tilespmem:$0x1FBF0];
	v10 =	vadd.f32 v6, v15  }
0x256: {  	v6 =	vld [tilespmem:$0x1FBE0];
	v7 =	vadd.f32 v2, v7;
	v0 =	vadd.f32 v36, v0  }
0x257: {  	v5 =	vadd.f32 v63, v5;
	v9 =	vadd.f32 v9, v3;
	v18 =	vld [tilespmem:$0x4770]  }
0x258: {  	v15 =	vld [tilespmem:$0x1FC30];
	v0 =	vadd.f32 v0, v7  }
0x259: {  	v63 =	vadd.f32 $0.0e+00, v17;
	v9 =	vadd.f32 v5, v9;
	v5 =	vld [tilespmem:$0x1FBD0]  }
0x25a: {  	v35 =	vadd.f32 v10, v0;
	v0 =	vadd.f32 $0.0e+00, v11;
	v11 =	vld [tilespmem:$0x1FC00]  }
0x25b: {  	v6 =	vadd.f32 v6, v14;
	v14 =	vld [tilespmem:$0x1FC20]  }
0x25c: {  	v36 =	vadd.f32 v4, v9;
	v9 =	vadd.f32 v8, v63;
	v63 =	vld [tilespmem:$0x1FC40]  }
0x25d: {  	[tilespmem:$0x4F60] =	vst v20;
	v2 =	vadd.f32 $0.0e+00, v15;
	v15 =	vld [tilespmem:$0x1FCA0]  }
0x25e: {  	[tilespmem:$0x5760] =	vst v19;
	v4 =	vld [tilespmem:$0x1FBC0]  }
0x25f: {  	v1 =	vadd.f32 $0.0e+00, v12;
	v17 =	vld.idx.msk [tilespmem:v18+s2+$0x0], $0xffff;
	v12 =	vadd.f32 $0.0e+00, v11  }
0x260: {  	v16 =	vld.idx.msk [tilespmem:v18+s13+$0x0], $0xffff  }
0x261: {  	v18 =	vadd.f32 v63, v12;
	v63 =	vld [tilespmem:$0x1FCB0]  }
0x262: {  	v10 =	vld [tilespmem:$0x4780]  }
0x263: {  	v11 =	vld [tilespmem:$0x1FC60]  }
0x264: {  	v12 =	vld [tilespmem:$0x1FC70]  }
0x265: {  	v4 =	vadd.f32 v4, v0;
	v0 =	vadd.f32 $0.0e+00, v13;
	v13 =	vld [tilespmem:$0x1FC80]  }
0x266: {  	v9 =	vadd.f32 v63, v9;
	v63 =	vld [tilespmem:$0x1FCF0]  }
0x267: {  	v3 =	vadd.f32 v5, v1;
	v8 =	vld [tilespmem:$0x1FC50];
	v1 =	vadd.f32 $0.0e+00, v14  }
0x268: {  	v14 =	vld [tilespmem:$0x1FC90]  }
0x269: {  	v1 =	vadd.f32 v11, v1;
	v11 =	vld [tilespmem:$0x1FCC0];
	v2 =	vadd.f32 v12, v2  }
0x26a: {  	[tilespmem:$0x4F70] =	vst v17;
	v4 =	vadd.f32 v13, v4;
	v13 =	vld [tilespmem:$0x1FCE0]  }
0x26b: {  	[tilespmem:$0x5770] =	vst v16;
	v2 =	vadd.f32 v63, v2;
	v63 =	vld [tilespmem:$0x1FD40]  }
0x26c: {  	v6 =	vadd.f32 v15, v6;
	v15 =	vld.idx.msk [tilespmem:v10+s2+$0x0], $0xffff  }
0x26d: {  	v12 =	vld [tilespmem:$0x1FCD0]  }
0x26e: {  	v18 =	vadd.f32 v11, v18;
	v11 =	vld [tilespmem:$0x1FD10]  }
0x26f: {  	v3 =	vadd.f32 v14, v3;
	v14 =	vld.idx.msk [tilespmem:v10+s13+$0x0], $0xffff  }
0x270: {  	v18 =	vadd.f32 v63, v18;
	v63 =	vld [tilespmem:$0x1FD90]  }
0x271: {  	v5 =	vadd.f32 v8, v0;
	v10 =	vld [tilespmem:$0x1FD00]  }
0x272: {  	v1 =	vadd.f32 v13, v1;
	v13 =	vld [tilespmem:$0x1FD30]  }
0x273: {  	v5 =	vadd.f32 v12, v5;
	v12 =	vld [tilespmem:$0x1FD20];
	v3 =	vadd.f32 v11, v3;
	_ =	sdelay $0x1  }
0x274: {  	v3 =	vadd.f32 v63, v3;
	v63 =	vld [tilespmem:$0x1FDB0]  }
0x275: {  	v4 =	vadd.f32 v10, v4;
	v10 =	vld [tilespmem:$0x1FD50]  }
0x276: {  	v11 =	vld [tilespmem:$0x1FD60]  }
0x277: {  	v9 =	vadd.f32 v13, v9;
	v6 =	vadd.f32 v12, v6;
	v12 =	vld [tilespmem:$0x1FD70];
	_ =	sdelay $0x1  }
0x278: {  	v9 =	vadd.f32 v63, v9;
	v63 =	vld [tilespmem:$0x1FDE0];
	_ =	sdelay $0x1  }
0x279: {  	v7 =	vadd.f32 v10, v5  }
0x27a: {  	v5 =	vadd.f32 v11, v1;
	v2 =	vadd.f32 v12, v2;
	v12 =	vld [tilespmem:$0x1FDA0];
	_ =	sdelay $0x1  }
0x27b: {  	v5 =	vadd.f32 v63, v5;
	v63 =	vld [tilespmem:$0x1FE20];
	_ =	sdelay $0x2  }
0x27c: {  	v6 =	vadd.f32 v12, v6;
	_ =	sdelay $0x1  }
0x27d: {  	v6 =	vadd.f32 v63, v6;
	v63 =	vld [tilespmem:$0x1FE60];
	_ =	sdelay $0x1  }
0x27e: {  	v10 =	vld [tilespmem:$0x1FDC0]  }
0x27f: {  	v8 =	vld [tilespmem:$0x1FDF0];
	_ =	sdelay $0x1  }
0x280: {  	v5 =	vadd.f32 v63, v5;
	v63 =	vld [tilespmem:$0x1FE70]  }
0x281: {  	v13 =	vld [tilespmem:$0x1FD80]  }
0x282: {  	v18 =	vadd.f32 v10, v18;
	v10 =	vld [tilespmem:$0x1FE00]  }
0x283: {  	v11 =	vld [tilespmem:$0x1FDD0];
	v2 =	vadd.f32 v8, v2;
	_ =	sdelay $0x1  }
0x284: {  	v2 =	vadd.f32 v63, v2;
	v63 =	vld [tilespmem:$0x1FE80]  }
0x285: {  	v4 =	vadd.f32 v13, v4;
	_ =	sdelay $0x1  }
0x286: {  	v4 =	vadd.f32 v10, v4;
	v7 =	vadd.f32 v11, v7;
	v11 =	vld [tilespmem:$0x1FE10];
	_ =	sdelay $0x1  }
0x287: {  	v4 =	vadd.f32 v63, v4;
	v63 =	vld [tilespmem:$0x1FE90];
	_ =	sdelay $0x2  }
0x288: {  	v3 =	vadd.f32 v11, v3;
	_ =	sdelay $0x1  }
0x289: {  	v3 =	vadd.f32 v63, v3;
	v63 =	vld [tilespmem:$0x1FEA0];
	_ =	sdelay $0x2  }
0x28a: {  	v10 =	vld [tilespmem:$0x1FE40];
	_ =	sdelay $0x1  }
0x28b: {  	v6 =	vadd.f32 v63, v6;
	v63 =	vld [tilespmem:$0x1FEC0];
	_ =	sdelay $0x2  }
0x28c: {  	v18 =	vadd.f32 v10, v18;
	_ =	sdelay $0x1  }
0x28d: {  	v18 =	vadd.f32 v63, v18;
	v63 =	vld [tilespmem:$0x1FEE0];
	_ =	sdelay $0x4  }
0x28e: {  	v5 =	vadd.f32 v63, v5;
	v63 =	vld [tilespmem:$0x1FF00];
	_ =	sdelay $0x2  }
0x28f: {  	v8 =	vld [tilespmem:$0x1FE30];
	_ =	sdelay $0x1  }
0x290: {  	v4 =	vadd.f32 v63, v4;
	v63 =	vld [tilespmem:$0x1FF20];
	_ =	sdelay $0x2  }
0x291: {  	v9 =	vadd.f32 v8, v9;
	v8 =	vld [tilespmem:$0x1FEB0]  }
0x292: {  	v0 =	vld [tilespmem:$0x4790]  }
0x293: {  	v6 =	vadd.f32 v63, v6;
	v63 =	vld [tilespmem:$0x1FF40]  }
0x294: {  	v11 =	vld [tilespmem:$0x1FE50];
	_ =	sdelay $0x1  }
0x295: {  	v9 =	vadd.f32 v8, v9;
	v8 =	vld [tilespmem:$0x1FED0];
	_ =	sdelay $0x1  }
0x296: {  	[tilespmem:$0x4F80] =	vst v15;
	v18 =	vadd.f32 v63, v18;
	v63 =	vld [tilespmem:$0x1FF50]  }
0x297: {  	[tilespmem:$0x5780] =	vst v14;
	v7 =	vadd.f32 v11, v7  }
0x298: {  	v13 =	vld.idx.msk [tilespmem:v0+s2+$0x0], $0xffff  }
0x299: {  	v1 =	vld [tilespmem:$0x47A0];
	v7 =	vadd.f32 v8, v7  }
0x29a: {  	v8 =	vld [tilespmem:$0x1FEF0]  }
0x29b: {  	v7 =	vadd.f32 v63, v7;
	v63 =	vld [tilespmem:$0x1FF60]  }
0x29c: {  	v12 =	vld.idx.msk [tilespmem:v0+s13+$0x0], $0xffff;
	_ =	sdelay $0x2  }
0x29d: {  	v2 =	vadd.f32 v8, v2;
	v8 =	vld [tilespmem:$0x1FF10]  }
0x29e: {  	[tilespmem:$0x4F90] =	vst v13;
	v5 =	vadd.f32 v63, v5;
	v63 =	vld [tilespmem:$0x1FF70]  }
0x29f: {  	v0 =	vld [tilespmem:$0x47B0];
	[tilespmem:$0x5790] =	vst v12  }
0x2a0: {  	v10 =	vld.idx.msk [tilespmem:v1+s13+$0x0], $0xffff  }
0x2a1: {  	v11 =	vld.idx.msk [tilespmem:v1+s2+$0x0], $0xffff  }
0x2a2: {  	v3 =	vadd.f32 v8, v3;
	v8 =	vld [tilespmem:$0x1FF30]  }
0x2a3: {  	v2 =	vadd.f32 v63, v2;
	v63 =	vld [tilespmem:$0x1FF80];
	_ =	sdelay $0x1  }
0x2a4: {  	[tilespmem:$0x57A0] =	vst v10  }
0x2a5: {  	v1 =	vld [tilespmem:$0x47C0];
	[tilespmem:$0x4FA0] =	vst v11  }
0x2a6: {  	v9 =	vadd.f32 v8, v9;
	v8 =	vld.idx.msk [tilespmem:v0+s2+$0x0], $0xffff  }
0x2a7: {  	v18 =	vadd.f32 v62, v18;
	v4 =	vadd.f32 v63, v4;
	v63 =	vld [tilespmem:$0x1FF90]  }
0x2a8: {  	v0 =	vld.idx.msk [tilespmem:v0+s13+$0x0], $0xffff  }
0x2a9: {  	v18 =	vadd.f32 v54, v18;
	v7 =	vadd.f32 v61, v7;
	_ =	sdelay $0x1  }
0x2aa: {  	v18 =	vadd.f32 v46, v18;
	v7 =	vadd.f32 v53, v7  }
0x2ab: {  	[tilespmem:$0x4FB0] =	vst v8;
	v5 =	vadd.f32 v60, v5;
	v3 =	vadd.f32 v63, v3;
	v63 =	vld [tilespmem:$0x1FFA0]  }
0x2ac: {  	[tilespmem:$0x57B0] =	vst v0;
	v18 =	vadd.f32 v38, v18  }
0x2ad: {  	v62 =	vld.idx.msk [tilespmem:v1+s2+$0x0], $0xffff;
	v7 =	vadd.f32 v45, v7;
	v5 =	vadd.f32 v52, v5  }
0x2ae: {  	v61 =	vld [tilespmem:$0x47D0];
	v18 =	vadd.f32 v28, v18  }
0x2af: {  	v1 =	vld.idx.msk [tilespmem:v1+s13+$0x0], $0xffff;
	v7 =	vadd.f32 v37, v7;
	v5 =	vadd.f32 v44, v5  }
0x2b0: {  	v2 =	vadd.f32 v59, v2;
	v6 =	vadd.f32 v63, v6;
	v63 =	vld [tilespmem:$0x1FFB0]  }
0x2b1: {  	v18 =	vadd.f32 v20, v18;
	v7 =	vadd.f32 v27, v7  }
0x2b2: {  	v5 =	vadd.f32 v34, v5;
	v2 =	vadd.f32 v51, v2  }
0x2b3: {  	v11 =	vadd.f32 v11, v18;
	v7 =	vadd.f32 v19, v7  }
0x2b4: {  	[tilespmem:$0x4FC0] =	vst v62;
	v5 =	vadd.f32 v26, v5;
	v2 =	vadd.f32 v43, v2  }
0x2b5: {  	[tilespmem:$0x57C0] =	vst v1;
	v4 =	vadd.f32 v58, v4;
	v9 =	vadd.f32 v63, v9;
	v63 =	vld [tilespmem:$0x47E0]  }
0x2b6: {  	v45 =	vld.idx.msk [tilespmem:v61+s13+$0x0], $0xffff;
	v5 =	vadd.f32 v17, v5;
	v2 =	vadd.f32 v33, v2  }
0x2b7: {  	v44 =	vld.idx.msk [tilespmem:v61+s2+$0x0], $0xffff;
	v7 =	vadd.f32 v10, v7;
	v4 =	vadd.f32 v50, v4  }
0x2b8: {  	v5 =	vadd.f32 v8, v5;
	v2 =	vadd.f32 v25, v2  }
0x2b9: {  	v4 =	vadd.f32 v42, v4;
	v6 =	vadd.f32 v56, v6  }
0x2ba: {  	v3 =	vadd.f32 v57, v3;
	v9 =	vadd.f32 v55, v9  }
0x2bb: {  	[tilespmem:$0x57D0] =	vst v45;
	v2 =	vadd.f32 v16, v2;
	v6 =	vadd.f32 v48, v6  }
0x2bc: {  	v46 =	vld [tilespmem:$0x47F0];
	[tilespmem:$0x4FD0] =	vst v44;
	v3 =	vadd.f32 v49, v3;
	v9 =	vadd.f32 v47, v9  }
0x2bd: {  	v4 =	vadd.f32 v32, v4;
	v6 =	vadd.f32 v40, v6;
	v47 =	vld.idx.msk [tilespmem:v63+s2+$0x0], $0xffff  }
0x2be: {  	v3 =	vadd.f32 v41, v3;
	v9 =	vadd.f32 v39, v9;
	v48 =	vld.idx.msk [tilespmem:v63+s13+$0x0], $0xffff  }
0x2bf: {  	v0 =	vadd.f32 v0, v2;
	v6 =	vadd.f32 v30, v6  }
0x2c0: {  	v3 =	vadd.f32 v31, v3;
	v9 =	vadd.f32 v29, v9  }
0x2c1: {  	v4 =	vadd.f32 v24, v4;
	v6 =	vadd.f32 v22, v6  }
0x2c2: {  	v3 =	vadd.f32 v23, v3;
	v9 =	vadd.f32 v21, v9;
	[tilespmem:$0x4FE0] =	vst v47  }
0x2c3: {  	v4 =	vadd.f32 v15, v4;
	v6 =	vadd.f32 v13, v6;
	[tilespmem:$0x57E0] =	vst v48  }
0x2c4: {  	v3 =	vadd.f32 v14, v3;
	v9 =	vadd.f32 v12, v9;
	v49 =	vld.idx.msk [tilespmem:v46+s2+$0x0], $0xffff  }
0x2c5: {  	v50 =	vadd.f32 v62, v4;
	v51 =	vadd.f32 v44, v6  }
0x2c6: {  	v1 =	vadd.f32 v1, v3;
	v52 =	vld.idx.msk [tilespmem:v46+s13+$0x0], $0xffff;
	v53 =	vadd.f32 v45, v9  }
0x2c7: {  	v2 =	vadd.f32 v51, v50;
	v54 =	vadd.f32 v47, v11  }
0x2c8: {  	v55 =	vadd.f32 v48, v7;
	v1 =	vadd.f32 v53, v1  }
0x2c9: {  	(xrf2) =	vadd.scan.msk.f32 $0xffff, v35;
	v2 =	vadd.f32 v54, v2;
	v5 =	vadd.f32 v49, v5  }
0x2ca: {  	v1 =	vadd.f32 v55, v1  }
0x2cb: {  	(xrf2) =	vadd.scan.msk.f32 $0xffff, v36;
	v0 =	vadd.f32 v52, v0;
	v2 =	vadd.f32 v5, v2;
	_ =	sdelay $0x1  }
0x2cc: {  	v0 =	vadd.f32 v0, v1;
	(xrf2) =	vadd.scan.msk.f32 $0xffff, v2;
	_ =	sdelay $0x1  }
0x2cd: {  	(xrf2) =	vadd.scan.msk.f32 $0xffff, v0;
	_ =	sdelay $0x3  }
0x2ce: {  	v56, _, _ =	vpop (xrf2)  }
0x2cf: {  	(v2sf) =	vpush v56, $0xF  }
0x2d0: {  	v57, _, _ =	vpop (xrf2)  }
0x2d1: {  	(v2sf) =	vpush v57, $0xF  }
0x2d2: {  	v58, _, _ =	vpop (xrf2)  }
0x2d3: {  	(v2sf) =	vpush v58, $0xF  }
0x2d4: {  	v59, _, _ =	vpop (xrf2)  }
0x2d5: {  	(v2sf) =	vpush v59, $0xF;
	_ =	sdelay $0x8  }
0x2d6: {  	s24 =	spop (v2sf)  }
0x2d7: {  	s24 =	smul.f32 $9.765625000e-04, s24  }
0x2d8: {  	s25 =	spop (v2sf)  }
0x2d9: {  	s25 =	smul.f32 $9.765625000e-04, s25;
	v60 =	vmov s24  }
0x2da: {  	v0 =	vnsel vm0, $0x0, v60;
	s30 =	spop (v2sf)  }
0x2db: {  	v61 =	vmov s25;
	v0 =	vadd.f32 $0.0e+00, v0;
	s24 =	smul.f32 $9.765625000e-04, s30  }
0x2dc: {  	v1 =	vnsel vm1, $0x0, v61;
	s31 =	spop (v2sf)  }
0x2dd: {  	v0 =	vadd.f32 v1, v0;
	s25 =	smul.f32 $9.765625000e-04, s31;
	v62 =	vmov s24  }
0x2de: {  	v1 =	vnsel vm2, $0x0, v62  }
0x2df: {  	v63 =	vmov s25;
	v0 =	vadd.f32 v1, v0  }
0x2e0: {  	v1 =	vnsel vm3, $0x0, v63  }
0x2e1: {  	[tilespmem:$0x4FF0] =	vst v49;
	v0 =	vadd.f32 v1, v0  }
0x2e2: {  	[tilespmem:$0x57F0] =	vst v52  }
0x2e3: {  	[tilespmem:$0x5800] =	vst v0  }
0x2e4: {  	[hbm4b:s6+s2] =	stream.linear.scatter [tilespmem:s17], [sflag:$0x1], $0x800, $0x38;
	[tilespmem:$0x5960] =	vst v63  }
0x2e5: {  	_ = 	snop  }
0x2e6: {  	[hbm4b:s7+s2] =	stream.linear.scatter [tilespmem:s18], [sflag:$0x2], $0x800, $0x38;
	[tilespmem:$0x5960] =	vst v63  }
0x2e7: {  	_ = 	snop  }
0x2e8: {  	[spmem:s8] =	stream.linear.scatter [tilespmem:s19], [sflag:$0x4], $0x10, $0x38;
	[tilespmem:$0x5960] =	vst v63  }
0x2e9: {  	_ =	swait.ge [sflag:s20], $0x10  }
0x2ea: {  	[sflag:s20] =	ssyncset.done $0x0  }
0x2eb: {  	[sflag:s20] =	ssyncadd.s32 $0xFFFFFFF0  }
0x2ec: {  	[bflag:$0x0] =	sbarrier.arrive $0xFFFF  }
0x2ed: {  	[tilespmem:s21], [sflag:$0x4] =	stream.linear.gather @!p0 [spmem:s1], $0x100, $0x38;
	[tilespmem:$0x5960] =	vst v63  }
0x2ee: {  	_ =	swait.ge @!p0 [sflag:s20], $0x100  }
0x2ef: {  	v0 =	vld @!p0 [tilespmem:$0x1FFC0]  }
0x2f0: {  	v1 =	vld @!p0 [tilespmem:$0x1FFD0];
	_ =	sdelay $0x4  }
0x2f1: {  	[sflag:s20] =	ssyncset.done @!p0 $0x0  }
0x2f2: {  	[sflag:s20] =	ssyncadd.s32 @!p0 $0xFFFFFF00  }
0x2f3: {  	v0 =	vld.idx.msk @!p0 [tilespmem:v0+s21+$0x0], $0xffff  }
0x2f4: {  	v1 =	vld.idx.msk @!p0 [tilespmem:v1+s21+$0x0], $0xffff;
	_ =	sdelay $0x3  }
0x2f5: {  	[tilespmem:$0x5910] =	vst @!p0 v0;
	v0 =	vld @!p0 [tilespmem:$0x1FFE0]  }
0x2f6: {  	[tilespmem:$0x5930] =	vst @!p0 v1;
	v1 =	vld @!p0 [tilespmem:$0x1FFF0];
	_ =	sdelay $0x6  }
0x2f7: {  	v0 =	vld.idx.msk @!p0 [tilespmem:v0+s21+$0x0], $0xffff  }
0x2f8: {  	v1 =	vld.idx.msk @!p0 [tilespmem:v1+s21+$0x0], $0xffff;
	_ =	sdelay $0x3  }
0x2f9: {  	[tilespmem:$0x5920] =	vst @!p0 v0  }
0x2fa: {  	[tilespmem:$0x5940] =	vst @!p0 v1  }
0x2fb: {  	[hbm4b:s9+s2] =	stream.linear.scatter @!p0 [tilespmem:s22], [sflag:$0x4], $0x20, $0x38;
	[tilespmem:$0x5960] =	vst v63  }
0x2fc: {  	_ =	swait.ge @!p0 [sflag:s20], $0x20  }
0x2fd: {  	[sflag:s20] =	ssyncset.done @!p0 $0x0  }
0x2fe: {  	[sflag:s20] =	ssyncadd.s32 @!p0 $0xFFFFFFE0  }
0x2ff: {  	[hbm4b:s10+s2] =	stream.linear.scatter @!p0 [tilespmem:s23], [sflag:$0x4], $0x20, $0x38;
	[tilespmem:$0x5960] =	vst v63  }
0x300: {  	_ =	swait.ge @!p0 [sflag:s20], $0x20  }
0x301: {  	[sflag:s20] =	ssyncset.done @!p0 $0x0  }
0x302: {  	s11 =	sadd.s32 $0xFFFFFFFF, s11;
	[sflag:s20] =	ssyncadd.s32 @!p0 $0xFFFFFFE0  }
0x303: {  	p1 =	sne.s32 s11, $0x0;
	_ =	swait.ge [sflag:s14], $0x800  }
.Ltmp0:
0x304: {  	[sflag:s14] =	ssyncset.done $0x0;
	(pc) =	sbr.rel @p1 .LBB2_1-.Ltmp0, $4  }
0x305: {  	[sflag:s14] =	ssyncadd.s32 $0xFFFFF800  }
0x306: {  	_ =	swait.ge [sflag:s15], $0x800  }
0x307: {  	[sflag:s15] =	ssyncset.done $0x0  }
0x308: {  	[sflag:s15] =	ssyncadd.s32 $0xFFFFF800  }
0x309: {  	_ =	sfence.sel $0x180000  }
0x30a: {  	[bflag:$0x0] =	sbarrier.arrive $0xFFFF  }
0x30b: {  	_ =	strace $0x90000047  }
0x30c: {  	s0 =	sadd.s32 @!p0 $0x100000, s0;
	[bflag:$0x2] =	sbarrier.arrive $0xFFFF  }
0x30d: {  	[sflag:s0] =	ssyncadd.tile.s32 @!p0 $0x1;
	_ =	shalt  }
.Lfunc_end2:
_tile_overlayer_lowered:
.L_overlay_start_2:
0x30e: {  	(tag) =	ssettag $0x2  }
0x30f: {  	s0 =	rddreg [dreg:$0x0];
	s2 =	stileid.u32  }
0x310: {  	s1 =	rddreg [dreg:$0x1];
	p0 =	sne.s32 s2, $0x0  }
0x311: {  	s3 =	rddreg [dreg:$0x2];
	[bflag:$0x3] =	sbarrier.arrive $0xFFFF;
	s2 =	simm.s32 @!p0 $0x1C04  }
0x312: {  	[timem:s3], [sflag:s2] =	dma.local @!p0 [hbm:s0], s1  }
0x313: {  	s0 =	simm.s32 @!p0 $0x4  }
0x314: {  	_ =	swait.ge @!p0 [sflag:s0], s1  }
0x315: {  	s1 =	ssub.s32 @!p0 $0x0, s1;
	[sflag:s0] =	ssyncset.done @!p0 $0x0  }
0x316: {  	[sflag:s0] =	ssyncadd.s32 @!p0 s1  }
0x317: {  	[bflag:$0x3] =	sbarrier.arrive $0xFFFF  }
0x318: {  	_ =	shalt  }

</sc_bundles>
